<compile_context>
chip_gen: v7x
topology: tpu7x:2x2x1
jax: 0.10.2.dev20260603
libtpu: 0.0.44.dev20260713+nightly
codegen_flags: <defaults>
</compile_context>

<pallas_src>
import functools

import jax
import jax.numpy as jnp
from jax import lax
from jax.experimental import pallas as pl
from jax.experimental.pallas import tpu as pltpu
from jax.experimental.pallas import tpu_sc as plsc

NC = 2
NS = 16
EK = 128
PAD = 1024


def _spmm_sc(g, z, src, dst, do_gather=True):
    N, D = g.shape
    CPT = src.shape[1]

    G = N // 8
    base_g = G // NS
    rem = G - base_g * NS

    def _row_ranges(sid, fn):
        if rem:
            @pl.when(sid < rem)
            def _():
                fn(sid * (base_g + 1) * 8, (base_g + 1) * 8)

            @pl.when(sid >= rem)
            def _():
                fn((rem * (base_g + 1) + (sid - rem) * base_g) * 8, base_g * 8)
        else:
            fn(sid * base_g * 8, base_g * 8)

    mesh = plsc.VectorSubcoreMesh(core_axis_name="c", subcore_axis_name="s")

    if not do_gather:
        @functools.partial(
            pl.kernel,
            mesh=mesh,
            out_type=jax.ShapeDtypeStruct((NC, N, D), jnp.float32),
            scratch_types=[
                pltpu.VMEM((CPT, EK), jnp.int32),
                pltpu.VMEM((EK, D), jnp.float32),
                pltpu.VMEM_SHARED((N + PAD, D), jnp.float32),
                pltpu.SemaphoreType.DMA,
            ],
        )
        def kd(g_hbm, z_hbm, src_hbm, dst_hbm, out_hbm, dst_v, rows0, acc,
               sem):
            cid = lax.axis_index("c")
            sid = lax.axis_index("s")
            wid = cid * NS + sid
            pltpu.async_copy(dst_hbm.at[wid], dst_v, sem)

            @pl.when(cid == 0)
            def _():
                _row_ranges(sid, lambda off, cnt: pltpu.sync_copy(
                    g_hbm.at[pl.ds(off, cnt)], acc.at[pl.ds(off, cnt)]))

            @pl.when(cid == 1)
            def _():
                _row_ranges(sid, lambda off, cnt: pltpu.sync_copy(
                    z_hbm.at[pl.ds(off, cnt)], acc.at[pl.ds(off, cnt)]))

            def fill(r, carry):
                for j in range(D // 16):
                    rows0[r, pl.ds(j * 16, 16)] = jnp.full((16,), 1.0,
                                                           jnp.float32)
                return carry
            lax.fori_loop(0, EK, fill, 0)
            pltpu.make_async_copy(dst_hbm.at[wid], dst_v, sem).wait()
            plsc.subcore_barrier()

            def fire(i, carry):
                pltpu.async_copy(rows0, acc.at[dst_v.at[i]], sem, add=True)
                return carry

            lax.fori_loop(0, CPT, fire, 0)

            def drain(i, carry):
                pltpu.make_async_copy(rows0, acc.at[dst_v.at[0]], sem).wait()
                return carry

            lax.fori_loop(0, CPT, drain, 0)
            plsc.subcore_barrier()
            _row_ranges(sid, lambda off, cnt: pltpu.sync_copy(
                acc.at[pl.ds(off, cnt)], out_hbm.at[cid, pl.ds(off, cnt)]))

        return kd(g, z, src, dst)

    NP = CPT // 2
    NQ = NP // 2
    srcq = src.reshape(NC * NS, NP, 2, EK)
    dstq = dst.reshape(NC * NS, NP, 2, EK)

    @functools.partial(
        pl.kernel,
        mesh=mesh,
        out_type=jax.ShapeDtypeStruct((NC, N, D), jnp.float32),
        scratch_types=[
            pltpu.VMEM((2, EK), jnp.int32),
            pltpu.VMEM((2, EK), jnp.int32),
            pltpu.VMEM((2, EK), jnp.int32),
            pltpu.VMEM((2, EK), jnp.int32),
            pltpu.VMEM((EK, D), jnp.float32),
            pltpu.VMEM((EK, D), jnp.float32),
            pltpu.VMEM_SHARED((N + PAD, D), jnp.float32),
            pltpu.SemaphoreType.DMA,
            pltpu.SemaphoreType.DMA,
            pltpu.SemaphoreType.DMA,
        ],
    )
    def k(g_hbm, z_hbm, srcq_hbm, dstq_hbm, out_hbm, sA, dA, sB, dB, rows0,
          rows1, acc, gsem, isem, ssem):
        cid = lax.axis_index("c")
        sid = lax.axis_index("s")
        wid = cid * NS + sid

        def iload(p, s, d):
            pltpu.async_copy(srcq_hbm.at[wid, p], s, isem)
            pltpu.async_copy(dstq_hbm.at[wid, p], d, isem)

        def iwait(p, s, d):
            pltpu.make_async_copy(srcq_hbm.at[wid, p], s, isem).wait()
            pltpu.make_async_copy(dstq_hbm.at[wid, p], d, isem).wait()

        def gather(s, b, buf):
            pltpu.async_copy(g_hbm.at[s.at[b]], buf, gsem)

        def gwait(s, b, buf):
            pltpu.make_async_copy(g_hbm.at[s.at[b]], buf, gsem).wait()

        def scat(buf, d, b):
            pltpu.async_copy(buf, acc.at[d.at[b]], ssem, add=True)

        def swait():
            pltpu.make_async_copy(rows0, acc.at[dA.at[0]], ssem).wait()

        iload(0, sA, dA)
        @pl.when(cid == 0)
        def _():
            _row_ranges(sid, lambda off, cnt: pltpu.sync_copy(
                g_hbm.at[pl.ds(off, cnt)], acc.at[pl.ds(off, cnt)]))

        @pl.when(cid == 1)
        def _():
            _row_ranges(sid, lambda off, cnt: pltpu.sync_copy(
                z_hbm.at[pl.ds(off, cnt)], acc.at[pl.ds(off, cnt)]))

        iwait(0, sA, dA)
        plsc.subcore_barrier()
        gather(sA, 0, rows0)
        iload(1, sB, dB)

        def quad(q, carry):
            pa = 2 * q
            pb = 2 * q + 1
            gwait(sA, 0, rows0)
            scat(rows0, dA, 0)

            @pl.when(q > 0)
            def _():
                swait()
                iload(pb, sB, dB)

            gather(sA, 1, rows1)
            gwait(sA, 1, rows1)
            scat(rows1, dA, 1)
            swait()
            iwait(pb, sB, dB)
            gather(sB, 0, rows0)
            gwait(sB, 0, rows0)
            scat(rows0, dB, 0)
            swait()

            @pl.when(q < NQ - 1)
            def _():
                iload(pa + 2, sA, dA)

            gather(sB, 1, rows1)
            gwait(sB, 1, rows1)
            scat(rows1, dB, 1)
            swait()

            @pl.when(q < NQ - 1)
            def _():
                iwait(pa + 2, sA, dA)
                gather(sA, 0, rows0)

            return carry

        lax.fori_loop(0, NQ, quad, 0)
        swait()
        plsc.subcore_barrier()
        _row_ranges(sid, lambda off, cnt: pltpu.sync_copy(
            acc.at[pl.ds(off, cnt)], out_hbm.at[cid, pl.ds(off, cnt)]))

    return k(g, z, srcq, dstq)


_BN = 2000


def _tc_first(deg_p, x, W0):
    N, D = x.shape
    H = W0.shape[1]

    def body(dp_ref, x_ref, w_ref, g_ref, dinvc_ref):
        deg = dp_ref[0, :, 0:1] + dp_ref[1, :, 0:1]
        dinv = lax.rsqrt(deg)
        hw = jnp.dot(x_ref[...], w_ref[...], preferred_element_type=jnp.float32)
        g_ref[...] = hw * dinv
        dinvc_ref[...] = dinv

    return pl.pallas_call(
        body,
        grid=(N // _BN,),
        in_specs=[
            pl.BlockSpec((NC, _BN, 16), lambda i: (0, i, 0)),
            pl.BlockSpec((_BN, D), lambda i: (i, 0)),
            pl.BlockSpec((D, H), lambda i: (0, 0)),
        ],
        out_specs=[
            pl.BlockSpec((_BN, H), lambda i: (i, 0)),
            pl.BlockSpec((_BN, 1), lambda i: (i, 0)),
        ],
        out_shape=[
            jax.ShapeDtypeStruct((N, H), jnp.float32),
            jax.ShapeDtypeStruct((N, 1), jnp.float32),
        ],
    )(deg_p, x, W0)


def _tc_mid(sp, dinvc, b, Wn):
    NCp, N, H = sp.shape

    def body(sp_ref, dinvc_ref, b_ref, w_ref, h_ref, g_ref):
        dinv = dinvc_ref[...]
        s = sp_ref[0] + sp_ref[1]
        h = jnp.maximum(dinv * s + b_ref[...], 0.0)
        h_ref[...] = h
        g_ref[...] = jnp.dot(h, w_ref[...], preferred_element_type=jnp.float32) * dinv

    return pl.pallas_call(
        body,
        grid=(N // _BN,),
        in_specs=[
            pl.BlockSpec((NC, _BN, H), lambda i: (0, i, 0)),
            pl.BlockSpec((_BN, 1), lambda i: (i, 0)),
            pl.BlockSpec((1, H), lambda i: (0, 0)),
            pl.BlockSpec((H, H), lambda i: (0, 0)),
        ],
        out_specs=[
            pl.BlockSpec((_BN, H), lambda i: (i, 0)),
            pl.BlockSpec((_BN, H), lambda i: (i, 0)),
        ],
        out_shape=[
            jax.ShapeDtypeStruct((N, H), jnp.float32),
            jax.ShapeDtypeStruct((N, H), jnp.float32),
        ],
    )(sp, dinvc, b, Wn)


def _tc_last(sp, dinvc, b, h1, h2, Wjk, bjk):
    NCp, N, H = sp.shape
    O = Wjk.shape[1]

    def body(sp_ref, dinvc_ref, b_ref, h1_ref, h2_ref, wjk_ref,
             bjk_ref, out_ref):
        dinv = dinvc_ref[...]
        s = sp_ref[0] + sp_ref[1]
        h3 = jnp.maximum(dinv * s + b_ref[...], 0.0)
        jk = (h1_ref[...] + h2_ref[...] + h3) * (1.0 / 3.0)
        out_ref[...] = (
            jnp.dot(jk, wjk_ref[...], preferred_element_type=jnp.float32)
            + bjk_ref[...]
        )

    return pl.pallas_call(
        body,
        grid=(N // _BN,),
        in_specs=[
            pl.BlockSpec((NC, _BN, H), lambda i: (0, i, 0)),
            pl.BlockSpec((_BN, 1), lambda i: (i, 0)),
            pl.BlockSpec((1, H), lambda i: (0, 0)),
            pl.BlockSpec((_BN, H), lambda i: (i, 0)),
            pl.BlockSpec((_BN, H), lambda i: (i, 0)),
            pl.BlockSpec((H, O), lambda i: (0, 0)),
            pl.BlockSpec((1, O), lambda i: (0, 0)),
        ],
        out_specs=pl.BlockSpec((_BN, O), lambda i: (i, 0)),
        out_shape=jax.ShapeDtypeStruct((N, O), jnp.float32),
    )(sp, dinvc, b, h1, h2, Wjk, bjk)


def kernel(x, edge_index, W0, b0, W1, b1, W2, b2, Wjk, bjk):
    N = x.shape[0]
    E = edge_index.shape[1]
    ei = edge_index.astype(jnp.int32)

    CPT = 2 * pl.cdiv(E, 2 * NC * NS * EK)
    Ep = NC * NS * CPT * EK
    src = jnp.concatenate(
        [ei[0], jnp.arange(Ep - E, dtype=jnp.int32) % N])
    dst = jnp.concatenate(
        [ei[1], N + (jnp.arange(Ep - E, dtype=jnp.int32) % PAD)])
    src = src.reshape(NC * NS, CPT, EK)
    dst = dst.reshape(NC * NS, CPT, EK)

    ones16 = jnp.ones((N, 16), jnp.float32)
    z16 = jnp.zeros((N, 16), jnp.float32)
    z = jnp.zeros((N, W0.shape[1]), jnp.float32)
    deg_p = _spmm_sc(ones16, z16, src, dst, do_gather=False)

    g0, dinvc = _tc_first(deg_p, x, W0)
    sp0 = _spmm_sc(g0, z, src, dst)
    h1, g1 = _tc_mid(sp0, dinvc, b0.reshape(1, -1), W1)
    sp1 = _spmm_sc(g1, z, src, dst)
    h2, g2 = _tc_mid(sp1, dinvc, b1.reshape(1, -1), W2)
    sp2 = _spmm_sc(g2, z, src, dst)
    return _tc_last(sp2, dinvc, b2.reshape(1, -1), h1, h2, Wjk,
                    bjk.reshape(1, -1))

# --- scband reference (transcript-rebuilt; emitter-appended) ---
"""Pipeline reference for scband-gcn-with-jk-24120536334778 (READ-ONLY COPY).

The authoritative reference and input builder live on the scoring server;
editing this copy changes nothing except your own understanding.
"""

import jax, jax.numpy as jnp
import numpy as np

N = 10000
E = 320000
D = 128
H = 128
O = 128


def setup_inputs(seed: int = 0) -> dict:
    key = jax.random.key(seed)
    ks = jax.random.split(key, 12)
    x = jax.random.normal(ks[0], (N, D), dtype=jnp.float32)
    edge_index = jax.random.randint(ks[1], (2, E), 0, N, dtype=jnp.int64)
    s = 1.0 / np.sqrt(D)
    W0 = jax.random.uniform(ks[2], (D, H), jnp.float32, -s, s)
    b0 = jnp.zeros((H,), jnp.float32)
    W1 = jax.random.uniform(ks[3], (H, H), jnp.float32, -s, s)
    b1 = jnp.zeros((H,), jnp.float32)
    W2 = jax.random.uniform(ks[4], (H, H), jnp.float32, -s, s)
    b2 = jnp.zeros((H,), jnp.float32)
    Wjk = jax.random.uniform(ks[5], (H, O), jnp.float32, -s, s)
    bjk = jnp.zeros((O,), jnp.float32)
    return {"x": x, "edge_index": edge_index, "W0": W0, "b0": b0, "W1": W1, "b1": b1, "W2": W2, "b2": b2, "Wjk": Wjk, "bjk": bjk}


def _gcn_layer(h, src, dst, norm, n_nodes, W, b):
    h = h @ W
    msg = h[src] * norm[:, None]
    out = jnp.zeros((n_nodes, W.shape[1]), h.dtype).at[dst].add(msg)
    return out + b


def reference(x, edge_index, W0, b0, W1, b1, W2, b2, Wjk, bjk):
    n_nodes = x.shape[0]
    loop = jnp.arange(n_nodes, dtype=edge_index.dtype)
    src = jnp.concatenate([edge_index[0], loop])
    dst = jnp.concatenate([edge_index[1], loop])
    # symmetric GCN normalization with self-loops
    deg = jnp.zeros((n_nodes,), jnp.float32).at[dst].add(1.0)
    dinv = jax.lax.rsqrt(jnp.maximum(deg, 1.0))
    norm = dinv[src] * dinv[dst]
    h = x
    layer_outs = []
    for W, b in ((W0, b0), (W1, b1), (W2, b2)):
        h = _gcn_layer(h, src, dst, norm, n_nodes, W, b)
        h = jax.nn.relu(h)
        layer_outs.append(h)
    # Jumping Knowledge aggregation, mode='mean'
    jk = jnp.mean(jnp.stack(layer_outs, axis=0), axis=0)
    return jk @ Wjk + bjk

if __name__ == "__main__":
    import jax
    _d = setup_inputs()
    print(jax.jit(kernel)(*tuple(_d.values())))

</pallas_src>

<mosaic_0001>
#map = affine_map<(d0, d1) -> (0, 0)>
#map1 = affine_map<(d0, d1) -> (0, 0, 0, 0)>
#map2 = affine_map<(d0, d1) -> (0, 0, 0)>
module attributes {stable_mosaic.version = 14 : i64} {
  func.func @k(%arg0: i32, %arg1: i32, %arg2: memref<10000x128xf32, #tpu.memory_space<hbm>>, %arg3: memref<10000x128xf32, #tpu.memory_space<hbm>>, %arg4: memref<32x40x2x128xi32, #tpu.memory_space<hbm>>, %arg5: memref<32x40x2x128xi32, #tpu.memory_space<hbm>>, %arg6: memref<2x10000x128xf32, #tpu.memory_space<hbm>>, %arg7: memref<2x128xi32, #tpu.memory_space<vmem>>, %arg8: memref<2x128xi32, #tpu.memory_space<vmem>>, %arg9: memref<2x128xi32, #tpu.memory_space<vmem>>, %arg10: memref<2x128xi32, #tpu.memory_space<vmem>>, %arg11: memref<128x128xf32, #tpu.memory_space<vmem>>, %arg12: memref<128x128xf32, #tpu.memory_space<vmem>>, %arg13: memref<11024x128xf32, #tpu.memory_space<vmem_shared>>, %arg14: memref<!tpu.dma_semaphore, #tpu.memory_space<semaphore_mem>>, %arg15: memref<!tpu.dma_semaphore, #tpu.memory_space<semaphore_mem>>, %arg16: memref<!tpu.dma_semaphore, #tpu.memory_space<semaphore_mem>>) attributes {dimension_semantics = [#tpu.dimension_semantics<core_parallel>, #tpu.dimension_semantics<subcore_parallel>], iteration_bounds = array<i64: 2, 16>, scalar_prefetch = 0 : i64, scratch_operands = 10 : i64, tpu.core_type = #tpu.core_type<sc_vector_subcore>, window_params = [{transform_indices = #map}, {transform_indices = #map}, {transform_indices = #map1}, {transform_indices = #map1}, {transform_indices = #map2}]} {
    %mul3A = arith.constant 16 : i32
    %mul3A_0 = arith.muli %arg0, %mul3A : i32
    %add3A = arith.addi %mul3A_0, %arg1 : i32
    %dma_start3A = arith.constant 0 : i32
    %dma_start3A_1 = arith.constant 0 : i32
    %dma_start3A_2 = arith.constant 0 : i32
    %dma_start3A_3 = tpu.memref_slice %arg4[%add3A, %dma_start3A, %dma_start3A_1, %dma_start3A_2] : memref<32x40x2x128xi32, #tpu.memory_space<hbm>> -> memref<1x1x2x128xi32, #tpu.memory_space<hbm>>
    %dma_start3A_4 = tpu.memref_squeeze %dma_start3A_3 : memref<1x1x2x128xi32, #tpu.memory_space<hbm>> -> memref<2x128xi32, #tpu.memory_space<hbm>>
    %dma_start3A_5 = arith.constant 0 : i32
    %dma_start3A_6 = arith.constant 0 : i32
    %dma_start3A_7 = tpu.memref_slice %arg4[%add3A, %dma_start3A, %dma_start3A_5, %dma_start3A_6] : memref<32x40x2x128xi32, #tpu.memory_space<hbm>> -> memref<1x1x2x128xi32, #tpu.memory_space<hbm>>
    %dma_start3A_8 = tpu.memref_squeeze %dma_start3A_7 : memref<1x1x2x128xi32, #tpu.memory_space<hbm>> -> memref<2x128xi32, #tpu.memory_space<hbm>>
    tpu.enqueue_dma source(%dma_start3A_8 : memref<2x128xi32, #tpu.memory_space<hbm>>) target(%arg7 : memref<2x128xi32, #tpu.memory_space<vmem>>) target_semaphore(%arg15 : memref<!tpu.dma_semaphore, #tpu.memory_space<semaphore_mem>>)
    %dma_start3A_9 = arith.constant 0 : i32
    %dma_start3A_10 = arith.constant 0 : i32
    %dma_start3A_11 = arith.constant 0 : i32
    %dma_start3A_12 = tpu.memref_slice %arg5[%add3A, %dma_start3A_9, %dma_start3A_10, %dma_start3A_11] : memref<32x40x2x128xi32, #tpu.memory_space<hbm>> -> memref<1x1x2x128xi32, #tpu.memory_space<hbm>>
    %dma_start3A_13 = tpu.memref_squeeze %dma_start3A_12 : memref<1x1x2x128xi32, #tpu.memory_space<hbm>> -> memref<2x128xi32, #tpu.memory_space<hbm>>
    %dma_start3A_14 = arith.constant 0 : i32
    %dma_start3A_15 = arith.constant 0 : i32
    %dma_start3A_16 = tpu.memref_slice %arg5[%add3A, %dma_start3A_9, %dma_start3A_14, %dma_start3A_15] : memref<32x40x2x128xi32, #tpu.memory_space<hbm>> -> memref<1x1x2x128xi32, #tpu.memory_space<hbm>>
    %dma_start3A_17 = tpu.memref_squeeze %dma_start3A_16 : memref<1x1x2x128xi32, #tpu.memory_space<hbm>> -> memref<2x128xi32, #tpu.memory_space<hbm>>
    tpu.enqueue_dma source(%dma_start3A_17 : memref<2x128xi32, #tpu.memory_space<hbm>>) target(%arg8 : memref<2x128xi32, #tpu.memory_space<vmem>>) target_semaphore(%arg15 : memref<!tpu.dma_semaphore, #tpu.memory_space<semaphore_mem>>)
    %eq3A = arith.constant 0 : i32
    %eq3A_18 = arith.cmpi eq, %arg0, %eq3A : i32
    %convert_element_type3A = arith.extui %eq3A_18 : i1 to i32
    %cond3A = arith.constant 0 : i32
    %cond3A_19 = arith.cmpi ne, %convert_element_type3A, %cond3A : i32
    scf.if %cond3A_19 {
      %lt3A_88 = arith.constant 2 : i32
      %lt3A_89 = arith.cmpi slt, %arg1, %lt3A_88 : i32
      %convert_element_type3A_90 = arith.extui %lt3A_89 : i1 to i32
      %cond3A_91 = arith.constant 0 : i32
      %cond3A_92 = arith.cmpi ne, %convert_element_type3A_90, %cond3A_91 : i32
      scf.if %cond3A_92 {
        %mul3A_98 = arith.constant 79 : i32
        %mul3A_99 = arith.muli %arg1, %mul3A_98 : i32
        %mul3A_100 = arith.constant 8 : i32
        %mul3A_101 = arith.muli %mul3A_99, %mul3A_100 : i32
        "tpu.region"() ({
          %run_scoped3A = tpu.sem_alloc : memref<!tpu.dma_semaphore, #tpu.memory_space<semaphore_mem>>
          %dma_start3A_102 = arith.constant 0 : i32
          %dma_start3A_103 = tpu.memref_slice %arg13[%mul3A_101, %dma_start3A_102] : memref<11024x128xf32, #tpu.memory_space<vmem_shared>> -> memref<632x128xf32, #tpu.memory_space<vmem_shared>>
          %dma_start3A_104 = arith.constant 0 : i32
          %dma_start3A_105 = tpu.memref_slice %arg2[%mul3A_101, %dma_start3A_104] : memref<10000x128xf32, #tpu.memory_space<hbm>> -> memref<632x128xf32, #tpu.memory_space<hbm>>
          tpu.enqueue_dma source(%dma_start3A_105 : memref<632x128xf32, #tpu.memory_space<hbm>>) target(%dma_start3A_103 : memref<632x128xf32, #tpu.memory_space<vmem_shared>>) target_semaphore(%run_scoped3A : memref<!tpu.dma_semaphore, #tpu.memory_space<semaphore_mem>>)
          %dma_wait3A_106 = arith.constant 0 : i32
          %dma_wait3A_107 = tpu.memref_slice %arg13[%mul3A_101, %dma_wait3A_106] : memref<11024x128xf32, #tpu.memory_space<vmem_shared>> -> memref<632x128xf32, #tpu.memory_space<vmem_shared>>
          %dma_wait3A_108 = arith.constant 0 : i32
          %dma_wait3A_109 = tpu.memref_slice %arg2[%mul3A_101, %dma_wait3A_108] : memref<10000x128xf32, #tpu.memory_space<hbm>> -> memref<632x128xf32, #tpu.memory_space<hbm>>
          tpu.wait_dma2 semaphore(%run_scoped3A : memref<!tpu.dma_semaphore, #tpu.memory_space<semaphore_mem>>) src(%dma_wait3A_109 : memref<632x128xf32, #tpu.memory_space<hbm>>) dst(%dma_wait3A_107 : memref<632x128xf32, #tpu.memory_space<vmem_shared>>)
          tpu.yield
        }) : () -> ()
      } else {
      }
      %ge3A_93 = arith.constant 2 : i32
      %ge3A_94 = arith.cmpi sge, %arg1, %ge3A_93 : i32
      %convert_element_type3A_95 = arith.extui %ge3A_94 : i1 to i32
      %cond3A_96 = arith.constant 0 : i32
      %cond3A_97 = arith.cmpi ne, %convert_element_type3A_95, %cond3A_96 : i32
      scf.if %cond3A_97 {
        %sub3A = arith.constant 2 : i32
        %sub3A_98 = arith.subi %arg1, %sub3A : i32
        %mul3A_99 = arith.constant 78 : i32
        %mul3A_100 = arith.muli %sub3A_98, %mul3A_99 : i32
        %add3A_101 = arith.constant 158 : i32
        %add3A_102 = arith.addi %add3A_101, %mul3A_100 : i32
        %mul3A_103 = arith.constant 8 : i32
        %mul3A_104 = arith.muli %add3A_102, %mul3A_103 : i32
        "tpu.region"() ({
          %run_scoped3A = tpu.sem_alloc : memref<!tpu.dma_semaphore, #tpu.memory_space<semaphore_mem>>
          %dma_start3A_105 = arith.constant 0 : i32
          %dma_start3A_106 = tpu.memref_slice %arg13[%mul3A_104, %dma_start3A_105] : memref<11024x128xf32, #tpu.memory_space<vmem_shared>> -> memref<624x128xf32, #tpu.memory_space<vmem_shared>>
          %dma_start3A_107 = arith.constant 0 : i32
          %dma_start3A_108 = tpu.memref_slice %arg2[%mul3A_104, %dma_start3A_107] : memref<10000x128xf32, #tpu.memory_space<hbm>> -> memref<624x128xf32, #tpu.memory_space<hbm>>
          tpu.enqueue_dma source(%dma_start3A_108 : memref<624x128xf32, #tpu.memory_space<hbm>>) target(%dma_start3A_106 : memref<624x128xf32, #tpu.memory_space<vmem_shared>>) target_semaphore(%run_scoped3A : memref<!tpu.dma_semaphore, #tpu.memory_space<semaphore_mem>>)
          %dma_wait3A_109 = arith.constant 0 : i32
          %dma_wait3A_110 = tpu.memref_slice %arg13[%mul3A_104, %dma_wait3A_109] : memref<11024x128xf32, #tpu.memory_space<vmem_shared>> -> memref<624x128xf32, #tpu.memory_space<vmem_shared>>
          %dma_wait3A_111 = arith.constant 0 : i32
          %dma_wait3A_112 = tpu.memref_slice %arg2[%mul3A_104, %dma_wait3A_111] : memref<10000x128xf32, #tpu.memory_space<hbm>> -> memref<624x128xf32, #tpu.memory_space<hbm>>
          tpu.wait_dma2 semaphore(%run_scoped3A : memref<!tpu.dma_semaphore, #tpu.memory_space<semaphore_mem>>) src(%dma_wait3A_112 : memref<624x128xf32, #tpu.memory_space<hbm>>) dst(%dma_wait3A_110 : memref<624x128xf32, #tpu.memory_space<vmem_shared>>)
          tpu.yield
        }) : () -> ()
      } else {
      }
    } else {
    }
    %eq3A_20 = arith.constant 1 : i32
    %eq3A_21 = arith.cmpi eq, %arg0, %eq3A_20 : i32
    %convert_element_type3A_22 = arith.extui %eq3A_21 : i1 to i32
    %cond3A_23 = arith.constant 0 : i32
    %cond3A_24 = arith.cmpi ne, %convert_element_type3A_22, %cond3A_23 : i32
    scf.if %cond3A_24 {
      %lt3A_88 = arith.constant 2 : i32
      %lt3A_89 = arith.cmpi slt, %arg1, %lt3A_88 : i32
      %convert_element_type3A_90 = arith.extui %lt3A_89 : i1 to i32
      %cond3A_91 = arith.constant 0 : i32
      %cond3A_92 = arith.cmpi ne, %convert_element_type3A_90, %cond3A_91 : i32
      scf.if %cond3A_92 {
        %mul3A_98 = arith.constant 79 : i32
        %mul3A_99 = arith.muli %arg1, %mul3A_98 : i32
        %mul3A_100 = arith.constant 8 : i32
        %mul3A_101 = arith.muli %mul3A_99, %mul3A_100 : i32
        "tpu.region"() ({
          %run_scoped3A = tpu.sem_alloc : memref<!tpu.dma_semaphore, #tpu.memory_space<semaphore_mem>>
          %dma_start3A_102 = arith.constant 0 : i32
          %dma_start3A_103 = tpu.memref_slice %arg13[%mul3A_101, %dma_start3A_102] : memref<11024x128xf32, #tpu.memory_space<vmem_shared>> -> memref<632x128xf32, #tpu.memory_space<vmem_shared>>
          %dma_start3A_104 = arith.constant 0 : i32
          %dma_start3A_105 = tpu.memref_slice %arg3[%mul3A_101, %dma_start3A_104] : memref<10000x128xf32, #tpu.memory_space<hbm>> -> memref<632x128xf32, #tpu.memory_space<hbm>>
          tpu.enqueue_dma source(%dma_start3A_105 : memref<632x128xf32, #tpu.memory_space<hbm>>) target(%dma_start3A_103 : memref<632x128xf32, #tpu.memory_space<vmem_shared>>) target_semaphore(%run_scoped3A : memref<!tpu.dma_semaphore, #tpu.memory_space<semaphore_mem>>)
          %dma_wait3A_106 = arith.constant 0 : i32
          %dma_wait3A_107 = tpu.memref_slice %arg13[%mul3A_101, %dma_wait3A_106] : memref<11024x128xf32, #tpu.memory_space<vmem_shared>> -> memref<632x128xf32, #tpu.memory_space<vmem_shared>>
          %dma_wait3A_108 = arith.constant 0 : i32
          %dma_wait3A_109 = tpu.memref_slice %arg3[%mul3A_101, %dma_wait3A_108] : memref<10000x128xf32, #tpu.memory_space<hbm>> -> memref<632x128xf32, #tpu.memory_space<hbm>>
          tpu.wait_dma2 semaphore(%run_scoped3A : memref<!tpu.dma_semaphore, #tpu.memory_space<semaphore_mem>>) src(%dma_wait3A_109 : memref<632x128xf32, #tpu.memory_space<hbm>>) dst(%dma_wait3A_107 : memref<632x128xf32, #tpu.memory_space<vmem_shared>>)
          tpu.yield
        }) : () -> ()
      } else {
      }
      %ge3A_93 = arith.constant 2 : i32
      %ge3A_94 = arith.cmpi sge, %arg1, %ge3A_93 : i32
      %convert_element_type3A_95 = arith.extui %ge3A_94 : i1 to i32
      %cond3A_96 = arith.constant 0 : i32
      %cond3A_97 = arith.cmpi ne, %convert_element_type3A_95, %cond3A_96 : i32
      scf.if %cond3A_97 {
        %sub3A = arith.constant 2 : i32
        %sub3A_98 = arith.subi %arg1, %sub3A : i32
        %mul3A_99 = arith.constant 78 : i32
        %mul3A_100 = arith.muli %sub3A_98, %mul3A_99 : i32
        %add3A_101 = arith.constant 158 : i32
        %add3A_102 = arith.addi %add3A_101, %mul3A_100 : i32
        %mul3A_103 = arith.constant 8 : i32
        %mul3A_104 = arith.muli %add3A_102, %mul3A_103 : i32
        "tpu.region"() ({
          %run_scoped3A = tpu.sem_alloc : memref<!tpu.dma_semaphore, #tpu.memory_space<semaphore_mem>>
          %dma_start3A_105 = arith.constant 0 : i32
          %dma_start3A_106 = tpu.memref_slice %arg13[%mul3A_104, %dma_start3A_105] : memref<11024x128xf32, #tpu.memory_space<vmem_shared>> -> memref<624x128xf32, #tpu.memory_space<vmem_shared>>
          %dma_start3A_107 = arith.constant 0 : i32
          %dma_start3A_108 = tpu.memref_slice %arg3[%mul3A_104, %dma_start3A_107] : memref<10000x128xf32, #tpu.memory_space<hbm>> -> memref<624x128xf32, #tpu.memory_space<hbm>>
          tpu.enqueue_dma source(%dma_start3A_108 : memref<624x128xf32, #tpu.memory_space<hbm>>) target(%dma_start3A_106 : memref<624x128xf32, #tpu.memory_space<vmem_shared>>) target_semaphore(%run_scoped3A : memref<!tpu.dma_semaphore, #tpu.memory_space<semaphore_mem>>)
          %dma_wait3A_109 = arith.constant 0 : i32
          %dma_wait3A_110 = tpu.memref_slice %arg13[%mul3A_104, %dma_wait3A_109] : memref<11024x128xf32, #tpu.memory_space<vmem_shared>> -> memref<624x128xf32, #tpu.memory_space<vmem_shared>>
          %dma_wait3A_111 = arith.constant 0 : i32
          %dma_wait3A_112 = tpu.memref_slice %arg3[%mul3A_104, %dma_wait3A_111] : memref<10000x128xf32, #tpu.memory_space<hbm>> -> memref<624x128xf32, #tpu.memory_space<hbm>>
          tpu.wait_dma2 semaphore(%run_scoped3A : memref<!tpu.dma_semaphore, #tpu.memory_space<semaphore_mem>>) src(%dma_wait3A_112 : memref<624x128xf32, #tpu.memory_space<hbm>>) dst(%dma_wait3A_110 : memref<624x128xf32, #tpu.memory_space<vmem_shared>>)
          tpu.yield
        }) : () -> ()
      } else {
      }
    } else {
    }
    %dma_wait3A = arith.constant 0 : i32
    %dma_wait3A_25 = arith.constant 0 : i32
    %dma_wait3A_26 = arith.constant 0 : i32
    %dma_wait3A_27 = tpu.memref_slice %arg4[%add3A, %dma_wait3A, %dma_wait3A_25, %dma_wait3A_26] : memref<32x40x2x128xi32, #tpu.memory_space<hbm>> -> memref<1x1x2x128xi32, #tpu.memory_space<hbm>>
    %dma_wait3A_28 = tpu.memref_squeeze %dma_wait3A_27 : memref<1x1x2x128xi32, #tpu.memory_space<hbm>> -> memref<2x128xi32, #tpu.memory_space<hbm>>
    %dma_wait3A_29 = arith.constant 0 : i32
    %dma_wait3A_30 = arith.constant 0 : i32
    %dma_wait3A_31 = tpu.memref_slice %arg4[%add3A, %dma_wait3A, %dma_wait3A_29, %dma_wait3A_30] : memref<32x40x2x128xi32, #tpu.memory_space<hbm>> -> memref<1x1x2x128xi32, #tpu.memory_space<hbm>>
    %dma_wait3A_32 = tpu.memref_squeeze %dma_wait3A_31 : memref<1x1x2x128xi32, #tpu.memory_space<hbm>> -> memref<2x128xi32, #tpu.memory_space<hbm>>
    tpu.wait_dma2 semaphore(%arg15 : memref<!tpu.dma_semaphore, #tpu.memory_space<semaphore_mem>>) src(%dma_wait3A_32 : memref<2x128xi32, #tpu.memory_space<hbm>>) dst(%arg7 : memref<2x128xi32, #tpu.memory_space<vmem>>)
    %dma_wait3A_33 = arith.constant 0 : i32
    %dma_wait3A_34 = arith.constant 0 : i32
    %dma_wait3A_35 = arith.constant 0 : i32
    %dma_wait3A_36 = tpu.memref_slice %arg5[%add3A, %dma_wait3A_33, %dma_wait3A_34, %dma_wait3A_35] : memref<32x40x2x128xi32, #tpu.memory_space<hbm>> -> memref<1x1x2x128xi32, #tpu.memory_space<hbm>>
    %dma_wait3A_37 = tpu.memref_squeeze %dma_wait3A_36 : memref<1x1x2x128xi32, #tpu.memory_space<hbm>> -> memref<2x128xi32, #tpu.memory_space<hbm>>
    %dma_wait3A_38 = arith.constant 0 : i32
    %dma_wait3A_39 = arith.constant 0 : i32
    %dma_wait3A_40 = tpu.memref_slice %arg5[%add3A, %dma_wait3A_33, %dma_wait3A_38, %dma_wait3A_39] : memref<32x40x2x128xi32, #tpu.memory_space<hbm>> -> memref<1x1x2x128xi32, #tpu.memory_space<hbm>>
    %dma_wait3A_41 = tpu.memref_squeeze %dma_wait3A_40 : memref<1x1x2x128xi32, #tpu.memory_space<hbm>> -> memref<2x128xi32, #tpu.memory_space<hbm>>
    tpu.wait_dma2 semaphore(%arg15 : memref<!tpu.dma_semaphore, #tpu.memory_space<semaphore_mem>>) src(%dma_wait3A_41 : memref<2x128xi32, #tpu.memory_space<hbm>>) dst(%arg8 : memref<2x128xi32, #tpu.memory_space<vmem>>)
    %barrier3A = arith.constant 0 : index
    tpu.barrier barrier_id(%barrier3A)
    %dma_start3A_42 = arith.constant 0 : i32
    %dma_start3A_43 = arith.constant 0 : i32
    %dma_start3A_44 = tpu.memref_slice %arg7[%dma_start3A_42, %dma_start3A_43] : memref<2x128xi32, #tpu.memory_space<vmem>> -> memref<1x128xi32, #tpu.memory_space<vmem>>
    %dma_start3A_45 = tpu.memref_squeeze %dma_start3A_44 : memref<1x128xi32, #tpu.memory_space<vmem>> -> memref<128xi32, #tpu.memory_space<vmem>>
    %dma_start3A_46 = arith.constant 0 : i32
    %dma_start3A_47 = arith.constant 0 : i32
    %dma_start3A_48 = tpu.memref_slice %arg2[%dma_start3A_46, %dma_start3A_47] : memref<10000x128xf32, #tpu.memory_space<hbm>> -> memref<10000x128xf32, #tpu.memory_space<hbm>>
    tpu.enqueue_indirect_dma source(%dma_start3A_48 : memref<10000x128xf32, #tpu.memory_space<hbm>>) target(%arg11 : memref<128x128xf32, #tpu.memory_space<vmem>>) offsets(%dma_start3A_45 : memref<128xi32, #tpu.memory_space<vmem>>) semaphore(%arg14 : memref<!tpu.dma_semaphore, #tpu.memory_space<semaphore_mem>>)
    %dma_start3A_49 = arith.constant 1 : i32
    %dma_start3A_50 = arith.constant 0 : i32
    %dma_start3A_51 = arith.constant 0 : i32
    %dma_start3A_52 = tpu.memref_slice %arg4[%add3A, %dma_start3A_49, %dma_start3A_50, %dma_start3A_51] : memref<32x40x2x128xi32, #tpu.memory_space<hbm>> -> memref<1x1x2x128xi32, #tpu.memory_space<hbm>>
    %dma_start3A_53 = tpu.memref_squeeze %dma_start3A_52 : memref<1x1x2x128xi32, #tpu.memory_space<hbm>> -> memref<2x128xi32, #tpu.memory_space<hbm>>
    %dma_start3A_54 = arith.constant 0 : i32
    %dma_start3A_55 = arith.constant 0 : i32
    %dma_start3A_56 = tpu.memref_slice %arg4[%add3A, %dma_start3A_49, %dma_start3A_54, %dma_start3A_55] : memref<32x40x2x128xi32, #tpu.memory_space<hbm>> -> memref<1x1x2x128xi32, #tpu.memory_space<hbm>>
    %dma_start3A_57 = tpu.memref_squeeze %dma_start3A_56 : memref<1x1x2x128xi32, #tpu.memory_space<hbm>> -> memref<2x128xi32, #tpu.memory_space<hbm>>
    tpu.enqueue_dma source(%dma_start3A_57 : memref<2x128xi32, #tpu.memory_space<hbm>>) target(%arg9 : memref<2x128xi32, #tpu.memory_space<vmem>>) target_semaphore(%arg15 : memref<!tpu.dma_semaphore, #tpu.memory_space<semaphore_mem>>)
    %dma_start3A_58 = arith.constant 1 : i32
    %dma_start3A_59 = arith.constant 0 : i32
    %dma_start3A_60 = arith.constant 0 : i32
    %dma_start3A_61 = tpu.memref_slice %arg5[%add3A, %dma_start3A_58, %dma_start3A_59, %dma_start3A_60] : memref<32x40x2x128xi32, #tpu.memory_space<hbm>> -> memref<1x1x2x128xi32, #tpu.memory_space<hbm>>
    %dma_start3A_62 = tpu.memref_squeeze %dma_start3A_61 : memref<1x1x2x128xi32, #tpu.memory_space<hbm>> -> memref<2x128xi32, #tpu.memory_space<hbm>>
    %dma_start3A_63 = arith.constant 0 : i32
    %dma_start3A_64 = arith.constant 0 : i32
    %dma_start3A_65 = tpu.memref_slice %arg5[%add3A, %dma_start3A_58, %dma_start3A_63, %dma_start3A_64] : memref<32x40x2x128xi32, #tpu.memory_space<hbm>> -> memref<1x1x2x128xi32, #tpu.memory_space<hbm>>
    %dma_start3A_66 = tpu.memref_squeeze %dma_start3A_65 : memref<1x1x2x128xi32, #tpu.memory_space<hbm>> -> memref<2x128xi32, #tpu.memory_space<hbm>>
    tpu.enqueue_dma source(%dma_start3A_66 : memref<2x128xi32, #tpu.memory_space<hbm>>) target(%arg10 : memref<2x128xi32, #tpu.memory_space<vmem>>) target_semaphore(%arg15 : memref<!tpu.dma_semaphore, #tpu.memory_space<semaphore_mem>>)
    %scan3A = arith.constant 0 : i32
    %scan3A_67 = arith.constant 0 : i32
    %scan3A_68 = arith.constant 20 : i32
    %scan3A_69 = arith.addi %scan3A_67, %scan3A_68 : i32
    %scan3A_70 = arith.constant 1 : i32
    scf.for %scan3A_88 = %scan3A_67 to %scan3A_69 step %scan3A_70  : i32 {
      %mul3A_89 = arith.constant 2 : i32
      %mul3A_90 = arith.muli %mul3A_89, %scan3A_88 : i32
      %mul3A_91 = arith.constant 2 : i32
      %mul3A_92 = arith.muli %mul3A_91, %scan3A_88 : i32
      %add3A_93 = arith.constant 1 : i32
      %add3A_94 = arith.addi %mul3A_92, %add3A_93 : i32
      %dma_wait3A_95 = arith.constant 0 : i32
      %dma_wait3A_96 = arith.constant 0 : i32
      %dma_wait3A_97 = tpu.memref_slice %arg7[%dma_wait3A_95, %dma_wait3A_96] : memref<2x128xi32, #tpu.memory_space<vmem>> -> memref<1x128xi32, #tpu.memory_space<vmem>>
      %dma_wait3A_98 = tpu.memref_squeeze %dma_wait3A_97 : memref<1x128xi32, #tpu.memory_space<vmem>> -> memref<128xi32, #tpu.memory_space<vmem>>
      %dma_wait3A_99 = arith.constant 0 : i32
      %dma_wait3A_100 = arith.constant 0 : i32
      %dma_wait3A_101 = tpu.memref_slice %arg2[%dma_wait3A_99, %dma_wait3A_100] : memref<10000x128xf32, #tpu.memory_space<hbm>> -> memref<10000x128xf32, #tpu.memory_space<hbm>>
      tpu.wait_indirect_dma semaphore(%arg14 : memref<!tpu.dma_semaphore, #tpu.memory_space<semaphore_mem>>) src(%dma_wait3A_101 : memref<10000x128xf32, #tpu.memory_space<hbm>>) dst(%arg11 : memref<128x128xf32, #tpu.memory_space<vmem>>)
      %dma_start3A_102 = arith.constant 0 : i32
      %dma_start3A_103 = arith.constant 0 : i32
      %dma_start3A_104 = tpu.memref_slice %arg8[%dma_start3A_102, %dma_start3A_103] : memref<2x128xi32, #tpu.memory_space<vmem>> -> memref<1x128xi32, #tpu.memory_space<vmem>>
      %dma_start3A_105 = tpu.memref_squeeze %dma_start3A_104 : memref<1x128xi32, #tpu.memory_space<vmem>> -> memref<128xi32, #tpu.memory_space<vmem>>
      %dma_start3A_106 = arith.constant 0 : i32
      %dma_start3A_107 = arith.constant 0 : i32
      %dma_start3A_108 = tpu.memref_slice %arg13[%dma_start3A_106, %dma_start3A_107] : memref<11024x128xf32, #tpu.memory_space<vmem_shared>> -> memref<11024x128xf32, #tpu.memory_space<vmem_shared>>
      tpu.enqueue_indirect_dma source(%arg11 : memref<128x128xf32, #tpu.memory_space<vmem>>) target(%dma_start3A_108 : memref<11024x128xf32, #tpu.memory_space<vmem_shared>>) offsets(%dma_start3A_105 : memref<128xi32, #tpu.memory_space<vmem>>) semaphore(%arg16 : memref<!tpu.dma_semaphore, #tpu.memory_space<semaphore_mem>>) {add = true}
      %gt3A = arith.constant 0 : i32
      %gt3A_109 = arith.cmpi sgt, %scan3A_88, %gt3A : i32
      %convert_element_type3A_110 = arith.extui %gt3A_109 : i1 to i32
      %cond3A_111 = arith.constant 0 : i32
      %cond3A_112 = arith.cmpi ne, %convert_element_type3A_110, %cond3A_111 : i32
      scf.if %cond3A_112 {
        %dma_wait3A_223 = arith.constant 0 : i32
        %dma_wait3A_224 = arith.constant 0 : i32
        %dma_wait3A_225 = tpu.memref_slice %arg8[%dma_wait3A_223, %dma_wait3A_224] : memref<2x128xi32, #tpu.memory_space<vmem>> -> memref<1x128xi32, #tpu.memory_space<vmem>>
        %dma_wait3A_226 = tpu.memref_squeeze %dma_wait3A_225 : memref<1x128xi32, #tpu.memory_space<vmem>> -> memref<128xi32, #tpu.memory_space<vmem>>
        %dma_wait3A_227 = arith.constant 0 : i32
        %dma_wait3A_228 = arith.constant 0 : i32
        %dma_wait3A_229 = tpu.memref_slice %arg13[%dma_wait3A_227, %dma_wait3A_228] : memref<11024x128xf32, #tpu.memory_space<vmem_shared>> -> memref<11024x128xf32, #tpu.memory_space<vmem_shared>>
        tpu.wait_indirect_dma semaphore(%arg16 : memref<!tpu.dma_semaphore, #tpu.memory_space<semaphore_mem>>) src(%arg11 : memref<128x128xf32, #tpu.memory_space<vmem>>) dst(%dma_wait3A_229 : memref<11024x128xf32, #tpu.memory_space<vmem_shared>>)
        %dma_start3A_230 = arith.constant 0 : i32
        %dma_start3A_231 = arith.constant 0 : i32
        %dma_start3A_232 = tpu.memref_slice %arg4[%add3A, %add3A_94, %dma_start3A_230, %dma_start3A_231] : memref<32x40x2x128xi32, #tpu.memory_space<hbm>> -> memref<1x1x2x128xi32, #tpu.memory_space<hbm>>
        %dma_start3A_233 = tpu.memref_squeeze %dma_start3A_232 : memref<1x1x2x128xi32, #tpu.memory_space<hbm>> -> memref<2x128xi32, #tpu.memory_space<hbm>>
        %dma_start3A_234 = arith.constant 0 : i32
        %dma_start3A_235 = arith.constant 0 : i32
        %dma_start3A_236 = tpu.memref_slice %arg4[%add3A, %add3A_94, %dma_start3A_234, %dma_start3A_235] : memref<32x40x2x128xi32, #tpu.memory_space<hbm>> -> memref<1x1x2x128xi32, #tpu.memory_space<hbm>>
        %dma_start3A_237 = tpu.memref_squeeze %dma_start3A_236 : memref<1x1x2x128xi32, #tpu.memory_space<hbm>> -> memref<2x128xi32, #tpu.memory_space<hbm>>
        tpu.enqueue_dma source(%dma_start3A_237 : memref<2x128xi32, #tpu.memory_space<hbm>>) target(%arg9 : memref<2x128xi32, #tpu.memory_space<vmem>>) target_semaphore(%arg15 : memref<!tpu.dma_semaphore, #tpu.memory_space<semaphore_mem>>)
        %dma_start3A_238 = arith.constant 0 : i32
        %dma_start3A_239 = arith.constant 0 : i32
        %dma_start3A_240 = tpu.memref_slice %arg5[%add3A, %add3A_94, %dma_start3A_238, %dma_start3A_239] : memref<32x40x2x128xi32, #tpu.memory_space<hbm>> -> memref<1x1x2x128xi32, #tpu.memory_space<hbm>>
        %dma_start3A_241 = tpu.memref_squeeze %dma_start3A_240 : memref<1x1x2x128xi32, #tpu.memory_space<hbm>> -> memref<2x128xi32, #tpu.memory_space<hbm>>
        %dma_start3A_242 = arith.constant 0 : i32
        %dma_start3A_243 = arith.constant 0 : i32
        %dma_start3A_244 = tpu.memref_slice %arg5[%add3A, %add3A_94, %dma_start3A_242, %dma_start3A_243] : memref<32x40x2x128xi32, #tpu.memory_space<hbm>> -> memref<1x1x2x128xi32, #tpu.memory_space<hbm>>
        %dma_start3A_245 = tpu.memref_squeeze %dma_start3A_244 : memref<1x1x2x128xi32, #tpu.memory_space<hbm>> -> memref<2x128xi32, #tpu.memory_space<hbm>>
        tpu.enqueue_dma source(%dma_start3A_245 : memref<2x128xi32, #tpu.memory_space<hbm>>) target(%arg10 : memref<2x128xi32, #tpu.memory_space<vmem>>) target_semaphore(%arg15 : memref<!tpu.dma_semaphore, #tpu.memory_space<semaphore_mem>>)
      } else {
      }
      %dma_start3A_113 = arith.constant 1 : i32
      %dma_start3A_114 = arith.constant 0 : i32
      %dma_start3A_115 = tpu.memref_slice %arg7[%dma_start3A_113, %dma_start3A_114] : memref<2x128xi32, #tpu.memory_space<vmem>> -> memref<1x128xi32, #tpu.memory_space<vmem>>
      %dma_start3A_116 = tpu.memref_squeeze %dma_start3A_115 : memref<1x128xi32, #tpu.memory_space<vmem>> -> memref<128xi32, #tpu.memory_space<vmem>>
      %dma_start3A_117 = arith.constant 0 : i32
      %dma_start3A_118 = arith.constant 0 : i32
      %dma_start3A_119 = tpu.memref_slice %arg2[%dma_start3A_117, %dma_start3A_118] : memref<10000x128xf32, #tpu.memory_space<hbm>> -> memref<10000x128xf32, #tpu.memory_space<hbm>>
      tpu.enqueue_indirect_dma source(%dma_start3A_119 : memref<10000x128xf32, #tpu.memory_space<hbm>>) target(%arg12 : memref<128x128xf32, #tpu.memory_space<vmem>>) offsets(%dma_start3A_116 : memref<128xi32, #tpu.memory_space<vmem>>) semaphore(%arg14 : memref<!tpu.dma_semaphore, #tpu.memory_space<semaphore_mem>>)
      %dma_wait3A_120 = arith.constant 1 : i32
      %dma_wait3A_121 = arith.constant 0 : i32
      %dma_wait3A_122 = tpu.memref_slice %arg7[%dma_wait3A_120, %dma_wait3A_121] : memref<2x128xi32, #tpu.memory_space<vmem>> -> memref<1x128xi32, #tpu.memory_space<vmem>>
      %dma_wait3A_123 = tpu.memref_squeeze %dma_wait3A_122 : memref<1x128xi32, #tpu.memory_space<vmem>> -> memref<128xi32, #tpu.memory_space<vmem>>
      %dma_wait3A_124 = arith.constant 0 : i32
      %dma_wait3A_125 = arith.constant 0 : i32
      %dma_wait3A_126 = tpu.memref_slice %arg2[%dma_wait3A_124, %dma_wait3A_125] : memref<10000x128xf32, #tpu.memory_space<hbm>> -> memref<10000x128xf32, #tpu.memory_space<hbm>>
      tpu.wait_indirect_dma semaphore(%arg14 : memref<!tpu.dma_semaphore, #tpu.memory_space<semaphore_mem>>) src(%dma_wait3A_126 : memref<10000x128xf32, #tpu.memory_space<hbm>>) dst(%arg12 : memref<128x128xf32, #tpu.memory_space<vmem>>)
      %dma_start3A_127 = arith.constant 1 : i32
      %dma_start3A_128 = arith.constant 0 : i32
      %dma_start3A_129 = tpu.memref_slice %arg8[%dma_start3A_127, %dma_start3A_128] : memref<2x128xi32, #tpu.memory_space<vmem>> -> memref<1x128xi32, #tpu.memory_space<vmem>>
      %dma_start3A_130 = tpu.memref_squeeze %dma_start3A_129 : memref<1x128xi32, #tpu.memory_space<vmem>> -> memref<128xi32, #tpu.memory_space<vmem>>
      %dma_start3A_131 = arith.constant 0 : i32
      %dma_start3A_132 = arith.constant 0 : i32
      %dma_start3A_133 = tpu.memref_slice %arg13[%dma_start3A_131, %dma_start3A_132] : memref<11024x128xf32, #tpu.memory_space<vmem_shared>> -> memref<11024x128xf32, #tpu.memory_space<vmem_shared>>
      tpu.enqueue_indirect_dma source(%arg12 : memref<128x128xf32, #tpu.memory_space<vmem>>) target(%dma_start3A_133 : memref<11024x128xf32, #tpu.memory_space<vmem_shared>>) offsets(%dma_start3A_130 : memref<128xi32, #tpu.memory_space<vmem>>) semaphore(%arg16 : memref<!tpu.dma_semaphore, #tpu.memory_space<semaphore_mem>>) {add = true}
      %dma_wait3A_134 = arith.constant 0 : i32
      %dma_wait3A_135 = arith.constant 0 : i32
      %dma_wait3A_136 = tpu.memref_slice %arg8[%dma_wait3A_134, %dma_wait3A_135] : memref<2x128xi32, #tpu.memory_space<vmem>> -> memref<1x128xi32, #tpu.memory_space<vmem>>
      %dma_wait3A_137 = tpu.memref_squeeze %dma_wait3A_136 : memref<1x128xi32, #tpu.memory_space<vmem>> -> memref<128xi32, #tpu.memory_space<vmem>>
      %dma_wait3A_138 = arith.constant 0 : i32
      %dma_wait3A_139 = arith.constant 0 : i32
      %dma_wait3A_140 = tpu.memref_slice %arg13[%dma_wait3A_138, %dma_wait3A_139] : memref<11024x128xf32, #tpu.memory_space<vmem_shared>> -> memref<11024x128xf32, #tpu.memory_space<vmem_shared>>
      tpu.wait_indirect_dma semaphore(%arg16 : memref<!tpu.dma_semaphore, #tpu.memory_space<semaphore_mem>>) src(%arg11 : memref<128x128xf32, #tpu.memory_space<vmem>>) dst(%dma_wait3A_140 : memref<11024x128xf32, #tpu.memory_space<vmem_shared>>)
      %dma_wait3A_141 = arith.constant 0 : i32
      %dma_wait3A_142 = arith.constant 0 : i32
      %dma_wait3A_143 = tpu.memref_slice %arg4[%add3A, %add3A_94, %dma_wait3A_141, %dma_wait3A_142] : memref<32x40x2x128xi32, #tpu.memory_space<hbm>> -> memref<1x1x2x128xi32, #tpu.memory_space<hbm>>
      %dma_wait3A_144 = tpu.memref_squeeze %dma_wait3A_143 : memref<1x1x2x128xi32, #tpu.memory_space<hbm>> -> memref<2x128xi32, #tpu.memory_space<hbm>>
      %dma_wait3A_145 = arith.constant 0 : i32
      %dma_wait3A_146 = arith.constant 0 : i32
      %dma_wait3A_147 = tpu.memref_slice %arg4[%add3A, %add3A_94, %dma_wait3A_145, %dma_wait3A_146] : memref<32x40x2x128xi32, #tpu.memory_space<hbm>> -> memref<1x1x2x128xi32, #tpu.memory_space<hbm>>
      %dma_wait3A_148 = tpu.memref_squeeze %dma_wait3A_147 : memref<1x1x2x128xi32, #tpu.memory_space<hbm>> -> memref<2x128xi32, #tpu.memory_space<hbm>>
      tpu.wait_dma2 semaphore(%arg15 : memref<!tpu.dma_semaphore, #tpu.memory_space<semaphore_mem>>) src(%dma_wait3A_148 : memref<2x128xi32, #tpu.memory_space<hbm>>) dst(%arg9 : memref<2x128xi32, #tpu.memory_space<vmem>>)
      %dma_wait3A_149 = arith.constant 0 : i32
      %dma_wait3A_150 = arith.constant 0 : i32
      %dma_wait3A_151 = tpu.memref_slice %arg5[%add3A, %add3A_94, %dma_wait3A_149, %dma_wait3A_150] : memref<32x40x2x128xi32, #tpu.memory_space<hbm>> -> memref<1x1x2x128xi32, #tpu.memory_space<hbm>>
      %dma_wait3A_152 = tpu.memref_squeeze %dma_wait3A_151 : memref<1x1x2x128xi32, #tpu.memory_space<hbm>> -> memref<2x128xi32, #tpu.memory_space<hbm>>
      %dma_wait3A_153 = arith.constant 0 : i32
      %dma_wait3A_154 = arith.constant 0 : i32
      %dma_wait3A_155 = tpu.memref_slice %arg5[%add3A, %add3A_94, %dma_wait3A_153, %dma_wait3A_154] : memref<32x40x2x128xi32, #tpu.memory_space<hbm>> -> memref<1x1x2x128xi32, #tpu.memory_space<hbm>>
      %dma_wait3A_156 = tpu.memref_squeeze %dma_wait3A_155 : memref<1x1x2x128xi32, #tpu.memory_space<hbm>> -> memref<2x128xi32, #tpu.memory_space<hbm>>
      tpu.wait_dma2 semaphore(%arg15 : memref<!tpu.dma_semaphore, #tpu.memory_space<semaphore_mem>>) src(%dma_wait3A_156 : memref<2x128xi32, #tpu.memory_space<hbm>>) dst(%arg10 : memref<2x128xi32, #tpu.memory_space<vmem>>)
      %dma_start3A_157 = arith.constant 0 : i32
      %dma_start3A_158 = arith.constant 0 : i32
      %dma_start3A_159 = tpu.memref_slice %arg9[%dma_start3A_157, %dma_start3A_158] : memref<2x128xi32, #tpu.memory_space<vmem>> -> memref<1x128xi32, #tpu.memory_space<vmem>>
      %dma_start3A_160 = tpu.memref_squeeze %dma_start3A_159 : memref<1x128xi32, #tpu.memory_space<vmem>> -> memref<128xi32, #tpu.memory_space<vmem>>
      %dma_start3A_161 = arith.constant 0 : i32
      %dma_start3A_162 = arith.constant 0 : i32
      %dma_start3A_163 = tpu.memref_slice %arg2[%dma_start3A_161, %dma_start3A_162] : memref<10000x128xf32, #tpu.memory_space<hbm>> -> memref<10000x128xf32, #tpu.memory_space<hbm>>
      tpu.enqueue_indirect_dma source(%dma_start3A_163 : memref<10000x128xf32, #tpu.memory_space<hbm>>) target(%arg11 : memref<128x128xf32, #tpu.memory_space<vmem>>) offsets(%dma_start3A_160 : memref<128xi32, #tpu.memory_space<vmem>>) semaphore(%arg14 : memref<!tpu.dma_semaphore, #tpu.memory_space<semaphore_mem>>)
      %dma_wait3A_164 = arith.constant 0 : i32
      %dma_wait3A_165 = arith.constant 0 : i32
      %dma_wait3A_166 = tpu.memref_slice %arg9[%dma_wait3A_164, %dma_wait3A_165] : memref<2x128xi32, #tpu.memory_space<vmem>> -> memref<1x128xi32, #tpu.memory_space<vmem>>
      %dma_wait3A_167 = tpu.memref_squeeze %dma_wait3A_166 : memref<1x128xi32, #tpu.memory_space<vmem>> -> memref<128xi32, #tpu.memory_space<vmem>>
      %dma_wait3A_168 = arith.constant 0 : i32
      %dma_wait3A_169 = arith.constant 0 : i32
      %dma_wait3A_170 = tpu.memref_slice %arg2[%dma_wait3A_168, %dma_wait3A_169] : memref<10000x128xf32, #tpu.memory_space<hbm>> -> memref<10000x128xf32, #tpu.memory_space<hbm>>
      tpu.wait_indirect_dma semaphore(%arg14 : memref<!tpu.dma_semaphore, #tpu.memory_space<semaphore_mem>>) src(%dma_wait3A_170 : memref<10000x128xf32, #tpu.memory_space<hbm>>) dst(%arg11 : memref<128x128xf32, #tpu.memory_space<vmem>>)
      %dma_start3A_171 = arith.constant 0 : i32
      %dma_start3A_172 = arith.constant 0 : i32
      %dma_start3A_173 = tpu.memref_slice %arg10[%dma_start3A_171, %dma_start3A_172] : memref<2x128xi32, #tpu.memory_space<vmem>> -> memref<1x128xi32, #tpu.memory_space<vmem>>
      %dma_start3A_174 = tpu.memref_squeeze %dma_start3A_173 : memref<1x128xi32, #tpu.memory_space<vmem>> -> memref<128xi32, #tpu.memory_space<vmem>>
      %dma_start3A_175 = arith.constant 0 : i32
      %dma_start3A_176 = arith.constant 0 : i32
      %dma_start3A_177 = tpu.memref_slice %arg13[%dma_start3A_175, %dma_start3A_176] : memref<11024x128xf32, #tpu.memory_space<vmem_shared>> -> memref<11024x128xf32, #tpu.memory_space<vmem_shared>>
      tpu.enqueue_indirect_dma source(%arg11 : memref<128x128xf32, #tpu.memory_space<vmem>>) target(%dma_start3A_177 : memref<11024x128xf32, #tpu.memory_space<vmem_shared>>) offsets(%dma_start3A_174 : memref<128xi32, #tpu.memory_space<vmem>>) semaphore(%arg16 : memref<!tpu.dma_semaphore, #tpu.memory_space<semaphore_mem>>) {add = true}
      %dma_wait3A_178 = arith.constant 0 : i32
      %dma_wait3A_179 = arith.constant 0 : i32
      %dma_wait3A_180 = tpu.memref_slice %arg8[%dma_wait3A_178, %dma_wait3A_179] : memref<2x128xi32, #tpu.memory_space<vmem>> -> memref<1x128xi32, #tpu.memory_space<vmem>>
      %dma_wait3A_181 = tpu.memref_squeeze %dma_wait3A_180 : memref<1x128xi32, #tpu.memory_space<vmem>> -> memref<128xi32, #tpu.memory_space<vmem>>
      %dma_wait3A_182 = arith.constant 0 : i32
      %dma_wait3A_183 = arith.constant 0 : i32
      %dma_wait3A_184 = tpu.memref_slice %arg13[%dma_wait3A_182, %dma_wait3A_183] : memref<11024x128xf32, #tpu.memory_space<vmem_shared>> -> memref<11024x128xf32, #tpu.memory_space<vmem_shared>>
      tpu.wait_indirect_dma semaphore(%arg16 : memref<!tpu.dma_semaphore, #tpu.memory_space<semaphore_mem>>) src(%arg11 : memref<128x128xf32, #tpu.memory_space<vmem>>) dst(%dma_wait3A_184 : memref<11024x128xf32, #tpu.memory_space<vmem_shared>>)
      %lt3A_185 = arith.constant 19 : i32
      %lt3A_186 = arith.cmpi slt, %scan3A_88, %lt3A_185 : i32
      %convert_element_type3A_187 = arith.extui %lt3A_186 : i1 to i32
      %cond3A_188 = arith.constant 0 : i32
      %cond3A_189 = arith.cmpi ne, %convert_element_type3A_187, %cond3A_188 : i32
      scf.if %cond3A_189 {
        %add3A_223 = arith.constant 2 : i32
        %add3A_224 = arith.addi %mul3A_90, %add3A_223 : i32
        %dma_start3A_225 = arith.constant 0 : i32
        %dma_start3A_226 = arith.constant 0 : i32
        %dma_start3A_227 = tpu.memref_slice %arg4[%add3A, %add3A_224, %dma_start3A_225, %dma_start3A_226] : memref<32x40x2x128xi32, #tpu.memory_space<hbm>> -> memref<1x1x2x128xi32, #tpu.memory_space<hbm>>
        %dma_start3A_228 = tpu.memref_squeeze %dma_start3A_227 : memref<1x1x2x128xi32, #tpu.memory_space<hbm>> -> memref<2x128xi32, #tpu.memory_space<hbm>>
        %dma_start3A_229 = arith.constant 0 : i32
        %dma_start3A_230 = arith.constant 0 : i32
        %dma_start3A_231 = tpu.memref_slice %arg4[%add3A, %add3A_224, %dma_start3A_229, %dma_start3A_230] : memref<32x40x2x128xi32, #tpu.memory_space<hbm>> -> memref<1x1x2x128xi32, #tpu.memory_space<hbm>>
        %dma_start3A_232 = tpu.memref_squeeze %dma_start3A_231 : memref<1x1x2x128xi32, #tpu.memory_space<hbm>> -> memref<2x128xi32, #tpu.memory_space<hbm>>
        tpu.enqueue_dma source(%dma_start3A_232 : memref<2x128xi32, #tpu.memory_space<hbm>>) target(%arg7 : memref<2x128xi32, #tpu.memory_space<vmem>>) target_semaphore(%arg15 : memref<!tpu.dma_semaphore, #tpu.memory_space<semaphore_mem>>)
        %dma_start3A_233 = arith.constant 0 : i32
        %dma_start3A_234 = arith.constant 0 : i32
        %dma_start3A_235 = tpu.memref_slice %arg5[%add3A, %add3A_224, %dma_start3A_233, %dma_start3A_234] : memref<32x40x2x128xi32, #tpu.memory_space<hbm>> -> memref<1x1x2x128xi32, #tpu.memory_space<hbm>>
        %dma_start3A_236 = tpu.memref_squeeze %dma_start3A_235 : memref<1x1x2x128xi32, #tpu.memory_space<hbm>> -> memref<2x128xi32, #tpu.memory_space<hbm>>
        %dma_start3A_237 = arith.constant 0 : i32
        %dma_start3A_238 = arith.constant 0 : i32
        %dma_start3A_239 = tpu.memref_slice %arg5[%add3A, %add3A_224, %dma_start3A_237, %dma_start3A_238] : memref<32x40x2x128xi32, #tpu.memory_space<hbm>> -> memref<1x1x2x128xi32, #tpu.memory_space<hbm>>
        %dma_start3A_240 = tpu.memref_squeeze %dma_start3A_239 : memref<1x1x2x128xi32, #tpu.memory_space<hbm>> -> memref<2x128xi32, #tpu.memory_space<hbm>>
        tpu.enqueue_dma source(%dma_start3A_240 : memref<2x128xi32, #tpu.memory_space<hbm>>) target(%arg8 : memref<2x128xi32, #tpu.memory_space<vmem>>) target_semaphore(%arg15 : memref<!tpu.dma_semaphore, #tpu.memory_space<semaphore_mem>>)
      } else {
      }
      %dma_start3A_190 = arith.constant 1 : i32
      %dma_start3A_191 = arith.constant 0 : i32
      %dma_start3A_192 = tpu.memref_slice %arg9[%dma_start3A_190, %dma_start3A_191] : memref<2x128xi32, #tpu.memory_space<vmem>> -> memref<1x128xi32, #tpu.memory_space<vmem>>
      %dma_start3A_193 = tpu.memref_squeeze %dma_start3A_192 : memref<1x128xi32, #tpu.memory_space<vmem>> -> memref<128xi32, #tpu.memory_space<vmem>>
      %dma_start3A_194 = arith.constant 0 : i32
      %dma_start3A_195 = arith.constant 0 : i32
      %dma_start3A_196 = tpu.memref_slice %arg2[%dma_start3A_194, %dma_start3A_195] : memref<10000x128xf32, #tpu.memory_space<hbm>> -> memref<10000x128xf32, #tpu.memory_space<hbm>>
      tpu.enqueue_indirect_dma source(%dma_start3A_196 : memref<10000x128xf32, #tpu.memory_space<hbm>>) target(%arg12 : memref<128x128xf32, #tpu.memory_space<vmem>>) offsets(%dma_start3A_193 : memref<128xi32, #tpu.memory_space<vmem>>) semaphore(%arg14 : memref<!tpu.dma_semaphore, #tpu.memory_space<semaphore_mem>>)
      %dma_wait3A_197 = arith.constant 1 : i32
      %dma_wait3A_198 = arith.constant 0 : i32
      %dma_wait3A_199 = tpu.memref_slice %arg9[%dma_wait3A_197, %dma_wait3A_198] : memref<2x128xi32, #tpu.memory_space<vmem>> -> memref<1x128xi32, #tpu.memory_space<vmem>>
      %dma_wait3A_200 = tpu.memref_squeeze %dma_wait3A_199 : memref<1x128xi32, #tpu.memory_space<vmem>> -> memref<128xi32, #tpu.memory_space<vmem>>
      %dma_wait3A_201 = arith.constant 0 : i32
      %dma_wait3A_202 = arith.constant 0 : i32
      %dma_wait3A_203 = tpu.memref_slice %arg2[%dma_wait3A_201, %dma_wait3A_202] : memref<10000x128xf32, #tpu.memory_space<hbm>> -> memref<10000x128xf32, #tpu.memory_space<hbm>>
      tpu.wait_indirect_dma semaphore(%arg14 : memref<!tpu.dma_semaphore, #tpu.memory_space<semaphore_mem>>) src(%dma_wait3A_203 : memref<10000x128xf32, #tpu.memory_space<hbm>>) dst(%arg12 : memref<128x128xf32, #tpu.memory_space<vmem>>)
      %dma_start3A_204 = arith.constant 1 : i32
      %dma_start3A_205 = arith.constant 0 : i32
      %dma_start3A_206 = tpu.memref_slice %arg10[%dma_start3A_204, %dma_start3A_205] : memref<2x128xi32, #tpu.memory_space<vmem>> -> memref<1x128xi32, #tpu.memory_space<vmem>>
      %dma_start3A_207 = tpu.memref_squeeze %dma_start3A_206 : memref<1x128xi32, #tpu.memory_space<vmem>> -> memref<128xi32, #tpu.memory_space<vmem>>
      %dma_start3A_208 = arith.constant 0 : i32
      %dma_start3A_209 = arith.constant 0 : i32
      %dma_start3A_210 = tpu.memref_slice %arg13[%dma_start3A_208, %dma_start3A_209] : memref<11024x128xf32, #tpu.memory_space<vmem_shared>> -> memref<11024x128xf32, #tpu.memory_space<vmem_shared>>
      tpu.enqueue_indirect_dma source(%arg12 : memref<128x128xf32, #tpu.memory_space<vmem>>) target(%dma_start3A_210 : memref<11024x128xf32, #tpu.memory_space<vmem_shared>>) offsets(%dma_start3A_207 : memref<128xi32, #tpu.memory_space<vmem>>) semaphore(%arg16 : memref<!tpu.dma_semaphore, #tpu.memory_space<semaphore_mem>>) {add = true}
      %dma_wait3A_211 = arith.constant 0 : i32
      %dma_wait3A_212 = arith.constant 0 : i32
      %dma_wait3A_213 = tpu.memref_slice %arg8[%dma_wait3A_211, %dma_wait3A_212] : memref<2x128xi32, #tpu.memory_space<vmem>> -> memref<1x128xi32, #tpu.memory_space<vmem>>
      %dma_wait3A_214 = tpu.memref_squeeze %dma_wait3A_213 : memref<1x128xi32, #tpu.memory_space<vmem>> -> memref<128xi32, #tpu.memory_space<vmem>>
      %dma_wait3A_215 = arith.constant 0 : i32
      %dma_wait3A_216 = arith.constant 0 : i32
      %dma_wait3A_217 = tpu.memref_slice %arg13[%dma_wait3A_215, %dma_wait3A_216] : memref<11024x128xf32, #tpu.memory_space<vmem_shared>> -> memref<11024x128xf32, #tpu.memory_space<vmem_shared>>
      tpu.wait_indirect_dma semaphore(%arg16 : memref<!tpu.dma_semaphore, #tpu.memory_space<semaphore_mem>>) src(%arg11 : memref<128x128xf32, #tpu.memory_space<vmem>>) dst(%dma_wait3A_217 : memref<11024x128xf32, #tpu.memory_space<vmem_shared>>)
      %lt3A_218 = arith.constant 19 : i32
      %lt3A_219 = arith.cmpi slt, %scan3A_88, %lt3A_218 : i32
      %convert_element_type3A_220 = arith.extui %lt3A_219 : i1 to i32
      %cond3A_221 = arith.constant 0 : i32
      %cond3A_222 = arith.cmpi ne, %convert_element_type3A_220, %cond3A_221 : i32
      scf.if %cond3A_222 {
        %add3A_223 = arith.constant 2 : i32
        %add3A_224 = arith.addi %mul3A_90, %add3A_223 : i32
        %dma_wait3A_225 = arith.constant 0 : i32
        %dma_wait3A_226 = arith.constant 0 : i32
        %dma_wait3A_227 = tpu.memref_slice %arg4[%add3A, %add3A_224, %dma_wait3A_225, %dma_wait3A_226] : memref<32x40x2x128xi32, #tpu.memory_space<hbm>> -> memref<1x1x2x128xi32, #tpu.memory_space<hbm>>
        %dma_wait3A_228 = tpu.memref_squeeze %dma_wait3A_227 : memref<1x1x2x128xi32, #tpu.memory_space<hbm>> -> memref<2x128xi32, #tpu.memory_space<hbm>>
        %dma_wait3A_229 = arith.constant 0 : i32
        %dma_wait3A_230 = arith.constant 0 : i32
        %dma_wait3A_231 = tpu.memref_slice %arg4[%add3A, %add3A_224, %dma_wait3A_229, %dma_wait3A_230] : memref<32x40x2x128xi32, #tpu.memory_space<hbm>> -> memref<1x1x2x128xi32, #tpu.memory_space<hbm>>
        %dma_wait3A_232 = tpu.memref_squeeze %dma_wait3A_231 : memref<1x1x2x128xi32, #tpu.memory_space<hbm>> -> memref<2x128xi32, #tpu.memory_space<hbm>>
        tpu.wait_dma2 semaphore(%arg15 : memref<!tpu.dma_semaphore, #tpu.memory_space<semaphore_mem>>) src(%dma_wait3A_232 : memref<2x128xi32, #tpu.memory_space<hbm>>) dst(%arg7 : memref<2x128xi32, #tpu.memory_space<vmem>>)
        %dma_wait3A_233 = arith.constant 0 : i32
        %dma_wait3A_234 = arith.constant 0 : i32
        %dma_wait3A_235 = tpu.memref_slice %arg5[%add3A, %add3A_224, %dma_wait3A_233, %dma_wait3A_234] : memref<32x40x2x128xi32, #tpu.memory_space<hbm>> -> memref<1x1x2x128xi32, #tpu.memory_space<hbm>>
        %dma_wait3A_236 = tpu.memref_squeeze %dma_wait3A_235 : memref<1x1x2x128xi32, #tpu.memory_space<hbm>> -> memref<2x128xi32, #tpu.memory_space<hbm>>
        %dma_wait3A_237 = arith.constant 0 : i32
        %dma_wait3A_238 = arith.constant 0 : i32
        %dma_wait3A_239 = tpu.memref_slice %arg5[%add3A, %add3A_224, %dma_wait3A_237, %dma_wait3A_238] : memref<32x40x2x128xi32, #tpu.memory_space<hbm>> -> memref<1x1x2x128xi32, #tpu.memory_space<hbm>>
        %dma_wait3A_240 = tpu.memref_squeeze %dma_wait3A_239 : memref<1x1x2x128xi32, #tpu.memory_space<hbm>> -> memref<2x128xi32, #tpu.memory_space<hbm>>
        tpu.wait_dma2 semaphore(%arg15 : memref<!tpu.dma_semaphore, #tpu.memory_space<semaphore_mem>>) src(%dma_wait3A_240 : memref<2x128xi32, #tpu.memory_space<hbm>>) dst(%arg8 : memref<2x128xi32, #tpu.memory_space<vmem>>)
        %dma_start3A_241 = arith.constant 0 : i32
        %dma_start3A_242 = arith.constant 0 : i32
        %dma_start3A_243 = tpu.memref_slice %arg7[%dma_start3A_241, %dma_start3A_242] : memref<2x128xi32, #tpu.memory_space<vmem>> -> memref<1x128xi32, #tpu.memory_space<vmem>>
        %dma_start3A_244 = tpu.memref_squeeze %dma_start3A_243 : memref<1x128xi32, #tpu.memory_space<vmem>> -> memref<128xi32, #tpu.memory_space<vmem>>
        %dma_start3A_245 = arith.constant 0 : i32
        %dma_start3A_246 = arith.constant 0 : i32
        %dma_start3A_247 = tpu.memref_slice %arg2[%dma_start3A_245, %dma_start3A_246] : memref<10000x128xf32, #tpu.memory_space<hbm>> -> memref<10000x128xf32, #tpu.memory_space<hbm>>
        tpu.enqueue_indirect_dma source(%dma_start3A_247 : memref<10000x128xf32, #tpu.memory_space<hbm>>) target(%arg11 : memref<128x128xf32, #tpu.memory_space<vmem>>) offsets(%dma_start3A_244 : memref<128xi32, #tpu.memory_space<vmem>>) semaphore(%arg14 : memref<!tpu.dma_semaphore, #tpu.memory_space<semaphore_mem>>)
      } else {
      }
    }
    %scan3A_71 = arith.constant 20 : i32
    %dma_wait3A_72 = arith.constant 0 : i32
    %dma_wait3A_73 = arith.constant 0 : i32
    %dma_wait3A_74 = tpu.memref_slice %arg8[%dma_wait3A_72, %dma_wait3A_73] : memref<2x128xi32, #tpu.memory_space<vmem>> -> memref<1x128xi32, #tpu.memory_space<vmem>>
    %dma_wait3A_75 = tpu.memref_squeeze %dma_wait3A_74 : memref<1x128xi32, #tpu.memory_space<vmem>> -> memref<128xi32, #tpu.memory_space<vmem>>
    %dma_wait3A_76 = arith.constant 0 : i32
    %dma_wait3A_77 = arith.constant 0 : i32
    %dma_wait3A_78 = tpu.memref_slice %arg13[%dma_wait3A_76, %dma_wait3A_77] : memref<11024x128xf32, #tpu.memory_space<vmem_shared>> -> memref<11024x128xf32, #tpu.memory_space<vmem_shared>>
    tpu.wait_indirect_dma semaphore(%arg16 : memref<!tpu.dma_semaphore, #tpu.memory_space<semaphore_mem>>) src(%arg11 : memref<128x128xf32, #tpu.memory_space<vmem>>) dst(%dma_wait3A_78 : memref<11024x128xf32, #tpu.memory_space<vmem_shared>>)
    %barrier3A_79 = arith.constant 0 : index
    tpu.barrier barrier_id(%barrier3A_79)
    %lt3A = arith.constant 2 : i32
    %lt3A_80 = arith.cmpi slt, %arg1, %lt3A : i32
    %convert_element_type3A_81 = arith.extui %lt3A_80 : i1 to i32
    %cond3A_82 = arith.constant 0 : i32
    %cond3A_83 = arith.cmpi ne, %convert_element_type3A_81, %cond3A_82 : i32
    scf.if %cond3A_83 {
      %mul3A_88 = arith.constant 79 : i32
      %mul3A_89 = arith.muli %arg1, %mul3A_88 : i32
      %mul3A_90 = arith.constant 8 : i32
      %mul3A_91 = arith.muli %mul3A_89, %mul3A_90 : i32
      "tpu.region"() ({
        %run_scoped3A = tpu.sem_alloc : memref<!tpu.dma_semaphore, #tpu.memory_space<semaphore_mem>>
        %dma_start3A_92 = arith.constant 0 : i32
        %dma_start3A_93 = tpu.memref_slice %arg6[%arg0, %mul3A_91, %dma_start3A_92] : memref<2x10000x128xf32, #tpu.memory_space<hbm>> -> memref<1x632x128xf32, #tpu.memory_space<hbm>>
        %dma_start3A_94 = tpu.memref_squeeze %dma_start3A_93 : memref<1x632x128xf32, #tpu.memory_space<hbm>> -> memref<632x128xf32, #tpu.memory_space<hbm>>
        %dma_start3A_95 = arith.constant 0 : i32
        %dma_start3A_96 = tpu.memref_slice %arg13[%mul3A_91, %dma_start3A_95] : memref<11024x128xf32, #tpu.memory_space<vmem_shared>> -> memref<632x128xf32, #tpu.memory_space<vmem_shared>>
        tpu.enqueue_dma source(%dma_start3A_96 : memref<632x128xf32, #tpu.memory_space<vmem_shared>>) target(%dma_start3A_94 : memref<632x128xf32, #tpu.memory_space<hbm>>) target_semaphore(%run_scoped3A : memref<!tpu.dma_semaphore, #tpu.memory_space<semaphore_mem>>)
        %dma_wait3A_97 = arith.constant 0 : i32
        %dma_wait3A_98 = tpu.memref_slice %arg6[%arg0, %mul3A_91, %dma_wait3A_97] : memref<2x10000x128xf32, #tpu.memory_space<hbm>> -> memref<1x632x128xf32, #tpu.memory_space<hbm>>
        %dma_wait3A_99 = tpu.memref_squeeze %dma_wait3A_98 : memref<1x632x128xf32, #tpu.memory_space<hbm>> -> memref<632x128xf32, #tpu.memory_space<hbm>>
        %dma_wait3A_100 = arith.constant 0 : i32
        %dma_wait3A_101 = tpu.memref_slice %arg13[%mul3A_91, %dma_wait3A_100] : memref<11024x128xf32, #tpu.memory_space<vmem_shared>> -> memref<632x128xf32, #tpu.memory_space<vmem_shared>>
        tpu.wait_dma2 semaphore(%run_scoped3A : memref<!tpu.dma_semaphore, #tpu.memory_space<semaphore_mem>>) src(%dma_wait3A_101 : memref<632x128xf32, #tpu.memory_space<vmem_shared>>) dst(%dma_wait3A_99 : memref<632x128xf32, #tpu.memory_space<hbm>>)
        tpu.yield
      }) : () -> ()
    } else {
    }
    %ge3A = arith.constant 2 : i32
    %ge3A_84 = arith.cmpi sge, %arg1, %ge3A : i32
    %convert_element_type3A_85 = arith.extui %ge3A_84 : i1 to i32
    %cond3A_86 = arith.constant 0 : i32
    %cond3A_87 = arith.cmpi ne, %convert_element_type3A_85, %cond3A_86 : i32
    scf.if %cond3A_87 {
      %sub3A = arith.constant 2 : i32
      %sub3A_88 = arith.subi %arg1, %sub3A : i32
      %mul3A_89 = arith.constant 78 : i32
      %mul3A_90 = arith.muli %sub3A_88, %mul3A_89 : i32
      %add3A_91 = arith.constant 158 : i32
      %add3A_92 = arith.addi %add3A_91, %mul3A_90 : i32
      %mul3A_93 = arith.constant 8 : i32
      %mul3A_94 = arith.muli %add3A_92, %mul3A_93 : i32
      "tpu.region"() ({
        %run_scoped3A = tpu.sem_alloc : memref<!tpu.dma_semaphore, #tpu.memory_space<semaphore_mem>>
        %dma_start3A_95 = arith.constant 0 : i32
        %dma_start3A_96 = tpu.memref_slice %arg6[%arg0, %mul3A_94, %dma_start3A_95] : memref<2x10000x128xf32, #tpu.memory_space<hbm>> -> memref<1x624x128xf32, #tpu.memory_space<hbm>>
        %dma_start3A_97 = tpu.memref_squeeze %dma_start3A_96 : memref<1x624x128xf32, #tpu.memory_space<hbm>> -> memref<624x128xf32, #tpu.memory_space<hbm>>
        %dma_start3A_98 = arith.constant 0 : i32
        %dma_start3A_99 = tpu.memref_slice %arg13[%mul3A_94, %dma_start3A_98] : memref<11024x128xf32, #tpu.memory_space<vmem_shared>> -> memref<624x128xf32, #tpu.memory_space<vmem_shared>>
        tpu.enqueue_dma source(%dma_start3A_99 : memref<624x128xf32, #tpu.memory_space<vmem_shared>>) target(%dma_start3A_97 : memref<624x128xf32, #tpu.memory_space<hbm>>) target_semaphore(%run_scoped3A : memref<!tpu.dma_semaphore, #tpu.memory_space<semaphore_mem>>)
        %dma_wait3A_100 = arith.constant 0 : i32
        %dma_wait3A_101 = tpu.memref_slice %arg6[%arg0, %mul3A_94, %dma_wait3A_100] : memref<2x10000x128xf32, #tpu.memory_space<hbm>> -> memref<1x624x128xf32, #tpu.memory_space<hbm>>
        %dma_wait3A_102 = tpu.memref_squeeze %dma_wait3A_101 : memref<1x624x128xf32, #tpu.memory_space<hbm>> -> memref<624x128xf32, #tpu.memory_space<hbm>>
        %dma_wait3A_103 = arith.constant 0 : i32
        %dma_wait3A_104 = tpu.memref_slice %arg13[%mul3A_94, %dma_wait3A_103] : memref<11024x128xf32, #tpu.memory_space<vmem_shared>> -> memref<624x128xf32, #tpu.memory_space<vmem_shared>>
        tpu.wait_dma2 semaphore(%run_scoped3A : memref<!tpu.dma_semaphore, #tpu.memory_space<semaphore_mem>>) src(%dma_wait3A_104 : memref<624x128xf32, #tpu.memory_space<vmem_shared>>) dst(%dma_wait3A_102 : memref<624x128xf32, #tpu.memory_space<hbm>>)
        tpu.yield
      }) : () -> ()
    } else {
    }
    return
  }
}

#map = affine_map<(d0, d1) -> (0, 0)>
#map1 = affine_map<(d0, d1) -> (0, 0, 0)>
module attributes {stable_mosaic.version = 14 : i64} {
  func.func @kd(%arg0: i32, %arg1: i32, %arg2: memref<10000x16xf32, #tpu.memory_space<hbm>>, %arg3: memref<10000x16xf32, #tpu.memory_space<hbm>>, %arg4: memref<32x80x128xi32, #tpu.memory_space<hbm>>, %arg5: memref<32x80x128xi32, #tpu.memory_space<hbm>>, %arg6: memref<2x10000x16xf32, #tpu.memory_space<hbm>>, %arg7: memref<80x128xi32, #tpu.memory_space<vmem>>, %arg8: memref<128x16xf32, #tpu.memory_space<vmem>>, %arg9: memref<11024x16xf32, #tpu.memory_space<vmem_shared>>, %arg10: memref<!tpu.dma_semaphore, #tpu.memory_space<semaphore_mem>>) attributes {dimension_semantics = [#tpu.dimension_semantics<core_parallel>, #tpu.dimension_semantics<subcore_parallel>], iteration_bounds = array<i64: 2, 16>, scalar_prefetch = 0 : i64, scratch_operands = 4 : i64, tpu.core_type = #tpu.core_type<sc_vector_subcore>, window_params = [{transform_indices = #map}, {transform_indices = #map}, {transform_indices = #map1}, {transform_indices = #map1}, {transform_indices = #map1}]} {
    %mul3A = arith.constant 16 : i32
    %mul3A_0 = arith.muli %arg0, %mul3A : i32
    %add3A = arith.addi %mul3A_0, %arg1 : i32
    %dma_start3A = arith.constant 0 : i32
    %dma_start3A_1 = arith.constant 0 : i32
    %dma_start3A_2 = tpu.memref_slice %arg5[%add3A, %dma_start3A, %dma_start3A_1] : memref<32x80x128xi32, #tpu.memory_space<hbm>> -> memref<1x80x128xi32, #tpu.memory_space<hbm>>
    %dma_start3A_3 = tpu.memref_squeeze %dma_start3A_2 : memref<1x80x128xi32, #tpu.memory_space<hbm>> -> memref<80x128xi32, #tpu.memory_space<hbm>>
    %dma_start3A_4 = arith.constant 0 : i32
    %dma_start3A_5 = arith.constant 0 : i32
    %dma_start3A_6 = tpu.memref_slice %arg5[%add3A, %dma_start3A_4, %dma_start3A_5] : memref<32x80x128xi32, #tpu.memory_space<hbm>> -> memref<1x80x128xi32, #tpu.memory_space<hbm>>
    %dma_start3A_7 = tpu.memref_squeeze %dma_start3A_6 : memref<1x80x128xi32, #tpu.memory_space<hbm>> -> memref<80x128xi32, #tpu.memory_space<hbm>>
    tpu.enqueue_dma source(%dma_start3A_7 : memref<80x128xi32, #tpu.memory_space<hbm>>) target(%arg7 : memref<80x128xi32, #tpu.memory_space<vmem>>) target_semaphore(%arg10 : memref<!tpu.dma_semaphore, #tpu.memory_space<semaphore_mem>>)
    %eq3A = arith.constant 0 : i32
    %eq3A_8 = arith.cmpi eq, %arg0, %eq3A : i32
    %convert_element_type3A = arith.extui %eq3A_8 : i1 to i32
    %cond3A = arith.constant 0 : i32
    %cond3A_9 = arith.cmpi ne, %convert_element_type3A, %cond3A : i32
    scf.if %cond3A_9 {
      %lt3A_48 = arith.constant 2 : i32
      %lt3A_49 = arith.cmpi slt, %arg1, %lt3A_48 : i32
      %convert_element_type3A_50 = arith.extui %lt3A_49 : i1 to i32
      %cond3A_51 = arith.constant 0 : i32
      %cond3A_52 = arith.cmpi ne, %convert_element_type3A_50, %cond3A_51 : i32
      scf.if %cond3A_52 {
        %mul3A_58 = arith.constant 79 : i32
        %mul3A_59 = arith.muli %arg1, %mul3A_58 : i32
        %mul3A_60 = arith.constant 8 : i32
        %mul3A_61 = arith.muli %mul3A_59, %mul3A_60 : i32
        "tpu.region"() ({
          %run_scoped3A = tpu.sem_alloc : memref<!tpu.dma_semaphore, #tpu.memory_space<semaphore_mem>>
          %dma_start3A_62 = arith.constant 0 : i32
          %dma_start3A_63 = tpu.memref_slice %arg9[%mul3A_61, %dma_start3A_62] : memref<11024x16xf32, #tpu.memory_space<vmem_shared>> -> memref<632x16xf32, #tpu.memory_space<vmem_shared>>
          %dma_start3A_64 = arith.constant 0 : i32
          %dma_start3A_65 = tpu.memref_slice %arg2[%mul3A_61, %dma_start3A_64] : memref<10000x16xf32, #tpu.memory_space<hbm>> -> memref<632x16xf32, #tpu.memory_space<hbm>>
          tpu.enqueue_dma source(%dma_start3A_65 : memref<632x16xf32, #tpu.memory_space<hbm>>) target(%dma_start3A_63 : memref<632x16xf32, #tpu.memory_space<vmem_shared>>) target_semaphore(%run_scoped3A : memref<!tpu.dma_semaphore, #tpu.memory_space<semaphore_mem>>)
          %dma_wait3A_66 = arith.constant 0 : i32
          %dma_wait3A_67 = tpu.memref_slice %arg9[%mul3A_61, %dma_wait3A_66] : memref<11024x16xf32, #tpu.memory_space<vmem_shared>> -> memref<632x16xf32, #tpu.memory_space<vmem_shared>>
          %dma_wait3A_68 = arith.constant 0 : i32
          %dma_wait3A_69 = tpu.memref_slice %arg2[%mul3A_61, %dma_wait3A_68] : memref<10000x16xf32, #tpu.memory_space<hbm>> -> memref<632x16xf32, #tpu.memory_space<hbm>>
          tpu.wait_dma2 semaphore(%run_scoped3A : memref<!tpu.dma_semaphore, #tpu.memory_space<semaphore_mem>>) src(%dma_wait3A_69 : memref<632x16xf32, #tpu.memory_space<hbm>>) dst(%dma_wait3A_67 : memref<632x16xf32, #tpu.memory_space<vmem_shared>>)
          tpu.yield
        }) : () -> ()
      } else {
      }
      %ge3A_53 = arith.constant 2 : i32
      %ge3A_54 = arith.cmpi sge, %arg1, %ge3A_53 : i32
      %convert_element_type3A_55 = arith.extui %ge3A_54 : i1 to i32
      %cond3A_56 = arith.constant 0 : i32
      %cond3A_57 = arith.cmpi ne, %convert_element_type3A_55, %cond3A_56 : i32
      scf.if %cond3A_57 {
        %sub3A = arith.constant 2 : i32
        %sub3A_58 = arith.subi %arg1, %sub3A : i32
        %mul3A_59 = arith.constant 78 : i32
        %mul3A_60 = arith.muli %sub3A_58, %mul3A_59 : i32
        %add3A_61 = arith.constant 158 : i32
        %add3A_62 = arith.addi %add3A_61, %mul3A_60 : i32
        %mul3A_63 = arith.constant 8 : i32
        %mul3A_64 = arith.muli %add3A_62, %mul3A_63 : i32
        "tpu.region"() ({
          %run_scoped3A = tpu.sem_alloc : memref<!tpu.dma_semaphore, #tpu.memory_space<semaphore_mem>>
          %dma_start3A_65 = arith.constant 0 : i32
          %dma_start3A_66 = tpu.memref_slice %arg9[%mul3A_64, %dma_start3A_65] : memref<11024x16xf32, #tpu.memory_space<vmem_shared>> -> memref<624x16xf32, #tpu.memory_space<vmem_shared>>
          %dma_start3A_67 = arith.constant 0 : i32
          %dma_start3A_68 = tpu.memref_slice %arg2[%mul3A_64, %dma_start3A_67] : memref<10000x16xf32, #tpu.memory_space<hbm>> -> memref<624x16xf32, #tpu.memory_space<hbm>>
          tpu.enqueue_dma source(%dma_start3A_68 : memref<624x16xf32, #tpu.memory_space<hbm>>) target(%dma_start3A_66 : memref<624x16xf32, #tpu.memory_space<vmem_shared>>) target_semaphore(%run_scoped3A : memref<!tpu.dma_semaphore, #tpu.memory_space<semaphore_mem>>)
          %dma_wait3A_69 = arith.constant 0 : i32
          %dma_wait3A_70 = tpu.memref_slice %arg9[%mul3A_64, %dma_wait3A_69] : memref<11024x16xf32, #tpu.memory_space<vmem_shared>> -> memref<624x16xf32, #tpu.memory_space<vmem_shared>>
          %dma_wait3A_71 = arith.constant 0 : i32
          %dma_wait3A_72 = tpu.memref_slice %arg2[%mul3A_64, %dma_wait3A_71] : memref<10000x16xf32, #tpu.memory_space<hbm>> -> memref<624x16xf32, #tpu.memory_space<hbm>>
          tpu.wait_dma2 semaphore(%run_scoped3A : memref<!tpu.dma_semaphore, #tpu.memory_space<semaphore_mem>>) src(%dma_wait3A_72 : memref<624x16xf32, #tpu.memory_space<hbm>>) dst(%dma_wait3A_70 : memref<624x16xf32, #tpu.memory_space<vmem_shared>>)
          tpu.yield
        }) : () -> ()
      } else {
      }
    } else {
    }
    %eq3A_10 = arith.constant 1 : i32
    %eq3A_11 = arith.cmpi eq, %arg0, %eq3A_10 : i32
    %convert_element_type3A_12 = arith.extui %eq3A_11 : i1 to i32
    %cond3A_13 = arith.constant 0 : i32
    %cond3A_14 = arith.cmpi ne, %convert_element_type3A_12, %cond3A_13 : i32
    scf.if %cond3A_14 {
      %lt3A_48 = arith.constant 2 : i32
      %lt3A_49 = arith.cmpi slt, %arg1, %lt3A_48 : i32
      %convert_element_type3A_50 = arith.extui %lt3A_49 : i1 to i32
      %cond3A_51 = arith.constant 0 : i32
      %cond3A_52 = arith.cmpi ne, %convert_element_type3A_50, %cond3A_51 : i32
      scf.if %cond3A_52 {
        %mul3A_58 = arith.constant 79 : i32
        %mul3A_59 = arith.muli %arg1, %mul3A_58 : i32
        %mul3A_60 = arith.constant 8 : i32
        %mul3A_61 = arith.muli %mul3A_59, %mul3A_60 : i32
        "tpu.region"() ({
          %run_scoped3A = tpu.sem_alloc : memref<!tpu.dma_semaphore, #tpu.memory_space<semaphore_mem>>
          %dma_start3A_62 = arith.constant 0 : i32
          %dma_start3A_63 = tpu.memref_slice %arg9[%mul3A_61, %dma_start3A_62] : memref<11024x16xf32, #tpu.memory_space<vmem_shared>> -> memref<632x16xf32, #tpu.memory_space<vmem_shared>>
          %dma_start3A_64 = arith.constant 0 : i32
          %dma_start3A_65 = tpu.memref_slice %arg3[%mul3A_61, %dma_start3A_64] : memref<10000x16xf32, #tpu.memory_space<hbm>> -> memref<632x16xf32, #tpu.memory_space<hbm>>
          tpu.enqueue_dma source(%dma_start3A_65 : memref<632x16xf32, #tpu.memory_space<hbm>>) target(%dma_start3A_63 : memref<632x16xf32, #tpu.memory_space<vmem_shared>>) target_semaphore(%run_scoped3A : memref<!tpu.dma_semaphore, #tpu.memory_space<semaphore_mem>>)
          %dma_wait3A_66 = arith.constant 0 : i32
          %dma_wait3A_67 = tpu.memref_slice %arg9[%mul3A_61, %dma_wait3A_66] : memref<11024x16xf32, #tpu.memory_space<vmem_shared>> -> memref<632x16xf32, #tpu.memory_space<vmem_shared>>
          %dma_wait3A_68 = arith.constant 0 : i32
          %dma_wait3A_69 = tpu.memref_slice %arg3[%mul3A_61, %dma_wait3A_68] : memref<10000x16xf32, #tpu.memory_space<hbm>> -> memref<632x16xf32, #tpu.memory_space<hbm>>
          tpu.wait_dma2 semaphore(%run_scoped3A : memref<!tpu.dma_semaphore, #tpu.memory_space<semaphore_mem>>) src(%dma_wait3A_69 : memref<632x16xf32, #tpu.memory_space<hbm>>) dst(%dma_wait3A_67 : memref<632x16xf32, #tpu.memory_space<vmem_shared>>)
          tpu.yield
        }) : () -> ()
      } else {
      }
      %ge3A_53 = arith.constant 2 : i32
      %ge3A_54 = arith.cmpi sge, %arg1, %ge3A_53 : i32
      %convert_element_type3A_55 = arith.extui %ge3A_54 : i1 to i32
      %cond3A_56 = arith.constant 0 : i32
      %cond3A_57 = arith.cmpi ne, %convert_element_type3A_55, %cond3A_56 : i32
      scf.if %cond3A_57 {
        %sub3A = arith.constant 2 : i32
        %sub3A_58 = arith.subi %arg1, %sub3A : i32
        %mul3A_59 = arith.constant 78 : i32
        %mul3A_60 = arith.muli %sub3A_58, %mul3A_59 : i32
        %add3A_61 = arith.constant 158 : i32
        %add3A_62 = arith.addi %add3A_61, %mul3A_60 : i32
        %mul3A_63 = arith.constant 8 : i32
        %mul3A_64 = arith.muli %add3A_62, %mul3A_63 : i32
        "tpu.region"() ({
          %run_scoped3A = tpu.sem_alloc : memref<!tpu.dma_semaphore, #tpu.memory_space<semaphore_mem>>
          %dma_start3A_65 = arith.constant 0 : i32
          %dma_start3A_66 = tpu.memref_slice %arg9[%mul3A_64, %dma_start3A_65] : memref<11024x16xf32, #tpu.memory_space<vmem_shared>> -> memref<624x16xf32, #tpu.memory_space<vmem_shared>>
          %dma_start3A_67 = arith.constant 0 : i32
          %dma_start3A_68 = tpu.memref_slice %arg3[%mul3A_64, %dma_start3A_67] : memref<10000x16xf32, #tpu.memory_space<hbm>> -> memref<624x16xf32, #tpu.memory_space<hbm>>
          tpu.enqueue_dma source(%dma_start3A_68 : memref<624x16xf32, #tpu.memory_space<hbm>>) target(%dma_start3A_66 : memref<624x16xf32, #tpu.memory_space<vmem_shared>>) target_semaphore(%run_scoped3A : memref<!tpu.dma_semaphore, #tpu.memory_space<semaphore_mem>>)
          %dma_wait3A_69 = arith.constant 0 : i32
          %dma_wait3A_70 = tpu.memref_slice %arg9[%mul3A_64, %dma_wait3A_69] : memref<11024x16xf32, #tpu.memory_space<vmem_shared>> -> memref<624x16xf32, #tpu.memory_space<vmem_shared>>
          %dma_wait3A_71 = arith.constant 0 : i32
          %dma_wait3A_72 = tpu.memref_slice %arg3[%mul3A_64, %dma_wait3A_71] : memref<10000x16xf32, #tpu.memory_space<hbm>> -> memref<624x16xf32, #tpu.memory_space<hbm>>
          tpu.wait_dma2 semaphore(%run_scoped3A : memref<!tpu.dma_semaphore, #tpu.memory_space<semaphore_mem>>) src(%dma_wait3A_72 : memref<624x16xf32, #tpu.memory_space<hbm>>) dst(%dma_wait3A_70 : memref<624x16xf32, #tpu.memory_space<vmem_shared>>)
          tpu.yield
        }) : () -> ()
      } else {
      }
    } else {
    }
    %scan3A = arith.constant 0 : i32
    %scan3A_15 = arith.constant 0 : i32
    %scan3A_16 = arith.constant 128 : i32
    %scan3A_17 = arith.addi %scan3A_15, %scan3A_16 : i32
    %scan3A_18 = arith.constant 1 : i32
    scf.for %scan3A_48 = %scan3A_15 to %scan3A_17 step %scan3A_18  : i32 {
      %broadcast_in_dim3A = arith.constant 1.000000e+00 : f32
      %broadcast_in_dim3A_49 = vector.broadcast %broadcast_in_dim3A : f32 to vector<16xf32>
      %swap3A = arith.index_cast %scan3A_48 : i32 to index
      %swap3A_50 = arith.constant 0 : index
      %swap3A_51 = tpu.vector_load %arg8[%swap3A, %swap3A_50] {strides = array<i32>} : memref<128x16xf32, #tpu.memory_space<vmem>>, vector<1x16xf32>,
      %swap3A_52 = vector.shape_cast %swap3A_51 : vector<1x16xf32> to vector<16xf32>
      %swap3A_53 = vector.shape_cast %broadcast_in_dim3A_49 : vector<16xf32> to vector<1x16xf32>
      tpu.vector_store %arg8[%swap3A, %swap3A_50], %swap3A_53 {strides = array<i32>} : memref<128x16xf32, #tpu.memory_space<vmem>>, vector<1x16xf32>,
    }
    %scan3A_19 = arith.constant 128 : i32
    %dma_wait3A = arith.constant 0 : i32
    %dma_wait3A_20 = arith.constant 0 : i32
    %dma_wait3A_21 = tpu.memref_slice %arg5[%add3A, %dma_wait3A, %dma_wait3A_20] : memref<32x80x128xi32, #tpu.memory_space<hbm>> -> memref<1x80x128xi32, #tpu.memory_space<hbm>>
    %dma_wait3A_22 = tpu.memref_squeeze %dma_wait3A_21 : memref<1x80x128xi32, #tpu.memory_space<hbm>> -> memref<80x128xi32, #tpu.memory_space<hbm>>
    %dma_wait3A_23 = arith.constant 0 : i32
    %dma_wait3A_24 = arith.constant 0 : i32
    %dma_wait3A_25 = tpu.memref_slice %arg5[%add3A, %dma_wait3A_23, %dma_wait3A_24] : memref<32x80x128xi32, #tpu.memory_space<hbm>> -> memref<1x80x128xi32, #tpu.memory_space<hbm>>
    %dma_wait3A_26 = tpu.memref_squeeze %dma_wait3A_25 : memref<1x80x128xi32, #tpu.memory_space<hbm>> -> memref<80x128xi32, #tpu.memory_space<hbm>>
    tpu.wait_dma2 semaphore(%arg10 : memref<!tpu.dma_semaphore, #tpu.memory_space<semaphore_mem>>) src(%dma_wait3A_26 : memref<80x128xi32, #tpu.memory_space<hbm>>) dst(%arg7 : memref<80x128xi32, #tpu.memory_space<vmem>>)
    %barrier3A = arith.constant 0 : index
    tpu.barrier barrier_id(%barrier3A)
    %scan3A_27 = arith.constant 0 : i32
    %scan3A_28 = arith.constant 0 : i32
    %scan3A_29 = arith.constant 80 : i32
    %scan3A_30 = arith.addi %scan3A_28, %scan3A_29 : i32
    %scan3A_31 = arith.constant 1 : i32
    scf.for %scan3A_48 = %scan3A_28 to %scan3A_30 step %scan3A_31  : i32 {
      %dma_start3A_49 = arith.constant 0 : i32
      %dma_start3A_50 = tpu.memref_slice %arg7[%scan3A_48, %dma_start3A_49] : memref<80x128xi32, #tpu.memory_space<vmem>> -> memref<1x128xi32, #tpu.memory_space<vmem>>
      %dma_start3A_51 = tpu.memref_squeeze %dma_start3A_50 : memref<1x128xi32, #tpu.memory_space<vmem>> -> memref<128xi32, #tpu.memory_space<vmem>>
      %dma_start3A_52 = arith.constant 0 : i32
      %dma_start3A_53 = arith.constant 0 : i32
      %dma_start3A_54 = tpu.memref_slice %arg9[%dma_start3A_52, %dma_start3A_53] : memref<11024x16xf32, #tpu.memory_space<vmem_shared>> -> memref<11024x16xf32, #tpu.memory_space<vmem_shared>>
      tpu.enqueue_indirect_dma source(%arg8 : memref<128x16xf32, #tpu.memory_space<vmem>>) target(%dma_start3A_54 : memref<11024x16xf32, #tpu.memory_space<vmem_shared>>) offsets(%dma_start3A_51 : memref<128xi32, #tpu.memory_space<vmem>>) semaphore(%arg10 : memref<!tpu.dma_semaphore, #tpu.memory_space<semaphore_mem>>) {add = true}
    }
    %scan3A_32 = arith.constant 80 : i32
    %scan3A_33 = arith.constant 0 : i32
    %scan3A_34 = arith.constant 0 : i32
    %scan3A_35 = arith.constant 80 : i32
    %scan3A_36 = arith.addi %scan3A_34, %scan3A_35 : i32
    %scan3A_37 = arith.constant 1 : i32
    scf.for %scan3A_48 = %scan3A_34 to %scan3A_36 step %scan3A_37  : i32 {
      %dma_wait3A_49 = arith.constant 0 : i32
      %dma_wait3A_50 = arith.constant 0 : i32
      %dma_wait3A_51 = tpu.memref_slice %arg7[%dma_wait3A_49, %dma_wait3A_50] : memref<80x128xi32, #tpu.memory_space<vmem>> -> memref<1x128xi32, #tpu.memory_space<vmem>>
      %dma_wait3A_52 = tpu.memref_squeeze %dma_wait3A_51 : memref<1x128xi32, #tpu.memory_space<vmem>> -> memref<128xi32, #tpu.memory_space<vmem>>
      %dma_wait3A_53 = arith.constant 0 : i32
      %dma_wait3A_54 = arith.constant 0 : i32
      %dma_wait3A_55 = tpu.memref_slice %arg9[%dma_wait3A_53, %dma_wait3A_54] : memref<11024x16xf32, #tpu.memory_space<vmem_shared>> -> memref<11024x16xf32, #tpu.memory_space<vmem_shared>>
      tpu.wait_indirect_dma semaphore(%arg10 : memref<!tpu.dma_semaphore, #tpu.memory_space<semaphore_mem>>) src(%arg8 : memref<128x16xf32, #tpu.memory_space<vmem>>) dst(%dma_wait3A_55 : memref<11024x16xf32, #tpu.memory_space<vmem_shared>>)
    }
    %scan3A_38 = arith.constant 80 : i32
    %barrier3A_39 = arith.constant 0 : index
    tpu.barrier barrier_id(%barrier3A_39)
    %lt3A = arith.constant 2 : i32
    %lt3A_40 = arith.cmpi slt, %arg1, %lt3A : i32
    %convert_element_type3A_41 = arith.extui %lt3A_40 : i1 to i32
    %cond3A_42 = arith.constant 0 : i32
    %cond3A_43 = arith.cmpi ne, %convert_element_type3A_41, %cond3A_42 : i32
    scf.if %cond3A_43 {
      %mul3A_48 = arith.constant 79 : i32
      %mul3A_49 = arith.muli %arg1, %mul3A_48 : i32
      %mul3A_50 = arith.constant 8 : i32
      %mul3A_51 = arith.muli %mul3A_49, %mul3A_50 : i32
      "tpu.region"() ({
        %run_scoped3A = tpu.sem_alloc : memref<!tpu.dma_semaphore, #tpu.memory_space<semaphore_mem>>
        %dma_start3A_52 = arith.constant 0 : i32
        %dma_start3A_53 = tpu.memref_slice %arg6[%arg0, %mul3A_51, %dma_start3A_52] : memref<2x10000x16xf32, #tpu.memory_space<hbm>> -> memref<1x632x16xf32, #tpu.memory_space<hbm>>
        %dma_start3A_54 = tpu.memref_squeeze %dma_start3A_53 : memref<1x632x16xf32, #tpu.memory_space<hbm>> -> memref<632x16xf32, #tpu.memory_space<hbm>>
        %dma_start3A_55 = arith.constant 0 : i32
        %dma_start3A_56 = tpu.memref_slice %arg9[%mul3A_51, %dma_start3A_55] : memref<11024x16xf32, #tpu.memory_space<vmem_shared>> -> memref<632x16xf32, #tpu.memory_space<vmem_shared>>
        tpu.enqueue_dma source(%dma_start3A_56 : memref<632x16xf32, #tpu.memory_space<vmem_shared>>) target(%dma_start3A_54 : memref<632x16xf32, #tpu.memory_space<hbm>>) target_semaphore(%run_scoped3A : memref<!tpu.dma_semaphore, #tpu.memory_space<semaphore_mem>>)
        %dma_wait3A_57 = arith.constant 0 : i32
        %dma_wait3A_58 = tpu.memref_slice %arg6[%arg0, %mul3A_51, %dma_wait3A_57] : memref<2x10000x16xf32, #tpu.memory_space<hbm>> -> memref<1x632x16xf32, #tpu.memory_space<hbm>>
        %dma_wait3A_59 = tpu.memref_squeeze %dma_wait3A_58 : memref<1x632x16xf32, #tpu.memory_space<hbm>> -> memref<632x16xf32, #tpu.memory_space<hbm>>
        %dma_wait3A_60 = arith.constant 0 : i32
        %dma_wait3A_61 = tpu.memref_slice %arg9[%mul3A_51, %dma_wait3A_60] : memref<11024x16xf32, #tpu.memory_space<vmem_shared>> -> memref<632x16xf32, #tpu.memory_space<vmem_shared>>
        tpu.wait_dma2 semaphore(%run_scoped3A : memref<!tpu.dma_semaphore, #tpu.memory_space<semaphore_mem>>) src(%dma_wait3A_61 : memref<632x16xf32, #tpu.memory_space<vmem_shared>>) dst(%dma_wait3A_59 : memref<632x16xf32, #tpu.memory_space<hbm>>)
        tpu.yield
      }) : () -> ()
    } else {
    }
    %ge3A = arith.constant 2 : i32
    %ge3A_44 = arith.cmpi sge, %arg1, %ge3A : i32
    %convert_element_type3A_45 = arith.extui %ge3A_44 : i1 to i32
    %cond3A_46 = arith.constant 0 : i32
    %cond3A_47 = arith.cmpi ne, %convert_element_type3A_45, %cond3A_46 : i32
    scf.if %cond3A_47 {
      %sub3A = arith.constant 2 : i32
      %sub3A_48 = arith.subi %arg1, %sub3A : i32
      %mul3A_49 = arith.constant 78 : i32
      %mul3A_50 = arith.muli %sub3A_48, %mul3A_49 : i32
      %add3A_51 = arith.constant 158 : i32
      %add3A_52 = arith.addi %add3A_51, %mul3A_50 : i32
      %mul3A_53 = arith.constant 8 : i32
      %mul3A_54 = arith.muli %add3A_52, %mul3A_53 : i32
      "tpu.region"() ({
        %run_scoped3A = tpu.sem_alloc : memref<!tpu.dma_semaphore, #tpu.memory_space<semaphore_mem>>
        %dma_start3A_55 = arith.constant 0 : i32
        %dma_start3A_56 = tpu.memref_slice %arg6[%arg0, %mul3A_54, %dma_start3A_55] : memref<2x10000x16xf32, #tpu.memory_space<hbm>> -> memref<1x624x16xf32, #tpu.memory_space<hbm>>
        %dma_start3A_57 = tpu.memref_squeeze %dma_start3A_56 : memref<1x624x16xf32, #tpu.memory_space<hbm>> -> memref<624x16xf32, #tpu.memory_space<hbm>>
        %dma_start3A_58 = arith.constant 0 : i32
        %dma_start3A_59 = tpu.memref_slice %arg9[%mul3A_54, %dma_start3A_58] : memref<11024x16xf32, #tpu.memory_space<vmem_shared>> -> memref<624x16xf32, #tpu.memory_space<vmem_shared>>
        tpu.enqueue_dma source(%dma_start3A_59 : memref<624x16xf32, #tpu.memory_space<vmem_shared>>) target(%dma_start3A_57 : memref<624x16xf32, #tpu.memory_space<hbm>>) target_semaphore(%run_scoped3A : memref<!tpu.dma_semaphore, #tpu.memory_space<semaphore_mem>>)
        %dma_wait3A_60 = arith.constant 0 : i32
        %dma_wait3A_61 = tpu.memref_slice %arg6[%arg0, %mul3A_54, %dma_wait3A_60] : memref<2x10000x16xf32, #tpu.memory_space<hbm>> -> memref<1x624x16xf32, #tpu.memory_space<hbm>>
        %dma_wait3A_62 = tpu.memref_squeeze %dma_wait3A_61 : memref<1x624x16xf32, #tpu.memory_space<hbm>> -> memref<624x16xf32, #tpu.memory_space<hbm>>
        %dma_wait3A_63 = arith.constant 0 : i32
        %dma_wait3A_64 = tpu.memref_slice %arg9[%mul3A_54, %dma_wait3A_63] : memref<11024x16xf32, #tpu.memory_space<vmem_shared>> -> memref<624x16xf32, #tpu.memory_space<vmem_shared>>
        tpu.wait_dma2 semaphore(%run_scoped3A : memref<!tpu.dma_semaphore, #tpu.memory_space<semaphore_mem>>) src(%dma_wait3A_64 : memref<624x16xf32, #tpu.memory_space<vmem_shared>>) dst(%dma_wait3A_62 : memref<624x16xf32, #tpu.memory_space<hbm>>)
        tpu.yield
      }) : () -> ()
    } else {
    }
    return
  }
}

#map = affine_map<(d0, d1) -> (0, 0)>
#map1 = affine_map<(d0, d1) -> (0, 0, 0, 0)>
#map2 = affine_map<(d0, d1) -> (0, 0, 0)>
module attributes {stable_mosaic.version = 14 : i64} {
  func.func @k(%arg0: i32, %arg1: i32, %arg2: memref<10000x128xf32, #tpu.memory_space<hbm>>, %arg3: memref<10000x128xf32, #tpu.memory_space<hbm>>, %arg4: memref<32x40x2x128xi32, #tpu.memory_space<hbm>>, %arg5: memref<32x40x2x128xi32, #tpu.memory_space<hbm>>, %arg6: memref<2x10000x128xf32, #tpu.memory_space<hbm>>, %arg7: memref<2x128xi32, #tpu.memory_space<vmem>>, %arg8: memref<2x128xi32, #tpu.memory_space<vmem>>, %arg9: memref<2x128xi32, #tpu.memory_space<vmem>>, %arg10: memref<2x128xi32, #tpu.memory_space<vmem>>, %arg11: memref<128x128xf32, #tpu.memory_space<vmem>>, %arg12: memref<128x128xf32, #tpu.memory_space<vmem>>, %arg13: memref<11024x128xf32, #tpu.memory_space<vmem_shared>>, %arg14: memref<!tpu.dma_semaphore, #tpu.memory_space<semaphore_mem>>, %arg15: memref<!tpu.dma_semaphore, #tpu.memory_space<semaphore_mem>>, %arg16: memref<!tpu.dma_semaphore, #tpu.memory_space<semaphore_mem>>) attributes {dimension_semantics = [#tpu.dimension_semantics<core_parallel>, #tpu.dimension_semantics<subcore_parallel>], iteration_bounds = array<i64: 2, 16>, scalar_prefetch = 0 : i64, scratch_operands = 10 : i64, tpu.core_type = #tpu.core_type<sc_vector_subcore>, window_params = [{transform_indices = #map}, {transform_indices = #map}, {transform_indices = #map1}, {transform_indices = #map1}, {transform_indices = #map2}]} {
    %mul3A = arith.constant 16 : i32
    %mul3A_0 = arith.muli %arg0, %mul3A : i32
    %add3A = arith.addi %mul3A_0, %arg1 : i32
    %dma_start3A = arith.constant 0 : i32
    %dma_start3A_1 = arith.constant 0 : i32
    %dma_start3A_2 = arith.constant 0 : i32
    %dma_start3A_3 = tpu.memref_slice %arg4[%add3A, %dma_start3A, %dma_start3A_1, %dma_start3A_2] : memref<32x40x2x128xi32, #tpu.memory_space<hbm>> -> memref<1x1x2x128xi32, #tpu.memory_space<hbm>>
    %dma_start3A_4 = tpu.memref_squeeze %dma_start3A_3 : memref<1x1x2x128xi32, #tpu.memory_space<hbm>> -> memref<2x128xi32, #tpu.memory_space<hbm>>
    %dma_start3A_5 = arith.constant 0 : i32
    %dma_start3A_6 = arith.constant 0 : i32
    %dma_start3A_7 = tpu.memref_slice %arg4[%add3A, %dma_start3A, %dma_start3A_5, %dma_start3A_6] : memref<32x40x2x128xi32, #tpu.memory_space<hbm>> -> memref<1x1x2x128xi32, #tpu.memory_space<hbm>>
    %dma_start3A_8 = tpu.memref_squeeze %dma_start3A_7 : memref<1x1x2x128xi32, #tpu.memory_space<hbm>> -> memref<2x128xi32, #tpu.memory_space<hbm>>
    tpu.enqueue_dma source(%dma_start3A_8 : memref<2x128xi32, #tpu.memory_space<hbm>>) target(%arg7 : memref<2x128xi32, #tpu.memory_space<vmem>>) target_semaphore(%arg15 : memref<!tpu.dma_semaphore, #tpu.memory_space<semaphore_mem>>)
    %dma_start3A_9 = arith.constant 0 : i32
    %dma_start3A_10 = arith.constant 0 : i32
    %dma_start3A_11 = arith.constant 0 : i32
    %dma_start3A_12 = tpu.memref_slice %arg5[%add3A, %dma_start3A_9, %dma_start3A_10, %dma_start3A_11] : memref<32x40x2x128xi32, #tpu.memory_space<hbm>> -> memref<1x1x2x128xi32, #tpu.memory_space<hbm>>
    %dma_start3A_13 = tpu.memref_squeeze %dma_start3A_12 : memref<1x1x2x128xi32, #tpu.memory_space<hbm>> -> memref<2x128xi32, #tpu.memory_space<hbm>>
    %dma_start3A_14 = arith.constant 0 : i32
    %dma_start3A_15 = arith.constant 0 : i32
    %dma_start3A_16 = tpu.memref_slice %arg5[%add3A, %dma_start3A_9, %dma_start3A_14, %dma_start3A_15] : memref<32x40x2x128xi32, #tpu.memory_space<hbm>> -> memref<1x1x2x128xi32, #tpu.memory_space<hbm>>
    %dma_start3A_17 = tpu.memref_squeeze %dma_start3A_16 : memref<1x1x2x128xi32, #tpu.memory_space<hbm>> -> memref<2x128xi32, #tpu.memory_space<hbm>>
    tpu.enqueue_dma source(%dma_start3A_17 : memref<2x128xi32, #tpu.memory_space<hbm>>) target(%arg8 : memref<2x128xi32, #tpu.memory_space<vmem>>) target_semaphore(%arg15 : memref<!tpu.dma_semaphore, #tpu.memory_space<semaphore_mem>>)
    %eq3A = arith.constant 0 : i32
    %eq3A_18 = arith.cmpi eq, %arg0, %eq3A : i32
    %convert_element_type3A = arith.extui %eq3A_18 : i1 to i32
    %cond3A = arith.constant 0 : i32
    %cond3A_19 = arith.cmpi ne, %convert_element_type3A, %cond3A : i32
    scf.if %cond3A_19 {
      %lt3A_88 = arith.constant 2 : i32
      %lt3A_89 = arith.cmpi slt, %arg1, %lt3A_88 : i32
      %convert_element_type3A_90 = arith.extui %lt3A_89 : i1 to i32
      %cond3A_91 = arith.constant 0 : i32
      %cond3A_92 = arith.cmpi ne, %convert_element_type3A_90, %cond3A_91 : i32
      scf.if %cond3A_92 {
        %mul3A_98 = arith.constant 79 : i32
        %mul3A_99 = arith.muli %arg1, %mul3A_98 : i32
        %mul3A_100 = arith.constant 8 : i32
        %mul3A_101 = arith.muli %mul3A_99, %mul3A_100 : i32
        "tpu.region"() ({
          %run_scoped3A = tpu.sem_alloc : memref<!tpu.dma_semaphore, #tpu.memory_space<semaphore_mem>>
          %dma_start3A_102 = arith.constant 0 : i32
          %dma_start3A_103 = tpu.memref_slice %arg13[%mul3A_101, %dma_start3A_102] : memref<11024x128xf32, #tpu.memory_space<vmem_shared>> -> memref<632x128xf32, #tpu.memory_space<vmem_shared>>
          %dma_start3A_104 = arith.constant 0 : i32
          %dma_start3A_105 = tpu.memref_slice %arg2[%mul3A_101, %dma_start3A_104] : memref<10000x128xf32, #tpu.memory_space<hbm>> -> memref<632x128xf32, #tpu.memory_space<hbm>>
          tpu.enqueue_dma source(%dma_start3A_105 : memref<632x128xf32, #tpu.memory_space<hbm>>) target(%dma_start3A_103 : memref<632x128xf32, #tpu.memory_space<vmem_shared>>) target_semaphore(%run_scoped3A : memref<!tpu.dma_semaphore, #tpu.memory_space<semaphore_mem>>)
          %dma_wait3A_106 = arith.constant 0 : i32
          %dma_wait3A_107 = tpu.memref_slice %arg13[%mul3A_101, %dma_wait3A_106] : memref<11024x128xf32, #tpu.memory_space<vmem_shared>> -> memref<632x128xf32, #tpu.memory_space<vmem_shared>>
          %dma_wait3A_108 = arith.constant 0 : i32
          %dma_wait3A_109 = tpu.memref_slice %arg2[%mul3A_101, %dma_wait3A_108] : memref<10000x128xf32, #tpu.memory_space<hbm>> -> memref<632x128xf32, #tpu.memory_space<hbm>>
          tpu.wait_dma2 semaphore(%run_scoped3A : memref<!tpu.dma_semaphore, #tpu.memory_space<semaphore_mem>>) src(%dma_wait3A_109 : memref<632x128xf32, #tpu.memory_space<hbm>>) dst(%dma_wait3A_107 : memref<632x128xf32, #tpu.memory_space<vmem_shared>>)
          tpu.yield
        }) : () -> ()
      } else {
      }
      %ge3A_93 = arith.constant 2 : i32
      %ge3A_94 = arith.cmpi sge, %arg1, %ge3A_93 : i32
      %convert_element_type3A_95 = arith.extui %ge3A_94 : i1 to i32
      %cond3A_96 = arith.constant 0 : i32
      %cond3A_97 = arith.cmpi ne, %convert_element_type3A_95, %cond3A_96 : i32
      scf.if %cond3A_97 {
        %sub3A = arith.constant 2 : i32
        %sub3A_98 = arith.subi %arg1, %sub3A : i32
        %mul3A_99 = arith.constant 78 : i32
        %mul3A_100 = arith.muli %sub3A_98, %mul3A_99 : i32
        %add3A_101 = arith.constant 158 : i32
        %add3A_102 = arith.addi %add3A_101, %mul3A_100 : i32
        %mul3A_103 = arith.constant 8 : i32
        %mul3A_104 = arith.muli %add3A_102, %mul3A_103 : i32
        "tpu.region"() ({
          %run_scoped3A = tpu.sem_alloc : memref<!tpu.dma_semaphore, #tpu.memory_space<semaphore_mem>>
          %dma_start3A_105 = arith.constant 0 : i32
          %dma_start3A_106 = tpu.memref_slice %arg13[%mul3A_104, %dma_start3A_105] : memref<11024x128xf32, #tpu.memory_space<vmem_shared>> -> memref<624x128xf32, #tpu.memory_space<vmem_shared>>
          %dma_start3A_107 = arith.constant 0 : i32
          %dma_start3A_108 = tpu.memref_slice %arg2[%mul3A_104, %dma_start3A_107] : memref<10000x128xf32, #tpu.memory_space<hbm>> -> memref<624x128xf32, #tpu.memory_space<hbm>>
          tpu.enqueue_dma source(%dma_start3A_108 : memref<624x128xf32, #tpu.memory_space<hbm>>) target(%dma_start3A_106 : memref<624x128xf32, #tpu.memory_space<vmem_shared>>) target_semaphore(%run_scoped3A : memref<!tpu.dma_semaphore, #tpu.memory_space<semaphore_mem>>)
          %dma_wait3A_109 = arith.constant 0 : i32
          %dma_wait3A_110 = tpu.memref_slice %arg13[%mul3A_104, %dma_wait3A_109] : memref<11024x128xf32, #tpu.memory_space<vmem_shared>> -> memref<624x128xf32, #tpu.memory_space<vmem_shared>>
          %dma_wait3A_111 = arith.constant 0 : i32
          %dma_wait3A_112 = tpu.memref_slice %arg2[%mul3A_104, %dma_wait3A_111] : memref<10000x128xf32, #tpu.memory_space<hbm>> -> memref<624x128xf32, #tpu.memory_space<hbm>>
          tpu.wait_dma2 semaphore(%run_scoped3A : memref<!tpu.dma_semaphore, #tpu.memory_space<semaphore_mem>>) src(%dma_wait3A_112 : memref<624x128xf32, #tpu.memory_space<hbm>>) dst(%dma_wait3A_110 : memref<624x128xf32, #tpu.memory_space<vmem_shared>>)
          tpu.yield
        }) : () -> ()
      } else {
      }
    } else {
    }
    %eq3A_20 = arith.constant 1 : i32
    %eq3A_21 = arith.cmpi eq, %arg0, %eq3A_20 : i32
    %convert_element_type3A_22 = arith.extui %eq3A_21 : i1 to i32
    %cond3A_23 = arith.constant 0 : i32
    %cond3A_24 = arith.cmpi ne, %convert_element_type3A_22, %cond3A_23 : i32
    scf.if %cond3A_24 {
      %lt3A_88 = arith.constant 2 : i32
      %lt3A_89 = arith.cmpi slt, %arg1, %lt3A_88 : i32
      %convert_element_type3A_90 = arith.extui %lt3A_89 : i1 to i32
      %cond3A_91 = arith.constant 0 : i32
      %cond3A_92 = arith.cmpi ne, %convert_element_type3A_90, %cond3A_91 : i32
      scf.if %cond3A_92 {
        %mul3A_98 = arith.constant 79 : i32
        %mul3A_99 = arith.muli %arg1, %mul3A_98 : i32
        %mul3A_100 = arith.constant 8 : i32
        %mul3A_101 = arith.muli %mul3A_99, %mul3A_100 : i32
        "tpu.region"() ({
          %run_scoped3A = tpu.sem_alloc : memref<!tpu.dma_semaphore, #tpu.memory_space<semaphore_mem>>
          %dma_start3A_102 = arith.constant 0 : i32
          %dma_start3A_103 = tpu.memref_slice %arg13[%mul3A_101, %dma_start3A_102] : memref<11024x128xf32, #tpu.memory_space<vmem_shared>> -> memref<632x128xf32, #tpu.memory_space<vmem_shared>>
          %dma_start3A_104 = arith.constant 0 : i32
          %dma_start3A_105 = tpu.memref_slice %arg3[%mul3A_101, %dma_start3A_104] : memref<10000x128xf32, #tpu.memory_space<hbm>> -> memref<632x128xf32, #tpu.memory_space<hbm>>
          tpu.enqueue_dma source(%dma_start3A_105 : memref<632x128xf32, #tpu.memory_space<hbm>>) target(%dma_start3A_103 : memref<632x128xf32, #tpu.memory_space<vmem_shared>>) target_semaphore(%run_scoped3A : memref<!tpu.dma_semaphore, #tpu.memory_space<semaphore_mem>>)
          %dma_wait3A_106 = arith.constant 0 : i32
          %dma_wait3A_107 = tpu.memref_slice %arg13[%mul3A_101, %dma_wait3A_106] : memref<11024x128xf32, #tpu.memory_space<vmem_shared>> -> memref<632x128xf32, #tpu.memory_space<vmem_shared>>
          %dma_wait3A_108 = arith.constant 0 : i32
          %dma_wait3A_109 = tpu.memref_slice %arg3[%mul3A_101, %dma_wait3A_108] : memref<10000x128xf32, #tpu.memory_space<hbm>> -> memref<632x128xf32, #tpu.memory_space<hbm>>
          tpu.wait_dma2 semaphore(%run_scoped3A : memref<!tpu.dma_semaphore, #tpu.memory_space<semaphore_mem>>) src(%dma_wait3A_109 : memref<632x128xf32, #tpu.memory_space<hbm>>) dst(%dma_wait3A_107 : memref<632x128xf32, #tpu.memory_space<vmem_shared>>)
          tpu.yield
        }) : () -> ()
      } else {
      }
      %ge3A_93 = arith.constant 2 : i32
      %ge3A_94 = arith.cmpi sge, %arg1, %ge3A_93 : i32
      %convert_element_type3A_95 = arith.extui %ge3A_94 : i1 to i32
      %cond3A_96 = arith.constant 0 : i32
      %cond3A_97 = arith.cmpi ne, %convert_element_type3A_95, %cond3A_96 : i32
      scf.if %cond3A_97 {
        %sub3A = arith.constant 2 : i32
        %sub3A_98 = arith.subi %arg1, %sub3A : i32
        %mul3A_99 = arith.constant 78 : i32
        %mul3A_100 = arith.muli %sub3A_98, %mul3A_99 : i32
        %add3A_101 = arith.constant 158 : i32
        %add3A_102 = arith.addi %add3A_101, %mul3A_100 : i32
        %mul3A_103 = arith.constant 8 : i32
        %mul3A_104 = arith.muli %add3A_102, %mul3A_103 : i32
        "tpu.region"() ({
          %run_scoped3A = tpu.sem_alloc : memref<!tpu.dma_semaphore, #tpu.memory_space<semaphore_mem>>
          %dma_start3A_105 = arith.constant 0 : i32
          %dma_start3A_106 = tpu.memref_slice %arg13[%mul3A_104, %dma_start3A_105] : memref<11024x128xf32, #tpu.memory_space<vmem_shared>> -> memref<624x128xf32, #tpu.memory_space<vmem_shared>>
          %dma_start3A_107 = arith.constant 0 : i32
          %dma_start3A_108 = tpu.memref_slice %arg3[%mul3A_104, %dma_start3A_107] : memref<10000x128xf32, #tpu.memory_space<hbm>> -> memref<624x128xf32, #tpu.memory_space<hbm>>
          tpu.enqueue_dma source(%dma_start3A_108 : memref<624x128xf32, #tpu.memory_space<hbm>>) target(%dma_start3A_106 : memref<624x128xf32, #tpu.memory_space<vmem_shared>>) target_semaphore(%run_scoped3A : memref<!tpu.dma_semaphore, #tpu.memory_space<semaphore_mem>>)
          %dma_wait3A_109 = arith.constant 0 : i32
          %dma_wait3A_110 = tpu.memref_slice %arg13[%mul3A_104, %dma_wait3A_109] : memref<11024x128xf32, #tpu.memory_space<vmem_shared>> -> memref<624x128xf32, #tpu.memory_space<vmem_shared>>
          %dma_wait3A_111 = arith.constant 0 : i32
          %dma_wait3A_112 = tpu.memref_slice %arg3[%mul3A_104, %dma_wait3A_111] : memref<10000x128xf32, #tpu.memory_space<hbm>> -> memref<624x128xf32, #tpu.memory_space<hbm>>
          tpu.wait_dma2 semaphore(%run_scoped3A : memref<!tpu.dma_semaphore, #tpu.memory_space<semaphore_mem>>) src(%dma_wait3A_112 : memref<624x128xf32, #tpu.memory_space<hbm>>) dst(%dma_wait3A_110 : memref<624x128xf32, #tpu.memory_space<vmem_shared>>)
          tpu.yield
        }) : () -> ()
      } else {
      }
    } else {
    }
    %dma_wait3A = arith.constant 0 : i32
    %dma_wait3A_25 = arith.constant 0 : i32
    %dma_wait3A_26 = arith.constant 0 : i32
    %dma_wait3A_27 = tpu.memref_slice %arg4[%add3A, %dma_wait3A, %dma_wait3A_25, %dma_wait3A_26] : memref<32x40x2x128xi32, #tpu.memory_space<hbm>> -> memref<1x1x2x128xi32, #tpu.memory_space<hbm>>
    %dma_wait3A_28 = tpu.memref_squeeze %dma_wait3A_27 : memref<1x1x2x128xi32, #tpu.memory_space<hbm>> -> memref<2x128xi32, #tpu.memory_space<hbm>>
    %dma_wait3A_29 = arith.constant 0 : i32
    %dma_wait3A_30 = arith.constant 0 : i32
    %dma_wait3A_31 = tpu.memref_slice %arg4[%add3A, %dma_wait3A, %dma_wait3A_29, %dma_wait3A_30] : memref<32x40x2x128xi32, #tpu.memory_space<hbm>> -> memref<1x1x2x128xi32, #tpu.memory_space<hbm>>
    %dma_wait3A_32 = tpu.memref_squeeze %dma_wait3A_31 : memref<1x1x2x128xi32, #tpu.memory_space<hbm>> -> memref<2x128xi32, #tpu.memory_space<hbm>>
    tpu.wait_dma2 semaphore(%arg15 : memref<!tpu.dma_semaphore, #tpu.memory_space<semaphore_mem>>) src(%dma_wait3A_32 : memref<2x128xi32, #tpu.memory_space<hbm>>) dst(%arg7 : memref<2x128xi32, #tpu.memory_space<vmem>>)
    %dma_wait3A_33 = arith.constant 0 : i32
    %dma_wait3A_34 = arith.constant 0 : i32
    %dma_wait3A_35 = arith.constant 0 : i32
    %dma_wait3A_36 = tpu.memref_slice %arg5[%add3A, %dma_wait3A_33, %dma_wait3A_34, %dma_wait3A_35] : memref<32x40x2x128xi32, #tpu.memory_space<hbm>> -> memref<1x1x2x128xi32, #tpu.memory_space<hbm>>
    %dma_wait3A_37 = tpu.memref_squeeze %dma_wait3A_36 : memref<1x1x2x128xi32, #tpu.memory_space<hbm>> -> memref<2x128xi32, #tpu.memory_space<hbm>>
    %dma_wait3A_38 = arith.constant 0 : i32
    %dma_wait3A_39 = arith.constant 0 : i32
    %dma_wait3A_40 = tpu.memref_slice %arg5[%add3A, %dma_wait3A_33, %dma_wait3A_38, %dma_wait3A_39] : memref<32x40x2x128xi32, #tpu.memory_space<hbm>> -> memref<1x1x2x128xi32, #tpu.memory_space<hbm>>
    %dma_wait3A_41 = tpu.memref_squeeze %dma_wait3A_40 : memref<1x1x2x128xi32, #tpu.memory_space<hbm>> -> memref<2x128xi32, #tpu.memory_space<hbm>>
    tpu.wait_dma2 semaphore(%arg15 : memref<!tpu.dma_semaphore, #tpu.memory_space<semaphore_mem>>) src(%dma_wait3A_41 : memref<2x128xi32, #tpu.memory_space<hbm>>) dst(%arg8 : memref<2x128xi32, #tpu.memory_space<vmem>>)
    %barrier3A = arith.constant 0 : index
    tpu.barrier barrier_id(%barrier3A)
    %dma_start3A_42 = arith.constant 0 : i32
    %dma_start3A_43 = arith.constant 0 : i32
    %dma_start3A_44 = tpu.memref_slice %arg7[%dma_start3A_42, %dma_start3A_43] : memref<2x128xi32, #tpu.memory_space<vmem>> -> memref<1x128xi32, #tpu.memory_space<vmem>>
    %dma_start3A_45 = tpu.memref_squeeze %dma_start3A_44 : memref<1x128xi32, #tpu.memory_space<vmem>> -> memref<128xi32, #tpu.memory_space<vmem>>
    %dma_start3A_46 = arith.constant 0 : i32
    %dma_start3A_47 = arith.constant 0 : i32
    %dma_start3A_48 = tpu.memref_slice %arg2[%dma_start3A_46, %dma_start3A_47] : memref<10000x128xf32, #tpu.memory_space<hbm>> -> memref<10000x128xf32, #tpu.memory_space<hbm>>
    tpu.enqueue_indirect_dma source(%dma_start3A_48 : memref<10000x128xf32, #tpu.memory_space<hbm>>) target(%arg11 : memref<128x128xf32, #tpu.memory_space<vmem>>) offsets(%dma_start3A_45 : memref<128xi32, #tpu.memory_space<vmem>>) semaphore(%arg14 : memref<!tpu.dma_semaphore, #tpu.memory_space<semaphore_mem>>)
    %dma_start3A_49 = arith.constant 1 : i32
    %dma_start3A_50 = arith.constant 0 : i32
    %dma_start3A_51 = arith.constant 0 : i32
    %dma_start3A_52 = tpu.memref_slice %arg4[%add3A, %dma_start3A_49, %dma_start3A_50, %dma_start3A_51] : memref<32x40x2x128xi32, #tpu.memory_space<hbm>> -> memref<1x1x2x128xi32, #tpu.memory_space<hbm>>
    %dma_start3A_53 = tpu.memref_squeeze %dma_start3A_52 : memref<1x1x2x128xi32, #tpu.memory_space<hbm>> -> memref<2x128xi32, #tpu.memory_space<hbm>>
    %dma_start3A_54 = arith.constant 0 : i32
    %dma_start3A_55 = arith.constant 0 : i32
    %dma_start3A_56 = tpu.memref_slice %arg4[%add3A, %dma_start3A_49, %dma_start3A_54, %dma_start3A_55] : memref<32x40x2x128xi32, #tpu.memory_space<hbm>> -> memref<1x1x2x128xi32, #tpu.memory_space<hbm>>
    %dma_start3A_57 = tpu.memref_squeeze %dma_start3A_56 : memref<1x1x2x128xi32, #tpu.memory_space<hbm>> -> memref<2x128xi32, #tpu.memory_space<hbm>>
    tpu.enqueue_dma source(%dma_start3A_57 : memref<2x128xi32, #tpu.memory_space<hbm>>) target(%arg9 : memref<2x128xi32, #tpu.memory_space<vmem>>) target_semaphore(%arg15 : memref<!tpu.dma_semaphore, #tpu.memory_space<semaphore_mem>>)
    %dma_start3A_58 = arith.constant 1 : i32
    %dma_start3A_59 = arith.constant 0 : i32
    %dma_start3A_60 = arith.constant 0 : i32
    %dma_start3A_61 = tpu.memref_slice %arg5[%add3A, %dma_start3A_58, %dma_start3A_59, %dma_start3A_60] : memref<32x40x2x128xi32, #tpu.memory_space<hbm>> -> memref<1x1x2x128xi32, #tpu.memory_space<hbm>>
    %dma_start3A_62 = tpu.memref_squeeze %dma_start3A_61 : memref<1x1x2x128xi32, #tpu.memory_space<hbm>> -> memref<2x128xi32, #tpu.memory_space<hbm>>
    %dma_start3A_63 = arith.constant 0 : i32
    %dma_start3A_64 = arith.constant 0 : i32
    %dma_start3A_65 = tpu.memref_slice %arg5[%add3A, %dma_start3A_58, %dma_start3A_63, %dma_start3A_64] : memref<32x40x2x128xi32, #tpu.memory_space<hbm>> -> memref<1x1x2x128xi32, #tpu.memory_space<hbm>>
    %dma_start3A_66 = tpu.memref_squeeze %dma_start3A_65 : memref<1x1x2x128xi32, #tpu.memory_space<hbm>> -> memref<2x128xi32, #tpu.memory_space<hbm>>
    tpu.enqueue_dma source(%dma_start3A_66 : memref<2x128xi32, #tpu.memory_space<hbm>>) target(%arg10 : memref<2x128xi32, #tpu.memory_space<vmem>>) target_semaphore(%arg15 : memref<!tpu.dma_semaphore, #tpu.memory_space<semaphore_mem>>)
    %scan3A = arith.constant 0 : i32
    %scan3A_67 = arith.constant 0 : i32
    %scan3A_68 = arith.constant 20 : i32
    %scan3A_69 = arith.addi %scan3A_67, %scan3A_68 : i32
    %scan3A_70 = arith.constant 1 : i32
    scf.for %scan3A_88 = %scan3A_67 to %scan3A_69 step %scan3A_70  : i32 {
      %mul3A_89 = arith.constant 2 : i32
      %mul3A_90 = arith.muli %mul3A_89, %scan3A_88 : i32
      %mul3A_91 = arith.constant 2 : i32
      %mul3A_92 = arith.muli %mul3A_91, %scan3A_88 : i32
      %add3A_93 = arith.constant 1 : i32
      %add3A_94 = arith.addi %mul3A_92, %add3A_93 : i32
      %dma_wait3A_95 = arith.constant 0 : i32
      %dma_wait3A_96 = arith.constant 0 : i32
      %dma_wait3A_97 = tpu.memref_slice %arg7[%dma_wait3A_95, %dma_wait3A_96] : memref<2x128xi32, #tpu.memory_space<vmem>> -> memref<1x128xi32, #tpu.memory_space<vmem>>
      %dma_wait3A_98 = tpu.memref_squeeze %dma_wait3A_97 : memref<1x128xi32, #tpu.memory_space<vmem>> -> memref<128xi32, #tpu.memory_space<vmem>>
      %dma_wait3A_99 = arith.constant 0 : i32
      %dma_wait3A_100 = arith.constant 0 : i32
      %dma_wait3A_101 = tpu.memref_slice %arg2[%dma_wait3A_99, %dma_wait3A_100] : memref<10000x128xf32, #tpu.memory_space<hbm>> -> memref<10000x128xf32, #tpu.memory_space<hbm>>
      tpu.wait_indirect_dma semaphore(%arg14 : memref<!tpu.dma_semaphore, #tpu.memory_space<semaphore_mem>>) src(%dma_wait3A_101 : memref<10000x128xf32, #tpu.memory_space<hbm>>) dst(%arg11 : memref<128x128xf32, #tpu.memory_space<vmem>>)
      %dma_start3A_102 = arith.constant 0 : i32
      %dma_start3A_103 = arith.constant 0 : i32
      %dma_start3A_104 = tpu.memref_slice %arg8[%dma_start3A_102, %dma_start3A_103] : memref<2x128xi32, #tpu.memory_space<vmem>> -> memref<1x128xi32, #tpu.memory_space<vmem>>
      %dma_start3A_105 = tpu.memref_squeeze %dma_start3A_104 : memref<1x128xi32, #tpu.memory_space<vmem>> -> memref<128xi32, #tpu.memory_space<vmem>>
      %dma_start3A_106 = arith.constant 0 : i32
      %dma_start3A_107 = arith.constant 0 : i32
      %dma_start3A_108 = tpu.memref_slice %arg13[%dma_start3A_106, %dma_start3A_107] : memref<11024x128xf32, #tpu.memory_space<vmem_shared>> -> memref<11024x128xf32, #tpu.memory_space<vmem_shared>>
      tpu.enqueue_indirect_dma source(%arg11 : memref<128x128xf32, #tpu.memory_space<vmem>>) target(%dma_start3A_108 : memref<11024x128xf32, #tpu.memory_space<vmem_shared>>) offsets(%dma_start3A_105 : memref<128xi32, #tpu.memory_space<vmem>>) semaphore(%arg16 : memref<!tpu.dma_semaphore, #tpu.memory_space<semaphore_mem>>) {add = true}
      %gt3A = arith.constant 0 : i32
      %gt3A_109 = arith.cmpi sgt, %scan3A_88, %gt3A : i32
      %convert_element_type3A_110 = arith.extui %gt3A_109 : i1 to i32
      %cond3A_111 = arith.constant 0 : i32
      %cond3A_112 = arith.cmpi ne, %convert_element_type3A_110, %cond3A_111 : i32
      scf.if %cond3A_112 {
        %dma_wait3A_223 = arith.constant 0 : i32
        %dma_wait3A_224 = arith.constant 0 : i32
        %dma_wait3A_225 = tpu.memref_slice %arg8[%dma_wait3A_223, %dma_wait3A_224] : memref<2x128xi32, #tpu.memory_space<vmem>> -> memref<1x128xi32, #tpu.memory_space<vmem>>
        %dma_wait3A_226 = tpu.memref_squeeze %dma_wait3A_225 : memref<1x128xi32, #tpu.memory_space<vmem>> -> memref<128xi32, #tpu.memory_space<vmem>>
        %dma_wait3A_227 = arith.constant 0 : i32
        %dma_wait3A_228 = arith.constant 0 : i32
        %dma_wait3A_229 = tpu.memref_slice %arg13[%dma_wait3A_227, %dma_wait3A_228] : memref<11024x128xf32, #tpu.memory_space<vmem_shared>> -> memref<11024x128xf32, #tpu.memory_space<vmem_shared>>
        tpu.wait_indirect_dma semaphore(%arg16 : memref<!tpu.dma_semaphore, #tpu.memory_space<semaphore_mem>>) src(%arg11 : memref<128x128xf32, #tpu.memory_space<vmem>>) dst(%dma_wait3A_229 : memref<11024x128xf32, #tpu.memory_space<vmem_shared>>)
        %dma_start3A_230 = arith.constant 0 : i32
        %dma_start3A_231 = arith.constant 0 : i32
        %dma_start3A_232 = tpu.memref_slice %arg4[%add3A, %add3A_94, %dma_start3A_230, %dma_start3A_231] : memref<32x40x2x128xi32, #tpu.memory_space<hbm>> -> memref<1x1x2x128xi32, #tpu.memory_space<hbm>>
        %dma_start3A_233 = tpu.memref_squeeze %dma_start3A_232 : memref<1x1x2x128xi32, #tpu.memory_space<hbm>> -> memref<2x128xi32, #tpu.memory_space<hbm>>
        %dma_start3A_234 = arith.constant 0 : i32
        %dma_start3A_235 = arith.constant 0 : i32
        %dma_start3A_236 = tpu.memref_slice %arg4[%add3A, %add3A_94, %dma_start3A_234, %dma_start3A_235] : memref<32x40x2x128xi32, #tpu.memory_space<hbm>> -> memref<1x1x2x128xi32, #tpu.memory_space<hbm>>
        %dma_start3A_237 = tpu.memref_squeeze %dma_start3A_236 : memref<1x1x2x128xi32, #tpu.memory_space<hbm>> -> memref<2x128xi32, #tpu.memory_space<hbm>>
        tpu.enqueue_dma source(%dma_start3A_237 : memref<2x128xi32, #tpu.memory_space<hbm>>) target(%arg9 : memref<2x128xi32, #tpu.memory_space<vmem>>) target_semaphore(%arg15 : memref<!tpu.dma_semaphore, #tpu.memory_space<semaphore_mem>>)
        %dma_start3A_238 = arith.constant 0 : i32
        %dma_start3A_239 = arith.constant 0 : i32
        %dma_start3A_240 = tpu.memref_slice %arg5[%add3A, %add3A_94, %dma_start3A_238, %dma_start3A_239] : memref<32x40x2x128xi32, #tpu.memory_space<hbm>> -> memref<1x1x2x128xi32, #tpu.memory_space<hbm>>
        %dma_start3A_241 = tpu.memref_squeeze %dma_start3A_240 : memref<1x1x2x128xi32, #tpu.memory_space<hbm>> -> memref<2x128xi32, #tpu.memory_space<hbm>>
        %dma_start3A_242 = arith.constant 0 : i32
        %dma_start3A_243 = arith.constant 0 : i32
        %dma_start3A_244 = tpu.memref_slice %arg5[%add3A, %add3A_94, %dma_start3A_242, %dma_start3A_243] : memref<32x40x2x128xi32, #tpu.memory_space<hbm>> -> memref<1x1x2x128xi32, #tpu.memory_space<hbm>>
        %dma_start3A_245 = tpu.memref_squeeze %dma_start3A_244 : memref<1x1x2x128xi32, #tpu.memory_space<hbm>> -> memref<2x128xi32, #tpu.memory_space<hbm>>
        tpu.enqueue_dma source(%dma_start3A_245 : memref<2x128xi32, #tpu.memory_space<hbm>>) target(%arg10 : memref<2x128xi32, #tpu.memory_space<vmem>>) target_semaphore(%arg15 : memref<!tpu.dma_semaphore, #tpu.memory_space<semaphore_mem>>)
      } else {
      }
      %dma_start3A_113 = arith.constant 1 : i32
      %dma_start3A_114 = arith.constant 0 : i32
      %dma_start3A_115 = tpu.memref_slice %arg7[%dma_start3A_113, %dma_start3A_114] : memref<2x128xi32, #tpu.memory_space<vmem>> -> memref<1x128xi32, #tpu.memory_space<vmem>>
      %dma_start3A_116 = tpu.memref_squeeze %dma_start3A_115 : memref<1x128xi32, #tpu.memory_space<vmem>> -> memref<128xi32, #tpu.memory_space<vmem>>
      %dma_start3A_117 = arith.constant 0 : i32
      %dma_start3A_118 = arith.constant 0 : i32
      %dma_start3A_119 = tpu.memref_slice %arg2[%dma_start3A_117, %dma_start3A_118] : memref<10000x128xf32, #tpu.memory_space<hbm>> -> memref<10000x128xf32, #tpu.memory_space<hbm>>
      tpu.enqueue_indirect_dma source(%dma_start3A_119 : memref<10000x128xf32, #tpu.memory_space<hbm>>) target(%arg12 : memref<128x128xf32, #tpu.memory_space<vmem>>) offsets(%dma_start3A_116 : memref<128xi32, #tpu.memory_space<vmem>>) semaphore(%arg14 : memref<!tpu.dma_semaphore, #tpu.memory_space<semaphore_mem>>)
      %dma_wait3A_120 = arith.constant 1 : i32
      %dma_wait3A_121 = arith.constant 0 : i32
      %dma_wait3A_122 = tpu.memref_slice %arg7[%dma_wait3A_120, %dma_wait3A_121] : memref<2x128xi32, #tpu.memory_space<vmem>> -> memref<1x128xi32, #tpu.memory_space<vmem>>
      %dma_wait3A_123 = tpu.memref_squeeze %dma_wait3A_122 : memref<1x128xi32, #tpu.memory_space<vmem>> -> memref<128xi32, #tpu.memory_space<vmem>>
      %dma_wait3A_124 = arith.constant 0 : i32
      %dma_wait3A_125 = arith.constant 0 : i32
      %dma_wait3A_126 = tpu.memref_slice %arg2[%dma_wait3A_124, %dma_wait3A_125] : memref<10000x128xf32, #tpu.memory_space<hbm>> -> memref<10000x128xf32, #tpu.memory_space<hbm>>
      tpu.wait_indirect_dma semaphore(%arg14 : memref<!tpu.dma_semaphore, #tpu.memory_space<semaphore_mem>>) src(%dma_wait3A_126 : memref<10000x128xf32, #tpu.memory_space<hbm>>) dst(%arg12 : memref<128x128xf32, #tpu.memory_space<vmem>>)
      %dma_start3A_127 = arith.constant 1 : i32
      %dma_start3A_128 = arith.constant 0 : i32
      %dma_start3A_129 = tpu.memref_slice %arg8[%dma_start3A_127, %dma_start3A_128] : memref<2x128xi32, #tpu.memory_space<vmem>> -> memref<1x128xi32, #tpu.memory_space<vmem>>
      %dma_start3A_130 = tpu.memref_squeeze %dma_start3A_129 : memref<1x128xi32, #tpu.memory_space<vmem>> -> memref<128xi32, #tpu.memory_space<vmem>>
      %dma_start3A_131 = arith.constant 0 : i32
      %dma_start3A_132 = arith.constant 0 : i32
      %dma_start3A_133 = tpu.memref_slice %arg13[%dma_start3A_131, %dma_start3A_132] : memref<11024x128xf32, #tpu.memory_space<vmem_shared>> -> memref<11024x128xf32, #tpu.memory_space<vmem_shared>>
      tpu.enqueue_indirect_dma source(%arg12 : memref<128x128xf32, #tpu.memory_space<vmem>>) target(%dma_start3A_133 : memref<11024x128xf32, #tpu.memory_space<vmem_shared>>) offsets(%dma_start3A_130 : memref<128xi32, #tpu.memory_space<vmem>>) semaphore(%arg16 : memref<!tpu.dma_semaphore, #tpu.memory_space<semaphore_mem>>) {add = true}
      %dma_wait3A_134 = arith.constant 0 : i32
      %dma_wait3A_135 = arith.constant 0 : i32
      %dma_wait3A_136 = tpu.memref_slice %arg8[%dma_wait3A_134, %dma_wait3A_135] : memref<2x128xi32, #tpu.memory_space<vmem>> -> memref<1x128xi32, #tpu.memory_space<vmem>>
      %dma_wait3A_137 = tpu.memref_squeeze %dma_wait3A_136 : memref<1x128xi32, #tpu.memory_space<vmem>> -> memref<128xi32, #tpu.memory_space<vmem>>
      %dma_wait3A_138 = arith.constant 0 : i32
      %dma_wait3A_139 = arith.constant 0 : i32
      %dma_wait3A_140 = tpu.memref_slice %arg13[%dma_wait3A_138, %dma_wait3A_139] : memref<11024x128xf32, #tpu.memory_space<vmem_shared>> -> memref<11024x128xf32, #tpu.memory_space<vmem_shared>>
      tpu.wait_indirect_dma semaphore(%arg16 : memref<!tpu.dma_semaphore, #tpu.memory_space<semaphore_mem>>) src(%arg11 : memref<128x128xf32, #tpu.memory_space<vmem>>) dst(%dma_wait3A_140 : memref<11024x128xf32, #tpu.memory_space<vmem_shared>>)
      %dma_wait3A_141 = arith.constant 0 : i32
      %dma_wait3A_142 = arith.constant 0 : i32
      %dma_wait3A_143 = tpu.memref_slice %arg4[%add3A, %add3A_94, %dma_wait3A_141, %dma_wait3A_142] : memref<32x40x2x128xi32, #tpu.memory_space<hbm>> -> memref<1x1x2x128xi32, #tpu.memory_space<hbm>>
      %dma_wait3A_144 = tpu.memref_squeeze %dma_wait3A_143 : memref<1x1x2x128xi32, #tpu.memory_space<hbm>> -> memref<2x128xi32, #tpu.memory_space<hbm>>
      %dma_wait3A_145 = arith.constant 0 : i32
      %dma_wait3A_146 = arith.constant 0 : i32
      %dma_wait3A_147 = tpu.memref_slice %arg4[%add3A, %add3A_94, %dma_wait3A_145, %dma_wait3A_146] : memref<32x40x2x128xi32, #tpu.memory_space<hbm>> -> memref<1x1x2x128xi32, #tpu.memory_space<hbm>>
      %dma_wait3A_148 = tpu.memref_squeeze %dma_wait3A_147 : memref<1x1x2x128xi32, #tpu.memory_space<hbm>> -> memref<2x128xi32, #tpu.memory_space<hbm>>
      tpu.wait_dma2 semaphore(%arg15 : memref<!tpu.dma_semaphore, #tpu.memory_space<semaphore_mem>>) src(%dma_wait3A_148 : memref<2x128xi32, #tpu.memory_space<hbm>>) dst(%arg9 : memref<2x128xi32, #tpu.memory_space<vmem>>)
      %dma_wait3A_149 = arith.constant 0 : i32
      %dma_wait3A_150 = arith.constant 0 : i32
      %dma_wait3A_151 = tpu.memref_slice %arg5[%add3A, %add3A_94, %dma_wait3A_149, %dma_wait3A_150] : memref<32x40x2x128xi32, #tpu.memory_space<hbm>> -> memref<1x1x2x128xi32, #tpu.memory_space<hbm>>
      %dma_wait3A_152 = tpu.memref_squeeze %dma_wait3A_151 : memref<1x1x2x128xi32, #tpu.memory_space<hbm>> -> memref<2x128xi32, #tpu.memory_space<hbm>>
      %dma_wait3A_153 = arith.constant 0 : i32
      %dma_wait3A_154 = arith.constant 0 : i32
      %dma_wait3A_155 = tpu.memref_slice %arg5[%add3A, %add3A_94, %dma_wait3A_153, %dma_wait3A_154] : memref<32x40x2x128xi32, #tpu.memory_space<hbm>> -> memref<1x1x2x128xi32, #tpu.memory_space<hbm>>
      %dma_wait3A_156 = tpu.memref_squeeze %dma_wait3A_155 : memref<1x1x2x128xi32, #tpu.memory_space<hbm>> -> memref<2x128xi32, #tpu.memory_space<hbm>>
      tpu.wait_dma2 semaphore(%arg15 : memref<!tpu.dma_semaphore, #tpu.memory_space<semaphore_mem>>) src(%dma_wait3A_156 : memref<2x128xi32, #tpu.memory_space<hbm>>) dst(%arg10 : memref<2x128xi32, #tpu.memory_space<vmem>>)
      %dma_start3A_157 = arith.constant 0 : i32
      %dma_start3A_158 = arith.constant 0 : i32
      %dma_start3A_159 = tpu.memref_slice %arg9[%dma_start3A_157, %dma_start3A_158] : memref<2x128xi32, #tpu.memory_space<vmem>> -> memref<1x128xi32, #tpu.memory_space<vmem>>
      %dma_start3A_160 = tpu.memref_squeeze %dma_start3A_159 : memref<1x128xi32, #tpu.memory_space<vmem>> -> memref<128xi32, #tpu.memory_space<vmem>>
      %dma_start3A_161 = arith.constant 0 : i32
      %dma_start3A_162 = arith.constant 0 : i32
      %dma_start3A_163 = tpu.memref_slice %arg2[%dma_start3A_161, %dma_start3A_162] : memref<10000x128xf32, #tpu.memory_space<hbm>> -> memref<10000x128xf32, #tpu.memory_space<hbm>>
      tpu.enqueue_indirect_dma source(%dma_start3A_163 : memref<10000x128xf32, #tpu.memory_space<hbm>>) target(%arg11 : memref<128x128xf32, #tpu.memory_space<vmem>>) offsets(%dma_start3A_160 : memref<128xi32, #tpu.memory_space<vmem>>) semaphore(%arg14 : memref<!tpu.dma_semaphore, #tpu.memory_space<semaphore_mem>>)
      %dma_wait3A_164 = arith.constant 0 : i32
      %dma_wait3A_165 = arith.constant 0 : i32
      %dma_wait3A_166 = tpu.memref_slice %arg9[%dma_wait3A_164, %dma_wait3A_165] : memref<2x128xi32, #tpu.memory_space<vmem>> -> memref<1x128xi32, #tpu.memory_space<vmem>>
      %dma_wait3A_167 = tpu.memref_squeeze %dma_wait3A_166 : memref<1x128xi32, #tpu.memory_space<vmem>> -> memref<128xi32, #tpu.memory_space<vmem>>
      %dma_wait3A_168 = arith.constant 0 : i32
      %dma_wait3A_169 = arith.constant 0 : i32
      %dma_wait3A_170 = tpu.memref_slice %arg2[%dma_wait3A_168, %dma_wait3A_169] : memref<10000x128xf32, #tpu.memory_space<hbm>> -> memref<10000x128xf32, #tpu.memory_space<hbm>>
      tpu.wait_indirect_dma semaphore(%arg14 : memref<!tpu.dma_semaphore, #tpu.memory_space<semaphore_mem>>) src(%dma_wait3A_170 : memref<10000x128xf32, #tpu.memory_space<hbm>>) dst(%arg11 : memref<128x128xf32, #tpu.memory_space<vmem>>)
      %dma_start3A_171 = arith.constant 0 : i32
      %dma_start3A_172 = arith.constant 0 : i32
      %dma_start3A_173 = tpu.memref_slice %arg10[%dma_start3A_171, %dma_start3A_172] : memref<2x128xi32, #tpu.memory_space<vmem>> -> memref<1x128xi32, #tpu.memory_space<vmem>>
      %dma_start3A_174 = tpu.memref_squeeze %dma_start3A_173 : memref<1x128xi32, #tpu.memory_space<vmem>> -> memref<128xi32, #tpu.memory_space<vmem>>
      %dma_start3A_175 = arith.constant 0 : i32
      %dma_start3A_176 = arith.constant 0 : i32
      %dma_start3A_177 = tpu.memref_slice %arg13[%dma_start3A_175, %dma_start3A_176] : memref<11024x128xf32, #tpu.memory_space<vmem_shared>> -> memref<11024x128xf32, #tpu.memory_space<vmem_shared>>
      tpu.enqueue_indirect_dma source(%arg11 : memref<128x128xf32, #tpu.memory_space<vmem>>) target(%dma_start3A_177 : memref<11024x128xf32, #tpu.memory_space<vmem_shared>>) offsets(%dma_start3A_174 : memref<128xi32, #tpu.memory_space<vmem>>) semaphore(%arg16 : memref<!tpu.dma_semaphore, #tpu.memory_space<semaphore_mem>>) {add = true}
      %dma_wait3A_178 = arith.constant 0 : i32
      %dma_wait3A_179 = arith.constant 0 : i32
      %dma_wait3A_180 = tpu.memref_slice %arg8[%dma_wait3A_178, %dma_wait3A_179] : memref<2x128xi32, #tpu.memory_space<vmem>> -> memref<1x128xi32, #tpu.memory_space<vmem>>
      %dma_wait3A_181 = tpu.memref_squeeze %dma_wait3A_180 : memref<1x128xi32, #tpu.memory_space<vmem>> -> memref<128xi32, #tpu.memory_space<vmem>>
      %dma_wait3A_182 = arith.constant 0 : i32
      %dma_wait3A_183 = arith.constant 0 : i32
      %dma_wait3A_184 = tpu.memref_slice %arg13[%dma_wait3A_182, %dma_wait3A_183] : memref<11024x128xf32, #tpu.memory_space<vmem_shared>> -> memref<11024x128xf32, #tpu.memory_space<vmem_shared>>
      tpu.wait_indirect_dma semaphore(%arg16 : memref<!tpu.dma_semaphore, #tpu.memory_space<semaphore_mem>>) src(%arg11 : memref<128x128xf32, #tpu.memory_space<vmem>>) dst(%dma_wait3A_184 : memref<11024x128xf32, #tpu.memory_space<vmem_shared>>)
      %lt3A_185 = arith.constant 19 : i32
      %lt3A_186 = arith.cmpi slt, %scan3A_88, %lt3A_185 : i32
      %convert_element_type3A_187 = arith.extui %lt3A_186 : i1 to i32
      %cond3A_188 = arith.constant 0 : i32
      %cond3A_189 = arith.cmpi ne, %convert_element_type3A_187, %cond3A_188 : i32
      scf.if %cond3A_189 {
        %add3A_223 = arith.constant 2 : i32
        %add3A_224 = arith.addi %mul3A_90, %add3A_223 : i32
        %dma_start3A_225 = arith.constant 0 : i32
        %dma_start3A_226 = arith.constant 0 : i32
        %dma_start3A_227 = tpu.memref_slice %arg4[%add3A, %add3A_224, %dma_start3A_225, %dma_start3A_226] : memref<32x40x2x128xi32, #tpu.memory_space<hbm>> -> memref<1x1x2x128xi32, #tpu.memory_space<hbm>>
        %dma_start3A_228 = tpu.memref_squeeze %dma_start3A_227 : memref<1x1x2x128xi32, #tpu.memory_space<hbm>> -> memref<2x128xi32, #tpu.memory_space<hbm>>
        %dma_start3A_229 = arith.constant 0 : i32
        %dma_start3A_230 = arith.constant 0 : i32
        %dma_start3A_231 = tpu.memref_slice %arg4[%add3A, %add3A_224, %dma_start3A_229, %dma_start3A_230] : memref<32x40x2x128xi32, #tpu.memory_space<hbm>> -> memref<1x1x2x128xi32, #tpu.memory_space<hbm>>
        %dma_start3A_232 = tpu.memref_squeeze %dma_start3A_231 : memref<1x1x2x128xi32, #tpu.memory_space<hbm>> -> memref<2x128xi32, #tpu.memory_space<hbm>>
        tpu.enqueue_dma source(%dma_start3A_232 : memref<2x128xi32, #tpu.memory_space<hbm>>) target(%arg7 : memref<2x128xi32, #tpu.memory_space<vmem>>) target_semaphore(%arg15 : memref<!tpu.dma_semaphore, #tpu.memory_space<semaphore_mem>>)
        %dma_start3A_233 = arith.constant 0 : i32
        %dma_start3A_234 = arith.constant 0 : i32
        %dma_start3A_235 = tpu.memref_slice %arg5[%add3A, %add3A_224, %dma_start3A_233, %dma_start3A_234] : memref<32x40x2x128xi32, #tpu.memory_space<hbm>> -> memref<1x1x2x128xi32, #tpu.memory_space<hbm>>
        %dma_start3A_236 = tpu.memref_squeeze %dma_start3A_235 : memref<1x1x2x128xi32, #tpu.memory_space<hbm>> -> memref<2x128xi32, #tpu.memory_space<hbm>>
        %dma_start3A_237 = arith.constant 0 : i32
        %dma_start3A_238 = arith.constant 0 : i32
        %dma_start3A_239 = tpu.memref_slice %arg5[%add3A, %add3A_224, %dma_start3A_237, %dma_start3A_238] : memref<32x40x2x128xi32, #tpu.memory_space<hbm>> -> memref<1x1x2x128xi32, #tpu.memory_space<hbm>>
        %dma_start3A_240 = tpu.memref_squeeze %dma_start3A_239 : memref<1x1x2x128xi32, #tpu.memory_space<hbm>> -> memref<2x128xi32, #tpu.memory_space<hbm>>
        tpu.enqueue_dma source(%dma_start3A_240 : memref<2x128xi32, #tpu.memory_space<hbm>>) target(%arg8 : memref<2x128xi32, #tpu.memory_space<vmem>>) target_semaphore(%arg15 : memref<!tpu.dma_semaphore, #tpu.memory_space<semaphore_mem>>)
      } else {
      }
      %dma_start3A_190 = arith.constant 1 : i32
      %dma_start3A_191 = arith.constant 0 : i32
      %dma_start3A_192 = tpu.memref_slice %arg9[%dma_start3A_190, %dma_start3A_191] : memref<2x128xi32, #tpu.memory_space<vmem>> -> memref<1x128xi32, #tpu.memory_space<vmem>>
      %dma_start3A_193 = tpu.memref_squeeze %dma_start3A_192 : memref<1x128xi32, #tpu.memory_space<vmem>> -> memref<128xi32, #tpu.memory_space<vmem>>
      %dma_start3A_194 = arith.constant 0 : i32
      %dma_start3A_195 = arith.constant 0 : i32
      %dma_start3A_196 = tpu.memref_slice %arg2[%dma_start3A_194, %dma_start3A_195] : memref<10000x128xf32, #tpu.memory_space<hbm>> -> memref<10000x128xf32, #tpu.memory_space<hbm>>
      tpu.enqueue_indirect_dma source(%dma_start3A_196 : memref<10000x128xf32, #tpu.memory_space<hbm>>) target(%arg12 : memref<128x128xf32, #tpu.memory_space<vmem>>) offsets(%dma_start3A_193 : memref<128xi32, #tpu.memory_space<vmem>>) semaphore(%arg14 : memref<!tpu.dma_semaphore, #tpu.memory_space<semaphore_mem>>)
      %dma_wait3A_197 = arith.constant 1 : i32
      %dma_wait3A_198 = arith.constant 0 : i32
      %dma_wait3A_199 = tpu.memref_slice %arg9[%dma_wait3A_197, %dma_wait3A_198] : memref<2x128xi32, #tpu.memory_space<vmem>> -> memref<1x128xi32, #tpu.memory_space<vmem>>
      %dma_wait3A_200 = tpu.memref_squeeze %dma_wait3A_199 : memref<1x128xi32, #tpu.memory_space<vmem>> -> memref<128xi32, #tpu.memory_space<vmem>>
      %dma_wait3A_201 = arith.constant 0 : i32
      %dma_wait3A_202 = arith.constant 0 : i32
      %dma_wait3A_203 = tpu.memref_slice %arg2[%dma_wait3A_201, %dma_wait3A_202] : memref<10000x128xf32, #tpu.memory_space<hbm>> -> memref<10000x128xf32, #tpu.memory_space<hbm>>
      tpu.wait_indirect_dma semaphore(%arg14 : memref<!tpu.dma_semaphore, #tpu.memory_space<semaphore_mem>>) src(%dma_wait3A_203 : memref<10000x128xf32, #tpu.memory_space<hbm>>) dst(%arg12 : memref<128x128xf32, #tpu.memory_space<vmem>>)
      %dma_start3A_204 = arith.constant 1 : i32
      %dma_start3A_205 = arith.constant 0 : i32
      %dma_start3A_206 = tpu.memref_slice %arg10[%dma_start3A_204, %dma_start3A_205] : memref<2x128xi32, #tpu.memory_space<vmem>> -> memref<1x128xi32, #tpu.memory_space<vmem>>
      %dma_start3A_207 = tpu.memref_squeeze %dma_start3A_206 : memref<1x128xi32, #tpu.memory_space<vmem>> -> memref<128xi32, #tpu.memory_space<vmem>>
      %dma_start3A_208 = arith.constant 0 : i32
      %dma_start3A_209 = arith.constant 0 : i32
      %dma_start3A_210 = tpu.memref_slice %arg13[%dma_start3A_208, %dma_start3A_209] : memref<11024x128xf32, #tpu.memory_space<vmem_shared>> -> memref<11024x128xf32, #tpu.memory_space<vmem_shared>>
      tpu.enqueue_indirect_dma source(%arg12 : memref<128x128xf32, #tpu.memory_space<vmem>>) target(%dma_start3A_210 : memref<11024x128xf32, #tpu.memory_space<vmem_shared>>) offsets(%dma_start3A_207 : memref<128xi32, #tpu.memory_space<vmem>>) semaphore(%arg16 : memref<!tpu.dma_semaphore, #tpu.memory_space<semaphore_mem>>) {add = true}
      %dma_wait3A_211 = arith.constant 0 : i32
      %dma_wait3A_212 = arith.constant 0 : i32
      %dma_wait3A_213 = tpu.memref_slice %arg8[%dma_wait3A_211, %dma_wait3A_212] : memref<2x128xi32, #tpu.memory_space<vmem>> -> memref<1x128xi32, #tpu.memory_space<vmem>>
      %dma_wait3A_214 = tpu.memref_squeeze %dma_wait3A_213 : memref<1x128xi32, #tpu.memory_space<vmem>> -> memref<128xi32, #tpu.memory_space<vmem>>
      %dma_wait3A_215 = arith.constant 0 : i32
      %dma_wait3A_216 = arith.constant 0 : i32
      %dma_wait3A_217 = tpu.memref_slice %arg13[%dma_wait3A_215, %dma_wait3A_216] : memref<11024x128xf32, #tpu.memory_space<vmem_shared>> -> memref<11024x128xf32, #tpu.memory_space<vmem_shared>>
      tpu.wait_indirect_dma semaphore(%arg16 : memref<!tpu.dma_semaphore, #tpu.memory_space<semaphore_mem>>) src(%arg11 : memref<128x128xf32, #tpu.memory_space<vmem>>) dst(%dma_wait3A_217 : memref<11024x128xf32, #tpu.memory_space<vmem_shared>>)
      %lt3A_218 = arith.constant 19 : i32
      %lt3A_219 = arith.cmpi slt, %scan3A_88, %lt3A_218 : i32
      %convert_element_type3A_220 = arith.extui %lt3A_219 : i1 to i32
      %cond3A_221 = arith.constant 0 : i32
      %cond3A_222 = arith.cmpi ne, %convert_element_type3A_220, %cond3A_221 : i32
      scf.if %cond3A_222 {
        %add3A_223 = arith.constant 2 : i32
        %add3A_224 = arith.addi %mul3A_90, %add3A_223 : i32
        %dma_wait3A_225 = arith.constant 0 : i32
        %dma_wait3A_226 = arith.constant 0 : i32
        %dma_wait3A_227 = tpu.memref_slice %arg4[%add3A, %add3A_224, %dma_wait3A_225, %dma_wait3A_226] : memref<32x40x2x128xi32, #tpu.memory_space<hbm>> -> memref<1x1x2x128xi32, #tpu.memory_space<hbm>>
        %dma_wait3A_228 = tpu.memref_squeeze %dma_wait3A_227 : memref<1x1x2x128xi32, #tpu.memory_space<hbm>> -> memref<2x128xi32, #tpu.memory_space<hbm>>
        %dma_wait3A_229 = arith.constant 0 : i32
        %dma_wait3A_230 = arith.constant 0 : i32
        %dma_wait3A_231 = tpu.memref_slice %arg4[%add3A, %add3A_224, %dma_wait3A_229, %dma_wait3A_230] : memref<32x40x2x128xi32, #tpu.memory_space<hbm>> -> memref<1x1x2x128xi32, #tpu.memory_space<hbm>>
        %dma_wait3A_232 = tpu.memref_squeeze %dma_wait3A_231 : memref<1x1x2x128xi32, #tpu.memory_space<hbm>> -> memref<2x128xi32, #tpu.memory_space<hbm>>
        tpu.wait_dma2 semaphore(%arg15 : memref<!tpu.dma_semaphore, #tpu.memory_space<semaphore_mem>>) src(%dma_wait3A_232 : memref<2x128xi32, #tpu.memory_space<hbm>>) dst(%arg7 : memref<2x128xi32, #tpu.memory_space<vmem>>)
        %dma_wait3A_233 = arith.constant 0 : i32
        %dma_wait3A_234 = arith.constant 0 : i32
        %dma_wait3A_235 = tpu.memref_slice %arg5[%add3A, %add3A_224, %dma_wait3A_233, %dma_wait3A_234] : memref<32x40x2x128xi32, #tpu.memory_space<hbm>> -> memref<1x1x2x128xi32, #tpu.memory_space<hbm>>
        %dma_wait3A_236 = tpu.memref_squeeze %dma_wait3A_235 : memref<1x1x2x128xi32, #tpu.memory_space<hbm>> -> memref<2x128xi32, #tpu.memory_space<hbm>>
        %dma_wait3A_237 = arith.constant 0 : i32
        %dma_wait3A_238 = arith.constant 0 : i32
        %dma_wait3A_239 = tpu.memref_slice %arg5[%add3A, %add3A_224, %dma_wait3A_237, %dma_wait3A_238] : memref<32x40x2x128xi32, #tpu.memory_space<hbm>> -> memref<1x1x2x128xi32, #tpu.memory_space<hbm>>
        %dma_wait3A_240 = tpu.memref_squeeze %dma_wait3A_239 : memref<1x1x2x128xi32, #tpu.memory_space<hbm>> -> memref<2x128xi32, #tpu.memory_space<hbm>>
        tpu.wait_dma2 semaphore(%arg15 : memref<!tpu.dma_semaphore, #tpu.memory_space<semaphore_mem>>) src(%dma_wait3A_240 : memref<2x128xi32, #tpu.memory_space<hbm>>) dst(%arg8 : memref<2x128xi32, #tpu.memory_space<vmem>>)
        %dma_start3A_241 = arith.constant 0 : i32
        %dma_start3A_242 = arith.constant 0 : i32
        %dma_start3A_243 = tpu.memref_slice %arg7[%dma_start3A_241, %dma_start3A_242] : memref<2x128xi32, #tpu.memory_space<vmem>> -> memref<1x128xi32, #tpu.memory_space<vmem>>
        %dma_start3A_244 = tpu.memref_squeeze %dma_start3A_243 : memref<1x128xi32, #tpu.memory_space<vmem>> -> memref<128xi32, #tpu.memory_space<vmem>>
        %dma_start3A_245 = arith.constant 0 : i32
        %dma_start3A_246 = arith.constant 0 : i32
        %dma_start3A_247 = tpu.memref_slice %arg2[%dma_start3A_245, %dma_start3A_246] : memref<10000x128xf32, #tpu.memory_space<hbm>> -> memref<10000x128xf32, #tpu.memory_space<hbm>>
        tpu.enqueue_indirect_dma source(%dma_start3A_247 : memref<10000x128xf32, #tpu.memory_space<hbm>>) target(%arg11 : memref<128x128xf32, #tpu.memory_space<vmem>>) offsets(%dma_start3A_244 : memref<128xi32, #tpu.memory_space<vmem>>) semaphore(%arg14 : memref<!tpu.dma_semaphore, #tpu.memory_space<semaphore_mem>>)
      } else {
      }
    }
    %scan3A_71 = arith.constant 20 : i32
    %dma_wait3A_72 = arith.constant 0 : i32
    %dma_wait3A_73 = arith.constant 0 : i32
    %dma_wait3A_74 = tpu.memref_slice %arg8[%dma_wait3A_72, %dma_wait3A_73] : memref<2x128xi32, #tpu.memory_space<vmem>> -> memref<1x128xi32, #tpu.memory_space<vmem>>
    %dma_wait3A_75 = tpu.memref_squeeze %dma_wait3A_74 : memref<1x128xi32, #tpu.memory_space<vmem>> -> memref<128xi32, #tpu.memory_space<vmem>>
    %dma_wait3A_76 = arith.constant 0 : i32
    %dma_wait3A_77 = arith.constant 0 : i32
    %dma_wait3A_78 = tpu.memref_slice %arg13[%dma_wait3A_76, %dma_wait3A_77] : memref<11024x128xf32, #tpu.memory_space<vmem_shared>> -> memref<11024x128xf32, #tpu.memory_space<vmem_shared>>
    tpu.wait_indirect_dma semaphore(%arg16 : memref<!tpu.dma_semaphore, #tpu.memory_space<semaphore_mem>>) src(%arg11 : memref<128x128xf32, #tpu.memory_space<vmem>>) dst(%dma_wait3A_78 : memref<11024x128xf32, #tpu.memory_space<vmem_shared>>)
    %barrier3A_79 = arith.constant 0 : index
    tpu.barrier barrier_id(%barrier3A_79)
    %lt3A = arith.constant 2 : i32
    %lt3A_80 = arith.cmpi slt, %arg1, %lt3A : i32
    %convert_element_type3A_81 = arith.extui %lt3A_80 : i1 to i32
    %cond3A_82 = arith.constant 0 : i32
    %cond3A_83 = arith.cmpi ne, %convert_element_type3A_81, %cond3A_82 : i32
    scf.if %cond3A_83 {
      %mul3A_88 = arith.constant 79 : i32
      %mul3A_89 = arith.muli %arg1, %mul3A_88 : i32
      %mul3A_90 = arith.constant 8 : i32
      %mul3A_91 = arith.muli %mul3A_89, %mul3A_90 : i32
      "tpu.region"() ({
        %run_scoped3A = tpu.sem_alloc : memref<!tpu.dma_semaphore, #tpu.memory_space<semaphore_mem>>
        %dma_start3A_92 = arith.constant 0 : i32
        %dma_start3A_93 = tpu.memref_slice %arg6[%arg0, %mul3A_91, %dma_start3A_92] : memref<2x10000x128xf32, #tpu.memory_space<hbm>> -> memref<1x632x128xf32, #tpu.memory_space<hbm>>
        %dma_start3A_94 = tpu.memref_squeeze %dma_start3A_93 : memref<1x632x128xf32, #tpu.memory_space<hbm>> -> memref<632x128xf32, #tpu.memory_space<hbm>>
        %dma_start3A_95 = arith.constant 0 : i32
        %dma_start3A_96 = tpu.memref_slice %arg13[%mul3A_91, %dma_start3A_95] : memref<11024x128xf32, #tpu.memory_space<vmem_shared>> -> memref<632x128xf32, #tpu.memory_space<vmem_shared>>
        tpu.enqueue_dma source(%dma_start3A_96 : memref<632x128xf32, #tpu.memory_space<vmem_shared>>) target(%dma_start3A_94 : memref<632x128xf32, #tpu.memory_space<hbm>>) target_semaphore(%run_scoped3A : memref<!tpu.dma_semaphore, #tpu.memory_space<semaphore_mem>>)
        %dma_wait3A_97 = arith.constant 0 : i32
        %dma_wait3A_98 = tpu.memref_slice %arg6[%arg0, %mul3A_91, %dma_wait3A_97] : memref<2x10000x128xf32, #tpu.memory_space<hbm>> -> memref<1x632x128xf32, #tpu.memory_space<hbm>>
        %dma_wait3A_99 = tpu.memref_squeeze %dma_wait3A_98 : memref<1x632x128xf32, #tpu.memory_space<hbm>> -> memref<632x128xf32, #tpu.memory_space<hbm>>
        %dma_wait3A_100 = arith.constant 0 : i32
        %dma_wait3A_101 = tpu.memref_slice %arg13[%mul3A_91, %dma_wait3A_100] : memref<11024x128xf32, #tpu.memory_space<vmem_shared>> -> memref<632x128xf32, #tpu.memory_space<vmem_shared>>
        tpu.wait_dma2 semaphore(%run_scoped3A : memref<!tpu.dma_semaphore, #tpu.memory_space<semaphore_mem>>) src(%dma_wait3A_101 : memref<632x128xf32, #tpu.memory_space<vmem_shared>>) dst(%dma_wait3A_99 : memref<632x128xf32, #tpu.memory_space<hbm>>)
        tpu.yield
      }) : () -> ()
    } else {
    }
    %ge3A = arith.constant 2 : i32
    %ge3A_84 = arith.cmpi sge, %arg1, %ge3A : i32
    %convert_element_type3A_85 = arith.extui %ge3A_84 : i1 to i32
    %cond3A_86 = arith.constant 0 : i32
    %cond3A_87 = arith.cmpi ne, %convert_element_type3A_85, %cond3A_86 : i32
    scf.if %cond3A_87 {
      %sub3A = arith.constant 2 : i32
      %sub3A_88 = arith.subi %arg1, %sub3A : i32
      %mul3A_89 = arith.constant 78 : i32
      %mul3A_90 = arith.muli %sub3A_88, %mul3A_89 : i32
      %add3A_91 = arith.constant 158 : i32
      %add3A_92 = arith.addi %add3A_91, %mul3A_90 : i32
      %mul3A_93 = arith.constant 8 : i32
      %mul3A_94 = arith.muli %add3A_92, %mul3A_93 : i32
      "tpu.region"() ({
        %run_scoped3A = tpu.sem_alloc : memref<!tpu.dma_semaphore, #tpu.memory_space<semaphore_mem>>
        %dma_start3A_95 = arith.constant 0 : i32
        %dma_start3A_96 = tpu.memref_slice %arg6[%arg0, %mul3A_94, %dma_start3A_95] : memref<2x10000x128xf32, #tpu.memory_space<hbm>> -> memref<1x624x128xf32, #tpu.memory_space<hbm>>
        %dma_start3A_97 = tpu.memref_squeeze %dma_start3A_96 : memref<1x624x128xf32, #tpu.memory_space<hbm>> -> memref<624x128xf32, #tpu.memory_space<hbm>>
        %dma_start3A_98 = arith.constant 0 : i32
        %dma_start3A_99 = tpu.memref_slice %arg13[%mul3A_94, %dma_start3A_98] : memref<11024x128xf32, #tpu.memory_space<vmem_shared>> -> memref<624x128xf32, #tpu.memory_space<vmem_shared>>
        tpu.enqueue_dma source(%dma_start3A_99 : memref<624x128xf32, #tpu.memory_space<vmem_shared>>) target(%dma_start3A_97 : memref<624x128xf32, #tpu.memory_space<hbm>>) target_semaphore(%run_scoped3A : memref<!tpu.dma_semaphore, #tpu.memory_space<semaphore_mem>>)
        %dma_wait3A_100 = arith.constant 0 : i32
        %dma_wait3A_101 = tpu.memref_slice %arg6[%arg0, %mul3A_94, %dma_wait3A_100] : memref<2x10000x128xf32, #tpu.memory_space<hbm>> -> memref<1x624x128xf32, #tpu.memory_space<hbm>>
        %dma_wait3A_102 = tpu.memref_squeeze %dma_wait3A_101 : memref<1x624x128xf32, #tpu.memory_space<hbm>> -> memref<624x128xf32, #tpu.memory_space<hbm>>
        %dma_wait3A_103 = arith.constant 0 : i32
        %dma_wait3A_104 = tpu.memref_slice %arg13[%mul3A_94, %dma_wait3A_103] : memref<11024x128xf32, #tpu.memory_space<vmem_shared>> -> memref<624x128xf32, #tpu.memory_space<vmem_shared>>
        tpu.wait_dma2 semaphore(%run_scoped3A : memref<!tpu.dma_semaphore, #tpu.memory_space<semaphore_mem>>) src(%dma_wait3A_104 : memref<624x128xf32, #tpu.memory_space<vmem_shared>>) dst(%dma_wait3A_102 : memref<624x128xf32, #tpu.memory_space<hbm>>)
        tpu.yield
      }) : () -> ()
    } else {
    }
    return
  }
}

#map = affine_map<(d0, d1) -> (0, 0)>
#map1 = affine_map<(d0, d1) -> (0, 0, 0, 0)>
#map2 = affine_map<(d0, d1) -> (0, 0, 0)>
module attributes {stable_mosaic.version = 14 : i64} {
  func.func @k(%arg0: i32, %arg1: i32, %arg2: memref<10000x128xf32, #tpu.memory_space<hbm>>, %arg3: memref<10000x128xf32, #tpu.memory_space<hbm>>, %arg4: memref<32x40x2x128xi32, #tpu.memory_space<hbm>>, %arg5: memref<32x40x2x128xi32, #tpu.memory_space<hbm>>, %arg6: memref<2x10000x128xf32, #tpu.memory_space<hbm>>, %arg7: memref<2x128xi32, #tpu.memory_space<vmem>>, %arg8: memref<2x128xi32, #tpu.memory_space<vmem>>, %arg9: memref<2x128xi32, #tpu.memory_space<vmem>>, %arg10: memref<2x128xi32, #tpu.memory_space<vmem>>, %arg11: memref<128x128xf32, #tpu.memory_space<vmem>>, %arg12: memref<128x128xf32, #tpu.memory_space<vmem>>, %arg13: memref<11024x128xf32, #tpu.memory_space<vmem_shared>>, %arg14: memref<!tpu.dma_semaphore, #tpu.memory_space<semaphore_mem>>, %arg15: memref<!tpu.dma_semaphore, #tpu.memory_space<semaphore_mem>>, %arg16: memref<!tpu.dma_semaphore, #tpu.memory_space<semaphore_mem>>) attributes {dimension_semantics = [#tpu.dimension_semantics<core_parallel>, #tpu.dimension_semantics<subcore_parallel>], iteration_bounds = array<i64: 2, 16>, scalar_prefetch = 0 : i64, scratch_operands = 10 : i64, tpu.core_type = #tpu.core_type<sc_vector_subcore>, window_params = [{transform_indices = #map}, {transform_indices = #map}, {transform_indices = #map1}, {transform_indices = #map1}, {transform_indices = #map2}]} {
    %mul3A = arith.constant 16 : i32
    %mul3A_0 = arith.muli %arg0, %mul3A : i32
    %add3A = arith.addi %mul3A_0, %arg1 : i32
    %dma_start3A = arith.constant 0 : i32
    %dma_start3A_1 = arith.constant 0 : i32
    %dma_start3A_2 = arith.constant 0 : i32
    %dma_start3A_3 = tpu.memref_slice %arg4[%add3A, %dma_start3A, %dma_start3A_1, %dma_start3A_2] : memref<32x40x2x128xi32, #tpu.memory_space<hbm>> -> memref<1x1x2x128xi32, #tpu.memory_space<hbm>>
    %dma_start3A_4 = tpu.memref_squeeze %dma_start3A_3 : memref<1x1x2x128xi32, #tpu.memory_space<hbm>> -> memref<2x128xi32, #tpu.memory_space<hbm>>
    %dma_start3A_5 = arith.constant 0 : i32
    %dma_start3A_6 = arith.constant 0 : i32
    %dma_start3A_7 = tpu.memref_slice %arg4[%add3A, %dma_start3A, %dma_start3A_5, %dma_start3A_6] : memref<32x40x2x128xi32, #tpu.memory_space<hbm>> -> memref<1x1x2x128xi32, #tpu.memory_space<hbm>>
    %dma_start3A_8 = tpu.memref_squeeze %dma_start3A_7 : memref<1x1x2x128xi32, #tpu.memory_space<hbm>> -> memref<2x128xi32, #tpu.memory_space<hbm>>
    tpu.enqueue_dma source(%dma_start3A_8 : memref<2x128xi32, #tpu.memory_space<hbm>>) target(%arg7 : memref<2x128xi32, #tpu.memory_space<vmem>>) target_semaphore(%arg15 : memref<!tpu.dma_semaphore, #tpu.memory_space<semaphore_mem>>)
    %dma_start3A_9 = arith.constant 0 : i32
    %dma_start3A_10 = arith.constant 0 : i32
    %dma_start3A_11 = arith.constant 0 : i32
    %dma_start3A_12 = tpu.memref_slice %arg5[%add3A, %dma_start3A_9, %dma_start3A_10, %dma_start3A_11] : memref<32x40x2x128xi32, #tpu.memory_space<hbm>> -> memref<1x1x2x128xi32, #tpu.memory_space<hbm>>
    %dma_start3A_13 = tpu.memref_squeeze %dma_start3A_12 : memref<1x1x2x128xi32, #tpu.memory_space<hbm>> -> memref<2x128xi32, #tpu.memory_space<hbm>>
    %dma_start3A_14 = arith.constant 0 : i32
    %dma_start3A_15 = arith.constant 0 : i32
    %dma_start3A_16 = tpu.memref_slice %arg5[%add3A, %dma_start3A_9, %dma_start3A_14, %dma_start3A_15] : memref<32x40x2x128xi32, #tpu.memory_space<hbm>> -> memref<1x1x2x128xi32, #tpu.memory_space<hbm>>
    %dma_start3A_17 = tpu.memref_squeeze %dma_start3A_16 : memref<1x1x2x128xi32, #tpu.memory_space<hbm>> -> memref<2x128xi32, #tpu.memory_space<hbm>>
    tpu.enqueue_dma source(%dma_start3A_17 : memref<2x128xi32, #tpu.memory_space<hbm>>) target(%arg8 : memref<2x128xi32, #tpu.memory_space<vmem>>) target_semaphore(%arg15 : memref<!tpu.dma_semaphore, #tpu.memory_space<semaphore_mem>>)
    %eq3A = arith.constant 0 : i32
    %eq3A_18 = arith.cmpi eq, %arg0, %eq3A : i32
    %convert_element_type3A = arith.extui %eq3A_18 : i1 to i32
    %cond3A = arith.constant 0 : i32
    %cond3A_19 = arith.cmpi ne, %convert_element_type3A, %cond3A : i32
    scf.if %cond3A_19 {
      %lt3A_88 = arith.constant 2 : i32
      %lt3A_89 = arith.cmpi slt, %arg1, %lt3A_88 : i32
      %convert_element_type3A_90 = arith.extui %lt3A_89 : i1 to i32
      %cond3A_91 = arith.constant 0 : i32
      %cond3A_92 = arith.cmpi ne, %convert_element_type3A_90, %cond3A_91 : i32
      scf.if %cond3A_92 {
        %mul3A_98 = arith.constant 79 : i32
        %mul3A_99 = arith.muli %arg1, %mul3A_98 : i32
        %mul3A_100 = arith.constant 8 : i32
        %mul3A_101 = arith.muli %mul3A_99, %mul3A_100 : i32
        "tpu.region"() ({
          %run_scoped3A = tpu.sem_alloc : memref<!tpu.dma_semaphore, #tpu.memory_space<semaphore_mem>>
          %dma_start3A_102 = arith.constant 0 : i32
          %dma_start3A_103 = tpu.memref_slice %arg13[%mul3A_101, %dma_start3A_102] : memref<11024x128xf32, #tpu.memory_space<vmem_shared>> -> memref<632x128xf32, #tpu.memory_space<vmem_shared>>
          %dma_start3A_104 = arith.constant 0 : i32
          %dma_start3A_105 = tpu.memref_slice %arg2[%mul3A_101, %dma_start3A_104] : memref<10000x128xf32, #tpu.memory_space<hbm>> -> memref<632x128xf32, #tpu.memory_space<hbm>>
          tpu.enqueue_dma source(%dma_start3A_105 : memref<632x128xf32, #tpu.memory_space<hbm>>) target(%dma_start3A_103 : memref<632x128xf32, #tpu.memory_space<vmem_shared>>) target_semaphore(%run_scoped3A : memref<!tpu.dma_semaphore, #tpu.memory_space<semaphore_mem>>)
          %dma_wait3A_106 = arith.constant 0 : i32
          %dma_wait3A_107 = tpu.memref_slice %arg13[%mul3A_101, %dma_wait3A_106] : memref<11024x128xf32, #tpu.memory_space<vmem_shared>> -> memref<632x128xf32, #tpu.memory_space<vmem_shared>>
          %dma_wait3A_108 = arith.constant 0 : i32
          %dma_wait3A_109 = tpu.memref_slice %arg2[%mul3A_101, %dma_wait3A_108] : memref<10000x128xf32, #tpu.memory_space<hbm>> -> memref<632x128xf32, #tpu.memory_space<hbm>>
          tpu.wait_dma2 semaphore(%run_scoped3A : memref<!tpu.dma_semaphore, #tpu.memory_space<semaphore_mem>>) src(%dma_wait3A_109 : memref<632x128xf32, #tpu.memory_space<hbm>>) dst(%dma_wait3A_107 : memref<632x128xf32, #tpu.memory_space<vmem_shared>>)
          tpu.yield
        }) : () -> ()
      } else {
      }
      %ge3A_93 = arith.constant 2 : i32
      %ge3A_94 = arith.cmpi sge, %arg1, %ge3A_93 : i32
      %convert_element_type3A_95 = arith.extui %ge3A_94 : i1 to i32
      %cond3A_96 = arith.constant 0 : i32
      %cond3A_97 = arith.cmpi ne, %convert_element_type3A_95, %cond3A_96 : i32
      scf.if %cond3A_97 {
        %sub3A = arith.constant 2 : i32
        %sub3A_98 = arith.subi %arg1, %sub3A : i32
        %mul3A_99 = arith.constant 78 : i32
        %mul3A_100 = arith.muli %sub3A_98, %mul3A_99 : i32
        %add3A_101 = arith.constant 158 : i32
        %add3A_102 = arith.addi %add3A_101, %mul3A_100 : i32
        %mul3A_103 = arith.constant 8 : i32
        %mul3A_104 = arith.muli %add3A_102, %mul3A_103 : i32
        "tpu.region"() ({
          %run_scoped3A = tpu.sem_alloc : memref<!tpu.dma_semaphore, #tpu.memory_space<semaphore_mem>>
          %dma_start3A_105 = arith.constant 0 : i32
          %dma_start3A_106 = tpu.memref_slice %arg13[%mul3A_104, %dma_start3A_105] : memref<11024x128xf32, #tpu.memory_space<vmem_shared>> -> memref<624x128xf32, #tpu.memory_space<vmem_shared>>
          %dma_start3A_107 = arith.constant 0 : i32
          %dma_start3A_108 = tpu.memref_slice %arg2[%mul3A_104, %dma_start3A_107] : memref<10000x128xf32, #tpu.memory_space<hbm>> -> memref<624x128xf32, #tpu.memory_space<hbm>>
          tpu.enqueue_dma source(%dma_start3A_108 : memref<624x128xf32, #tpu.memory_space<hbm>>) target(%dma_start3A_106 : memref<624x128xf32, #tpu.memory_space<vmem_shared>>) target_semaphore(%run_scoped3A : memref<!tpu.dma_semaphore, #tpu.memory_space<semaphore_mem>>)
          %dma_wait3A_109 = arith.constant 0 : i32
          %dma_wait3A_110 = tpu.memref_slice %arg13[%mul3A_104, %dma_wait3A_109] : memref<11024x128xf32, #tpu.memory_space<vmem_shared>> -> memref<624x128xf32, #tpu.memory_space<vmem_shared>>
          %dma_wait3A_111 = arith.constant 0 : i32
          %dma_wait3A_112 = tpu.memref_slice %arg2[%mul3A_104, %dma_wait3A_111] : memref<10000x128xf32, #tpu.memory_space<hbm>> -> memref<624x128xf32, #tpu.memory_space<hbm>>
          tpu.wait_dma2 semaphore(%run_scoped3A : memref<!tpu.dma_semaphore, #tpu.memory_space<semaphore_mem>>) src(%dma_wait3A_112 : memref<624x128xf32, #tpu.memory_space<hbm>>) dst(%dma_wait3A_110 : memref<624x128xf32, #tpu.memory_space<vmem_shared>>)
          tpu.yield
        }) : () -> ()
      } else {
      }
    } else {
    }
    %eq3A_20 = arith.constant 1 : i32
    %eq3A_21 = arith.cmpi eq, %arg0, %eq3A_20 : i32
    %convert_element_type3A_22 = arith.extui %eq3A_21 : i1 to i32
    %cond3A_23 = arith.constant 0 : i32
    %cond3A_24 = arith.cmpi ne, %convert_element_type3A_22, %cond3A_23 : i32
    scf.if %cond3A_24 {
      %lt3A_88 = arith.constant 2 : i32
      %lt3A_89 = arith.cmpi slt, %arg1, %lt3A_88 : i32
      %convert_element_type3A_90 = arith.extui %lt3A_89 : i1 to i32
      %cond3A_91 = arith.constant 0 : i32
      %cond3A_92 = arith.cmpi ne, %convert_element_type3A_90, %cond3A_91 : i32
      scf.if %cond3A_92 {
        %mul3A_98 = arith.constant 79 : i32
        %mul3A_99 = arith.muli %arg1, %mul3A_98 : i32
        %mul3A_100 = arith.constant 8 : i32
        %mul3A_101 = arith.muli %mul3A_99, %mul3A_100 : i32
        "tpu.region"() ({
          %run_scoped3A = tpu.sem_alloc : memref<!tpu.dma_semaphore, #tpu.memory_space<semaphore_mem>>
          %dma_start3A_102 = arith.constant 0 : i32
          %dma_start3A_103 = tpu.memref_slice %arg13[%mul3A_101, %dma_start3A_102] : memref<11024x128xf32, #tpu.memory_space<vmem_shared>> -> memref<632x128xf32, #tpu.memory_space<vmem_shared>>
          %dma_start3A_104 = arith.constant 0 : i32
          %dma_start3A_105 = tpu.memref_slice %arg3[%mul3A_101, %dma_start3A_104] : memref<10000x128xf32, #tpu.memory_space<hbm>> -> memref<632x128xf32, #tpu.memory_space<hbm>>
          tpu.enqueue_dma source(%dma_start3A_105 : memref<632x128xf32, #tpu.memory_space<hbm>>) target(%dma_start3A_103 : memref<632x128xf32, #tpu.memory_space<vmem_shared>>) target_semaphore(%run_scoped3A : memref<!tpu.dma_semaphore, #tpu.memory_space<semaphore_mem>>)
          %dma_wait3A_106 = arith.constant 0 : i32
          %dma_wait3A_107 = tpu.memref_slice %arg13[%mul3A_101, %dma_wait3A_106] : memref<11024x128xf32, #tpu.memory_space<vmem_shared>> -> memref<632x128xf32, #tpu.memory_space<vmem_shared>>
          %dma_wait3A_108 = arith.constant 0 : i32
          %dma_wait3A_109 = tpu.memref_slice %arg3[%mul3A_101, %dma_wait3A_108] : memref<10000x128xf32, #tpu.memory_space<hbm>> -> memref<632x128xf32, #tpu.memory_space<hbm>>
          tpu.wait_dma2 semaphore(%run_scoped3A : memref<!tpu.dma_semaphore, #tpu.memory_space<semaphore_mem>>) src(%dma_wait3A_109 : memref<632x128xf32, #tpu.memory_space<hbm>>) dst(%dma_wait3A_107 : memref<632x128xf32, #tpu.memory_space<vmem_shared>>)
          tpu.yield
        }) : () -> ()
      } else {
      }
      %ge3A_93 = arith.constant 2 : i32
      %ge3A_94 = arith.cmpi sge, %arg1, %ge3A_93 : i32
      %convert_element_type3A_95 = arith.extui %ge3A_94 : i1 to i32
      %cond3A_96 = arith.constant 0 : i32
      %cond3A_97 = arith.cmpi ne, %convert_element_type3A_95, %cond3A_96 : i32
      scf.if %cond3A_97 {
        %sub3A = arith.constant 2 : i32
        %sub3A_98 = arith.subi %arg1, %sub3A : i32
        %mul3A_99 = arith.constant 78 : i32
        %mul3A_100 = arith.muli %sub3A_98, %mul3A_99 : i32
        %add3A_101 = arith.constant 158 : i32
        %add3A_102 = arith.addi %add3A_101, %mul3A_100 : i32
        %mul3A_103 = arith.constant 8 : i32
        %mul3A_104 = arith.muli %add3A_102, %mul3A_103 : i32
        "tpu.region"() ({
          %run_scoped3A = tpu.sem_alloc : memref<!tpu.dma_semaphore, #tpu.memory_space<semaphore_mem>>
          %dma_start3A_105 = arith.constant 0 : i32
          %dma_start3A_106 = tpu.memref_slice %arg13[%mul3A_104, %dma_start3A_105] : memref<11024x128xf32, #tpu.memory_space<vmem_shared>> -> memref<624x128xf32, #tpu.memory_space<vmem_shared>>
          %dma_start3A_107 = arith.constant 0 : i32
          %dma_start3A_108 = tpu.memref_slice %arg3[%mul3A_104, %dma_start3A_107] : memref<10000x128xf32, #tpu.memory_space<hbm>> -> memref<624x128xf32, #tpu.memory_space<hbm>>
          tpu.enqueue_dma source(%dma_start3A_108 : memref<624x128xf32, #tpu.memory_space<hbm>>) target(%dma_start3A_106 : memref<624x128xf32, #tpu.memory_space<vmem_shared>>) target_semaphore(%run_scoped3A : memref<!tpu.dma_semaphore, #tpu.memory_space<semaphore_mem>>)
          %dma_wait3A_109 = arith.constant 0 : i32
          %dma_wait3A_110 = tpu.memref_slice %arg13[%mul3A_104, %dma_wait3A_109] : memref<11024x128xf32, #tpu.memory_space<vmem_shared>> -> memref<624x128xf32, #tpu.memory_space<vmem_shared>>
          %dma_wait3A_111 = arith.constant 0 : i32
          %dma_wait3A_112 = tpu.memref_slice %arg3[%mul3A_104, %dma_wait3A_111] : memref<10000x128xf32, #tpu.memory_space<hbm>> -> memref<624x128xf32, #tpu.memory_space<hbm>>
          tpu.wait_dma2 semaphore(%run_scoped3A : memref<!tpu.dma_semaphore, #tpu.memory_space<semaphore_mem>>) src(%dma_wait3A_112 : memref<624x128xf32, #tpu.memory_space<hbm>>) dst(%dma_wait3A_110 : memref<624x128xf32, #tpu.memory_space<vmem_shared>>)
          tpu.yield
        }) : () -> ()
      } else {
      }
    } else {
    }
    %dma_wait3A = arith.constant 0 : i32
    %dma_wait3A_25 = arith.constant 0 : i32
    %dma_wait3A_26 = arith.constant 0 : i32
    %dma_wait3A_27 = tpu.memref_slice %arg4[%add3A, %dma_wait3A, %dma_wait3A_25, %dma_wait3A_26] : memref<32x40x2x128xi32, #tpu.memory_space<hbm>> -> memref<1x1x2x128xi32, #tpu.memory_space<hbm>>
    %dma_wait3A_28 = tpu.memref_squeeze %dma_wait3A_27 : memref<1x1x2x128xi32, #tpu.memory_space<hbm>> -> memref<2x128xi32, #tpu.memory_space<hbm>>
    %dma_wait3A_29 = arith.constant 0 : i32
    %dma_wait3A_30 = arith.constant 0 : i32
    %dma_wait3A_31 = tpu.memref_slice %arg4[%add3A, %dma_wait3A, %dma_wait3A_29, %dma_wait3A_30] : memref<32x40x2x128xi32, #tpu.memory_space<hbm>> -> memref<1x1x2x128xi32, #tpu.memory_space<hbm>>
    %dma_wait3A_32 = tpu.memref_squeeze %dma_wait3A_31 : memref<1x1x2x128xi32, #tpu.memory_space<hbm>> -> memref<2x128xi32, #tpu.memory_space<hbm>>
    tpu.wait_dma2 semaphore(%arg15 : memref<!tpu.dma_semaphore, #tpu.memory_space<semaphore_mem>>) src(%dma_wait3A_32 : memref<2x128xi32, #tpu.memory_space<hbm>>) dst(%arg7 : memref<2x128xi32, #tpu.memory_space<vmem>>)
    %dma_wait3A_33 = arith.constant 0 : i32
    %dma_wait3A_34 = arith.constant 0 : i32
    %dma_wait3A_35 = arith.constant 0 : i32
    %dma_wait3A_36 = tpu.memref_slice %arg5[%add3A, %dma_wait3A_33, %dma_wait3A_34, %dma_wait3A_35] : memref<32x40x2x128xi32, #tpu.memory_space<hbm>> -> memref<1x1x2x128xi32, #tpu.memory_space<hbm>>
    %dma_wait3A_37 = tpu.memref_squeeze %dma_wait3A_36 : memref<1x1x2x128xi32, #tpu.memory_space<hbm>> -> memref<2x128xi32, #tpu.memory_space<hbm>>
    %dma_wait3A_38 = arith.constant 0 : i32
    %dma_wait3A_39 = arith.constant 0 : i32
    %dma_wait3A_40 = tpu.memref_slice %arg5[%add3A, %dma_wait3A_33, %dma_wait3A_38, %dma_wait3A_39] : memref<32x40x2x128xi32, #tpu.memory_space<hbm>> -> memref<1x1x2x128xi32, #tpu.memory_space<hbm>>
    %dma_wait3A_41 = tpu.memref_squeeze %dma_wait3A_40 : memref<1x1x2x128xi32, #tpu.memory_space<hbm>> -> memref<2x128xi32, #tpu.memory_space<hbm>>
    tpu.wait_dma2 semaphore(%arg15 : memref<!tpu.dma_semaphore, #tpu.memory_space<semaphore_mem>>) src(%dma_wait3A_41 : memref<2x128xi32, #tpu.memory_space<hbm>>) dst(%arg8 : memref<2x128xi32, #tpu.memory_space<vmem>>)
    %barrier3A = arith.constant 0 : index
    tpu.barrier barrier_id(%barrier3A)
    %dma_start3A_42 = arith.constant 0 : i32
    %dma_start3A_43 = arith.constant 0 : i32
    %dma_start3A_44 = tpu.memref_slice %arg7[%dma_start3A_42, %dma_start3A_43] : memref<2x128xi32, #tpu.memory_space<vmem>> -> memref<1x128xi32, #tpu.memory_space<vmem>>
    %dma_start3A_45 = tpu.memref_squeeze %dma_start3A_44 : memref<1x128xi32, #tpu.memory_space<vmem>> -> memref<128xi32, #tpu.memory_space<vmem>>
    %dma_start3A_46 = arith.constant 0 : i32
    %dma_start3A_47 = arith.constant 0 : i32
    %dma_start3A_48 = tpu.memref_slice %arg2[%dma_start3A_46, %dma_start3A_47] : memref<10000x128xf32, #tpu.memory_space<hbm>> -> memref<10000x128xf32, #tpu.memory_space<hbm>>
    tpu.enqueue_indirect_dma source(%dma_start3A_48 : memref<10000x128xf32, #tpu.memory_space<hbm>>) target(%arg11 : memref<128x128xf32, #tpu.memory_space<vmem>>) offsets(%dma_start3A_45 : memref<128xi32, #tpu.memory_space<vmem>>) semaphore(%arg14 : memref<!tpu.dma_semaphore, #tpu.memory_space<semaphore_mem>>)
    %dma_start3A_49 = arith.constant 1 : i32
    %dma_start3A_50 = arith.constant 0 : i32
    %dma_start3A_51 = arith.constant 0 : i32
    %dma_start3A_52 = tpu.memref_slice %arg4[%add3A, %dma_start3A_49, %dma_start3A_50, %dma_start3A_51] : memref<32x40x2x128xi32, #tpu.memory_space<hbm>> -> memref<1x1x2x128xi32, #tpu.memory_space<hbm>>
    %dma_start3A_53 = tpu.memref_squeeze %dma_start3A_52 : memref<1x1x2x128xi32, #tpu.memory_space<hbm>> -> memref<2x128xi32, #tpu.memory_space<hbm>>
    %dma_start3A_54 = arith.constant 0 : i32
    %dma_start3A_55 = arith.constant 0 : i32
    %dma_start3A_56 = tpu.memref_slice %arg4[%add3A, %dma_start3A_49, %dma_start3A_54, %dma_start3A_55] : memref<32x40x2x128xi32, #tpu.memory_space<hbm>> -> memref<1x1x2x128xi32, #tpu.memory_space<hbm>>
    %dma_start3A_57 = tpu.memref_squeeze %dma_start3A_56 : memref<1x1x2x128xi32, #tpu.memory_space<hbm>> -> memref<2x128xi32, #tpu.memory_space<hbm>>
    tpu.enqueue_dma source(%dma_start3A_57 : memref<2x128xi32, #tpu.memory_space<hbm>>) target(%arg9 : memref<2x128xi32, #tpu.memory_space<vmem>>) target_semaphore(%arg15 : memref<!tpu.dma_semaphore, #tpu.memory_space<semaphore_mem>>)
    %dma_start3A_58 = arith.constant 1 : i32
    %dma_start3A_59 = arith.constant 0 : i32
    %dma_start3A_60 = arith.constant 0 : i32
    %dma_start3A_61 = tpu.memref_slice %arg5[%add3A, %dma_start3A_58, %dma_start3A_59, %dma_start3A_60] : memref<32x40x2x128xi32, #tpu.memory_space<hbm>> -> memref<1x1x2x128xi32, #tpu.memory_space<hbm>>
    %dma_start3A_62 = tpu.memref_squeeze %dma_start3A_61 : memref<1x1x2x128xi32, #tpu.memory_space<hbm>> -> memref<2x128xi32, #tpu.memory_space<hbm>>
    %dma_start3A_63 = arith.constant 0 : i32
    %dma_start3A_64 = arith.constant 0 : i32
    %dma_start3A_65 = tpu.memref_slice %arg5[%add3A, %dma_start3A_58, %dma_start3A_63, %dma_start3A_64] : memref<32x40x2x128xi32, #tpu.memory_space<hbm>> -> memref<1x1x2x128xi32, #tpu.memory_space<hbm>>
    %dma_start3A_66 = tpu.memref_squeeze %dma_start3A_65 : memref<1x1x2x128xi32, #tpu.memory_space<hbm>> -> memref<2x128xi32, #tpu.memory_space<hbm>>
    tpu.enqueue_dma source(%dma_start3A_66 : memref<2x128xi32, #tpu.memory_space<hbm>>) target(%arg10 : memref<2x128xi32, #tpu.memory_space<vmem>>) target_semaphore(%arg15 : memref<!tpu.dma_semaphore, #tpu.memory_space<semaphore_mem>>)
    %scan3A = arith.constant 0 : i32
    %scan3A_67 = arith.constant 0 : i32
    %scan3A_68 = arith.constant 20 : i32
    %scan3A_69 = arith.addi %scan3A_67, %scan3A_68 : i32
    %scan3A_70 = arith.constant 1 : i32
    scf.for %scan3A_88 = %scan3A_67 to %scan3A_69 step %scan3A_70  : i32 {
      %mul3A_89 = arith.constant 2 : i32
      %mul3A_90 = arith.muli %mul3A_89, %scan3A_88 : i32
      %mul3A_91 = arith.constant 2 : i32
      %mul3A_92 = arith.muli %mul3A_91, %scan3A_88 : i32
      %add3A_93 = arith.constant 1 : i32
      %add3A_94 = arith.addi %mul3A_92, %add3A_93 : i32
      %dma_wait3A_95 = arith.constant 0 : i32
      %dma_wait3A_96 = arith.constant 0 : i32
      %dma_wait3A_97 = tpu.memref_slice %arg7[%dma_wait3A_95, %dma_wait3A_96] : memref<2x128xi32, #tpu.memory_space<vmem>> -> memref<1x128xi32, #tpu.memory_space<vmem>>
      %dma_wait3A_98 = tpu.memref_squeeze %dma_wait3A_97 : memref<1x128xi32, #tpu.memory_space<vmem>> -> memref<128xi32, #tpu.memory_space<vmem>>
      %dma_wait3A_99 = arith.constant 0 : i32
      %dma_wait3A_100 = arith.constant 0 : i32
      %dma_wait3A_101 = tpu.memref_slice %arg2[%dma_wait3A_99, %dma_wait3A_100] : memref<10000x128xf32, #tpu.memory_space<hbm>> -> memref<10000x128xf32, #tpu.memory_space<hbm>>
      tpu.wait_indirect_dma semaphore(%arg14 : memref<!tpu.dma_semaphore, #tpu.memory_space<semaphore_mem>>) src(%dma_wait3A_101 : memref<10000x128xf32, #tpu.memory_space<hbm>>) dst(%arg11 : memref<128x128xf32, #tpu.memory_space<vmem>>)
      %dma_start3A_102 = arith.constant 0 : i32
      %dma_start3A_103 = arith.constant 0 : i32
      %dma_start3A_104 = tpu.memref_slice %arg8[%dma_start3A_102, %dma_start3A_103] : memref<2x128xi32, #tpu.memory_space<vmem>> -> memref<1x128xi32, #tpu.memory_space<vmem>>
      %dma_start3A_105 = tpu.memref_squeeze %dma_start3A_104 : memref<1x128xi32, #tpu.memory_space<vmem>> -> memref<128xi32, #tpu.memory_space<vmem>>
      %dma_start3A_106 = arith.constant 0 : i32
      %dma_start3A_107 = arith.constant 0 : i32
      %dma_start3A_108 = tpu.memref_slice %arg13[%dma_start3A_106, %dma_start3A_107] : memref<11024x128xf32, #tpu.memory_space<vmem_shared>> -> memref<11024x128xf32, #tpu.memory_space<vmem_shared>>
      tpu.enqueue_indirect_dma source(%arg11 : memref<128x128xf32, #tpu.memory_space<vmem>>) target(%dma_start3A_108 : memref<11024x128xf32, #tpu.memory_space<vmem_shared>>) offsets(%dma_start3A_105 : memref<128xi32, #tpu.memory_space<vmem>>) semaphore(%arg16 : memref<!tpu.dma_semaphore, #tpu.memory_space<semaphore_mem>>) {add = true}
      %gt3A = arith.constant 0 : i32
      %gt3A_109 = arith.cmpi sgt, %scan3A_88, %gt3A : i32
      %convert_element_type3A_110 = arith.extui %gt3A_109 : i1 to i32
      %cond3A_111 = arith.constant 0 : i32
      %cond3A_112 = arith.cmpi ne, %convert_element_type3A_110, %cond3A_111 : i32
      scf.if %cond3A_112 {
        %dma_wait3A_223 = arith.constant 0 : i32
        %dma_wait3A_224 = arith.constant 0 : i32
        %dma_wait3A_225 = tpu.memref_slice %arg8[%dma_wait3A_223, %dma_wait3A_224] : memref<2x128xi32, #tpu.memory_space<vmem>> -> memref<1x128xi32, #tpu.memory_space<vmem>>
        %dma_wait3A_226 = tpu.memref_squeeze %dma_wait3A_225 : memref<1x128xi32, #tpu.memory_space<vmem>> -> memref<128xi32, #tpu.memory_space<vmem>>
        %dma_wait3A_227 = arith.constant 0 : i32
        %dma_wait3A_228 = arith.constant 0 : i32
        %dma_wait3A_229 = tpu.memref_slice %arg13[%dma_wait3A_227, %dma_wait3A_228] : memref<11024x128xf32, #tpu.memory_space<vmem_shared>> -> memref<11024x128xf32, #tpu.memory_space<vmem_shared>>
        tpu.wait_indirect_dma semaphore(%arg16 : memref<!tpu.dma_semaphore, #tpu.memory_space<semaphore_mem>>) src(%arg11 : memref<128x128xf32, #tpu.memory_space<vmem>>) dst(%dma_wait3A_229 : memref<11024x128xf32, #tpu.memory_space<vmem_shared>>)
        %dma_start3A_230 = arith.constant 0 : i32
        %dma_start3A_231 = arith.constant 0 : i32
        %dma_start3A_232 = tpu.memref_slice %arg4[%add3A, %add3A_94, %dma_start3A_230, %dma_start3A_231] : memref<32x40x2x128xi32, #tpu.memory_space<hbm>> -> memref<1x1x2x128xi32, #tpu.memory_space<hbm>>
        %dma_start3A_233 = tpu.memref_squeeze %dma_start3A_232 : memref<1x1x2x128xi32, #tpu.memory_space<hbm>> -> memref<2x128xi32, #tpu.memory_space<hbm>>
        %dma_start3A_234 = arith.constant 0 : i32
        %dma_start3A_235 = arith.constant 0 : i32
        %dma_start3A_236 = tpu.memref_slice %arg4[%add3A, %add3A_94, %dma_start3A_234, %dma_start3A_235] : memref<32x40x2x128xi32, #tpu.memory_space<hbm>> -> memref<1x1x2x128xi32, #tpu.memory_space<hbm>>
        %dma_start3A_237 = tpu.memref_squeeze %dma_start3A_236 : memref<1x1x2x128xi32, #tpu.memory_space<hbm>> -> memref<2x128xi32, #tpu.memory_space<hbm>>
        tpu.enqueue_dma source(%dma_start3A_237 : memref<2x128xi32, #tpu.memory_space<hbm>>) target(%arg9 : memref<2x128xi32, #tpu.memory_space<vmem>>) target_semaphore(%arg15 : memref<!tpu.dma_semaphore, #tpu.memory_space<semaphore_mem>>)
        %dma_start3A_238 = arith.constant 0 : i32
        %dma_start3A_239 = arith.constant 0 : i32
        %dma_start3A_240 = tpu.memref_slice %arg5[%add3A, %add3A_94, %dma_start3A_238, %dma_start3A_239] : memref<32x40x2x128xi32, #tpu.memory_space<hbm>> -> memref<1x1x2x128xi32, #tpu.memory_space<hbm>>
        %dma_start3A_241 = tpu.memref_squeeze %dma_start3A_240 : memref<1x1x2x128xi32, #tpu.memory_space<hbm>> -> memref<2x128xi32, #tpu.memory_space<hbm>>
        %dma_start3A_242 = arith.constant 0 : i32
        %dma_start3A_243 = arith.constant 0 : i32
        %dma_start3A_244 = tpu.memref_slice %arg5[%add3A, %add3A_94, %dma_start3A_242, %dma_start3A_243] : memref<32x40x2x128xi32, #tpu.memory_space<hbm>> -> memref<1x1x2x128xi32, #tpu.memory_space<hbm>>
        %dma_start3A_245 = tpu.memref_squeeze %dma_start3A_244 : memref<1x1x2x128xi32, #tpu.memory_space<hbm>> -> memref<2x128xi32, #tpu.memory_space<hbm>>
        tpu.enqueue_dma source(%dma_start3A_245 : memref<2x128xi32, #tpu.memory_space<hbm>>) target(%arg10 : memref<2x128xi32, #tpu.memory_space<vmem>>) target_semaphore(%arg15 : memref<!tpu.dma_semaphore, #tpu.memory_space<semaphore_mem>>)
      } else {
      }
      %dma_start3A_113 = arith.constant 1 : i32
      %dma_start3A_114 = arith.constant 0 : i32
      %dma_start3A_115 = tpu.memref_slice %arg7[%dma_start3A_113, %dma_start3A_114] : memref<2x128xi32, #tpu.memory_space<vmem>> -> memref<1x128xi32, #tpu.memory_space<vmem>>
      %dma_start3A_116 = tpu.memref_squeeze %dma_start3A_115 : memref<1x128xi32, #tpu.memory_space<vmem>> -> memref<128xi32, #tpu.memory_space<vmem>>
      %dma_start3A_117 = arith.constant 0 : i32
      %dma_start3A_118 = arith.constant 0 : i32
      %dma_start3A_119 = tpu.memref_slice %arg2[%dma_start3A_117, %dma_start3A_118] : memref<10000x128xf32, #tpu.memory_space<hbm>> -> memref<10000x128xf32, #tpu.memory_space<hbm>>
      tpu.enqueue_indirect_dma source(%dma_start3A_119 : memref<10000x128xf32, #tpu.memory_space<hbm>>) target(%arg12 : memref<128x128xf32, #tpu.memory_space<vmem>>) offsets(%dma_start3A_116 : memref<128xi32, #tpu.memory_space<vmem>>) semaphore(%arg14 : memref<!tpu.dma_semaphore, #tpu.memory_space<semaphore_mem>>)
      %dma_wait3A_120 = arith.constant 1 : i32
      %dma_wait3A_121 = arith.constant 0 : i32
      %dma_wait3A_122 = tpu.memref_slice %arg7[%dma_wait3A_120, %dma_wait3A_121] : memref<2x128xi32, #tpu.memory_space<vmem>> -> memref<1x128xi32, #tpu.memory_space<vmem>>
      %dma_wait3A_123 = tpu.memref_squeeze %dma_wait3A_122 : memref<1x128xi32, #tpu.memory_space<vmem>> -> memref<128xi32, #tpu.memory_space<vmem>>
      %dma_wait3A_124 = arith.constant 0 : i32
      %dma_wait3A_125 = arith.constant 0 : i32
      %dma_wait3A_126 = tpu.memref_slice %arg2[%dma_wait3A_124, %dma_wait3A_125] : memref<10000x128xf32, #tpu.memory_space<hbm>> -> memref<10000x128xf32, #tpu.memory_space<hbm>>
      tpu.wait_indirect_dma semaphore(%arg14 : memref<!tpu.dma_semaphore, #tpu.memory_space<semaphore_mem>>) src(%dma_wait3A_126 : memref<10000x128xf32, #tpu.memory_space<hbm>>) dst(%arg12 : memref<128x128xf32, #tpu.memory_space<vmem>>)
      %dma_start3A_127 = arith.constant 1 : i32
      %dma_start3A_128 = arith.constant 0 : i32
      %dma_start3A_129 = tpu.memref_slice %arg8[%dma_start3A_127, %dma_start3A_128] : memref<2x128xi32, #tpu.memory_space<vmem>> -> memref<1x128xi32, #tpu.memory_space<vmem>>
      %dma_start3A_130 = tpu.memref_squeeze %dma_start3A_129 : memref<1x128xi32, #tpu.memory_space<vmem>> -> memref<128xi32, #tpu.memory_space<vmem>>
      %dma_start3A_131 = arith.constant 0 : i32
      %dma_start3A_132 = arith.constant 0 : i32
      %dma_start3A_133 = tpu.memref_slice %arg13[%dma_start3A_131, %dma_start3A_132] : memref<11024x128xf32, #tpu.memory_space<vmem_shared>> -> memref<11024x128xf32, #tpu.memory_space<vmem_shared>>
      tpu.enqueue_indirect_dma source(%arg12 : memref<128x128xf32, #tpu.memory_space<vmem>>) target(%dma_start3A_133 : memref<11024x128xf32, #tpu.memory_space<vmem_shared>>) offsets(%dma_start3A_130 : memref<128xi32, #tpu.memory_space<vmem>>) semaphore(%arg16 : memref<!tpu.dma_semaphore, #tpu.memory_space<semaphore_mem>>) {add = true}
      %dma_wait3A_134 = arith.constant 0 : i32
      %dma_wait3A_135 = arith.constant 0 : i32
      %dma_wait3A_136 = tpu.memref_slice %arg8[%dma_wait3A_134, %dma_wait3A_135] : memref<2x128xi32, #tpu.memory_space<vmem>> -> memref<1x128xi32, #tpu.memory_space<vmem>>
      %dma_wait3A_137 = tpu.memref_squeeze %dma_wait3A_136 : memref<1x128xi32, #tpu.memory_space<vmem>> -> memref<128xi32, #tpu.memory_space<vmem>>
      %dma_wait3A_138 = arith.constant 0 : i32
      %dma_wait3A_139 = arith.constant 0 : i32
      %dma_wait3A_140 = tpu.memref_slice %arg13[%dma_wait3A_138, %dma_wait3A_139] : memref<11024x128xf32, #tpu.memory_space<vmem_shared>> -> memref<11024x128xf32, #tpu.memory_space<vmem_shared>>
      tpu.wait_indirect_dma semaphore(%arg16 : memref<!tpu.dma_semaphore, #tpu.memory_space<semaphore_mem>>) src(%arg11 : memref<128x128xf32, #tpu.memory_space<vmem>>) dst(%dma_wait3A_140 : memref<11024x128xf32, #tpu.memory_space<vmem_shared>>)
      %dma_wait3A_141 = arith.constant 0 : i32
      %dma_wait3A_142 = arith.constant 0 : i32
      %dma_wait3A_143 = tpu.memref_slice %arg4[%add3A, %add3A_94, %dma_wait3A_141, %dma_wait3A_142] : memref<32x40x2x128xi32, #tpu.memory_space<hbm>> -> memref<1x1x2x128xi32, #tpu.memory_space<hbm>>
      %dma_wait3A_144 = tpu.memref_squeeze %dma_wait3A_143 : memref<1x1x2x128xi32, #tpu.memory_space<hbm>> -> memref<2x128xi32, #tpu.memory_space<hbm>>
      %dma_wait3A_145 = arith.constant 0 : i32
      %dma_wait3A_146 = arith.constant 0 : i32
      %dma_wait3A_147 = tpu.memref_slice %arg4[%add3A, %add3A_94, %dma_wait3A_145, %dma_wait3A_146] : memref<32x40x2x128xi32, #tpu.memory_space<hbm>> -> memref<1x1x2x128xi32, #tpu.memory_space<hbm>>
      %dma_wait3A_148 = tpu.memref_squeeze %dma_wait3A_147 : memref<1x1x2x128xi32, #tpu.memory_space<hbm>> -> memref<2x128xi32, #tpu.memory_space<hbm>>
      tpu.wait_dma2 semaphore(%arg15 : memref<!tpu.dma_semaphore, #tpu.memory_space<semaphore_mem>>) src(%dma_wait3A_148 : memref<2x128xi32, #tpu.memory_space<hbm>>) dst(%arg9 : memref<2x128xi32, #tpu.memory_space<vmem>>)
      %dma_wait3A_149 = arith.constant 0 : i32
      %dma_wait3A_150 = arith.constant 0 : i32
      %dma_wait3A_151 = tpu.memref_slice %arg5[%add3A, %add3A_94, %dma_wait3A_149, %dma_wait3A_150] : memref<32x40x2x128xi32, #tpu.memory_space<hbm>> -> memref<1x1x2x128xi32, #tpu.memory_space<hbm>>
      %dma_wait3A_152 = tpu.memref_squeeze %dma_wait3A_151 : memref<1x1x2x128xi32, #tpu.memory_space<hbm>> -> memref<2x128xi32, #tpu.memory_space<hbm>>
      %dma_wait3A_153 = arith.constant 0 : i32
      %dma_wait3A_154 = arith.constant 0 : i32
      %dma_wait3A_155 = tpu.memref_slice %arg5[%add3A, %add3A_94, %dma_wait3A_153, %dma_wait3A_154] : memref<32x40x2x128xi32, #tpu.memory_space<hbm>> -> memref<1x1x2x128xi32, #tpu.memory_space<hbm>>
      %dma_wait3A_156 = tpu.memref_squeeze %dma_wait3A_155 : memref<1x1x2x128xi32, #tpu.memory_space<hbm>> -> memref<2x128xi32, #tpu.memory_space<hbm>>
      tpu.wait_dma2 semaphore(%arg15 : memref<!tpu.dma_semaphore, #tpu.memory_space<semaphore_mem>>) src(%dma_wait3A_156 : memref<2x128xi32, #tpu.memory_space<hbm>>) dst(%arg10 : memref<2x128xi32, #tpu.memory_space<vmem>>)
      %dma_start3A_157 = arith.constant 0 : i32
      %dma_start3A_158 = arith.constant 0 : i32
      %dma_start3A_159 = tpu.memref_slice %arg9[%dma_start3A_157, %dma_start3A_158] : memref<2x128xi32, #tpu.memory_space<vmem>> -> memref<1x128xi32, #tpu.memory_space<vmem>>
      %dma_start3A_160 = tpu.memref_squeeze %dma_start3A_159 : memref<1x128xi32, #tpu.memory_space<vmem>> -> memref<128xi32, #tpu.memory_space<vmem>>
      %dma_start3A_161 = arith.constant 0 : i32
      %dma_start3A_162 = arith.constant 0 : i32
      %dma_start3A_163 = tpu.memref_slice %arg2[%dma_start3A_161, %dma_start3A_162] : memref<10000x128xf32, #tpu.memory_space<hbm>> -> memref<10000x128xf32, #tpu.memory_space<hbm>>
      tpu.enqueue_indirect_dma source(%dma_start3A_163 : memref<10000x128xf32, #tpu.memory_space<hbm>>) target(%arg11 : memref<128x128xf32, #tpu.memory_space<vmem>>) offsets(%dma_start3A_160 : memref<128xi32, #tpu.memory_space<vmem>>) semaphore(%arg14 : memref<!tpu.dma_semaphore, #tpu.memory_space<semaphore_mem>>)
      %dma_wait3A_164 = arith.constant 0 : i32
      %dma_wait3A_165 = arith.constant 0 : i32
      %dma_wait3A_166 = tpu.memref_slice %arg9[%dma_wait3A_164, %dma_wait3A_165] : memref<2x128xi32, #tpu.memory_space<vmem>> -> memref<1x128xi32, #tpu.memory_space<vmem>>
      %dma_wait3A_167 = tpu.memref_squeeze %dma_wait3A_166 : memref<1x128xi32, #tpu.memory_space<vmem>> -> memref<128xi32, #tpu.memory_space<vmem>>
      %dma_wait3A_168 = arith.constant 0 : i32
      %dma_wait3A_169 = arith.constant 0 : i32
      %dma_wait3A_170 = tpu.memref_slice %arg2[%dma_wait3A_168, %dma_wait3A_169] : memref<10000x128xf32, #tpu.memory_space<hbm>> -> memref<10000x128xf32, #tpu.memory_space<hbm>>
      tpu.wait_indirect_dma semaphore(%arg14 : memref<!tpu.dma_semaphore, #tpu.memory_space<semaphore_mem>>) src(%dma_wait3A_170 : memref<10000x128xf32, #tpu.memory_space<hbm>>) dst(%arg11 : memref<128x128xf32, #tpu.memory_space<vmem>>)
      %dma_start3A_171 = arith.constant 0 : i32
      %dma_start3A_172 = arith.constant 0 : i32
      %dma_start3A_173 = tpu.memref_slice %arg10[%dma_start3A_171, %dma_start3A_172] : memref<2x128xi32, #tpu.memory_space<vmem>> -> memref<1x128xi32, #tpu.memory_space<vmem>>
      %dma_start3A_174 = tpu.memref_squeeze %dma_start3A_173 : memref<1x128xi32, #tpu.memory_space<vmem>> -> memref<128xi32, #tpu.memory_space<vmem>>
      %dma_start3A_175 = arith.constant 0 : i32
      %dma_start3A_176 = arith.constant 0 : i32
      %dma_start3A_177 = tpu.memref_slice %arg13[%dma_start3A_175, %dma_start3A_176] : memref<11024x128xf32, #tpu.memory_space<vmem_shared>> -> memref<11024x128xf32, #tpu.memory_space<vmem_shared>>
      tpu.enqueue_indirect_dma source(%arg11 : memref<128x128xf32, #tpu.memory_space<vmem>>) target(%dma_start3A_177 : memref<11024x128xf32, #tpu.memory_space<vmem_shared>>) offsets(%dma_start3A_174 : memref<128xi32, #tpu.memory_space<vmem>>) semaphore(%arg16 : memref<!tpu.dma_semaphore, #tpu.memory_space<semaphore_mem>>) {add = true}
      %dma_wait3A_178 = arith.constant 0 : i32
      %dma_wait3A_179 = arith.constant 0 : i32
      %dma_wait3A_180 = tpu.memref_slice %arg8[%dma_wait3A_178, %dma_wait3A_179] : memref<2x128xi32, #tpu.memory_space<vmem>> -> memref<1x128xi32, #tpu.memory_space<vmem>>
      %dma_wait3A_181 = tpu.memref_squeeze %dma_wait3A_180 : memref<1x128xi32, #tpu.memory_space<vmem>> -> memref<128xi32, #tpu.memory_space<vmem>>
      %dma_wait3A_182 = arith.constant 0 : i32
      %dma_wait3A_183 = arith.constant 0 : i32
      %dma_wait3A_184 = tpu.memref_slice %arg13[%dma_wait3A_182, %dma_wait3A_183] : memref<11024x128xf32, #tpu.memory_space<vmem_shared>> -> memref<11024x128xf32, #tpu.memory_space<vmem_shared>>
      tpu.wait_indirect_dma semaphore(%arg16 : memref<!tpu.dma_semaphore, #tpu.memory_space<semaphore_mem>>) src(%arg11 : memref<128x128xf32, #tpu.memory_space<vmem>>) dst(%dma_wait3A_184 : memref<11024x128xf32, #tpu.memory_space<vmem_shared>>)
      %lt3A_185 = arith.constant 19 : i32
      %lt3A_186 = arith.cmpi slt, %scan3A_88, %lt3A_185 : i32
      %convert_element_type3A_187 = arith.extui %lt3A_186 : i1 to i32
      %cond3A_188 = arith.constant 0 : i32
      %cond3A_189 = arith.cmpi ne, %convert_element_type3A_187, %cond3A_188 : i32
      scf.if %cond3A_189 {
        %add3A_223 = arith.constant 2 : i32
        %add3A_224 = arith.addi %mul3A_90, %add3A_223 : i32
        %dma_start3A_225 = arith.constant 0 : i32
        %dma_start3A_226 = arith.constant 0 : i32
        %dma_start3A_227 = tpu.memref_slice %arg4[%add3A, %add3A_224, %dma_start3A_225, %dma_start3A_226] : memref<32x40x2x128xi32, #tpu.memory_space<hbm>> -> memref<1x1x2x128xi32, #tpu.memory_space<hbm>>
        %dma_start3A_228 = tpu.memref_squeeze %dma_start3A_227 : memref<1x1x2x128xi32, #tpu.memory_space<hbm>> -> memref<2x128xi32, #tpu.memory_space<hbm>>
        %dma_start3A_229 = arith.constant 0 : i32
        %dma_start3A_230 = arith.constant 0 : i32
        %dma_start3A_231 = tpu.memref_slice %arg4[%add3A, %add3A_224, %dma_start3A_229, %dma_start3A_230] : memref<32x40x2x128xi32, #tpu.memory_space<hbm>> -> memref<1x1x2x128xi32, #tpu.memory_space<hbm>>
        %dma_start3A_232 = tpu.memref_squeeze %dma_start3A_231 : memref<1x1x2x128xi32, #tpu.memory_space<hbm>> -> memref<2x128xi32, #tpu.memory_space<hbm>>
        tpu.enqueue_dma source(%dma_start3A_232 : memref<2x128xi32, #tpu.memory_space<hbm>>) target(%arg7 : memref<2x128xi32, #tpu.memory_space<vmem>>) target_semaphore(%arg15 : memref<!tpu.dma_semaphore, #tpu.memory_space<semaphore_mem>>)
        %dma_start3A_233 = arith.constant 0 : i32
        %dma_start3A_234 = arith.constant 0 : i32
        %dma_start3A_235 = tpu.memref_slice %arg5[%add3A, %add3A_224, %dma_start3A_233, %dma_start3A_234] : memref<32x40x2x128xi32, #tpu.memory_space<hbm>> -> memref<1x1x2x128xi32, #tpu.memory_space<hbm>>
        %dma_start3A_236 = tpu.memref_squeeze %dma_start3A_235 : memref<1x1x2x128xi32, #tpu.memory_space<hbm>> -> memref<2x128xi32, #tpu.memory_space<hbm>>
        %dma_start3A_237 = arith.constant 0 : i32
        %dma_start3A_238 = arith.constant 0 : i32
        %dma_start3A_239 = tpu.memref_slice %arg5[%add3A, %add3A_224, %dma_start3A_237, %dma_start3A_238] : memref<32x40x2x128xi32, #tpu.memory_space<hbm>> -> memref<1x1x2x128xi32, #tpu.memory_space<hbm>>
        %dma_start3A_240 = tpu.memref_squeeze %dma_start3A_239 : memref<1x1x2x128xi32, #tpu.memory_space<hbm>> -> memref<2x128xi32, #tpu.memory_space<hbm>>
        tpu.enqueue_dma source(%dma_start3A_240 : memref<2x128xi32, #tpu.memory_space<hbm>>) target(%arg8 : memref<2x128xi32, #tpu.memory_space<vmem>>) target_semaphore(%arg15 : memref<!tpu.dma_semaphore, #tpu.memory_space<semaphore_mem>>)
      } else {
      }
      %dma_start3A_190 = arith.constant 1 : i32
      %dma_start3A_191 = arith.constant 0 : i32
      %dma_start3A_192 = tpu.memref_slice %arg9[%dma_start3A_190, %dma_start3A_191] : memref<2x128xi32, #tpu.memory_space<vmem>> -> memref<1x128xi32, #tpu.memory_space<vmem>>
      %dma_start3A_193 = tpu.memref_squeeze %dma_start3A_192 : memref<1x128xi32, #tpu.memory_space<vmem>> -> memref<128xi32, #tpu.memory_space<vmem>>
      %dma_start3A_194 = arith.constant 0 : i32
      %dma_start3A_195 = arith.constant 0 : i32
      %dma_start3A_196 = tpu.memref_slice %arg2[%dma_start3A_194, %dma_start3A_195] : memref<10000x128xf32, #tpu.memory_space<hbm>> -> memref<10000x128xf32, #tpu.memory_space<hbm>>
      tpu.enqueue_indirect_dma source(%dma_start3A_196 : memref<10000x128xf32, #tpu.memory_space<hbm>>) target(%arg12 : memref<128x128xf32, #tpu.memory_space<vmem>>) offsets(%dma_start3A_193 : memref<128xi32, #tpu.memory_space<vmem>>) semaphore(%arg14 : memref<!tpu.dma_semaphore, #tpu.memory_space<semaphore_mem>>)
      %dma_wait3A_197 = arith.constant 1 : i32
      %dma_wait3A_198 = arith.constant 0 : i32
      %dma_wait3A_199 = tpu.memref_slice %arg9[%dma_wait3A_197, %dma_wait3A_198] : memref<2x128xi32, #tpu.memory_space<vmem>> -> memref<1x128xi32, #tpu.memory_space<vmem>>
      %dma_wait3A_200 = tpu.memref_squeeze %dma_wait3A_199 : memref<1x128xi32, #tpu.memory_space<vmem>> -> memref<128xi32, #tpu.memory_space<vmem>>
      %dma_wait3A_201 = arith.constant 0 : i32
      %dma_wait3A_202 = arith.constant 0 : i32
      %dma_wait3A_203 = tpu.memref_slice %arg2[%dma_wait3A_201, %dma_wait3A_202] : memref<10000x128xf32, #tpu.memory_space<hbm>> -> memref<10000x128xf32, #tpu.memory_space<hbm>>
      tpu.wait_indirect_dma semaphore(%arg14 : memref<!tpu.dma_semaphore, #tpu.memory_space<semaphore_mem>>) src(%dma_wait3A_203 : memref<10000x128xf32, #tpu.memory_space<hbm>>) dst(%arg12 : memref<128x128xf32, #tpu.memory_space<vmem>>)
      %dma_start3A_204 = arith.constant 1 : i32
      %dma_start3A_205 = arith.constant 0 : i32
      %dma_start3A_206 = tpu.memref_slice %arg10[%dma_start3A_204, %dma_start3A_205] : memref<2x128xi32, #tpu.memory_space<vmem>> -> memref<1x128xi32, #tpu.memory_space<vmem>>
      %dma_start3A_207 = tpu.memref_squeeze %dma_start3A_206 : memref<1x128xi32, #tpu.memory_space<vmem>> -> memref<128xi32, #tpu.memory_space<vmem>>
      %dma_start3A_208 = arith.constant 0 : i32
      %dma_start3A_209 = arith.constant 0 : i32
      %dma_start3A_210 = tpu.memref_slice %arg13[%dma_start3A_208, %dma_start3A_209] : memref<11024x128xf32, #tpu.memory_space<vmem_shared>> -> memref<11024x128xf32, #tpu.memory_space<vmem_shared>>
      tpu.enqueue_indirect_dma source(%arg12 : memref<128x128xf32, #tpu.memory_space<vmem>>) target(%dma_start3A_210 : memref<11024x128xf32, #tpu.memory_space<vmem_shared>>) offsets(%dma_start3A_207 : memref<128xi32, #tpu.memory_space<vmem>>) semaphore(%arg16 : memref<!tpu.dma_semaphore, #tpu.memory_space<semaphore_mem>>) {add = true}
      %dma_wait3A_211 = arith.constant 0 : i32
      %dma_wait3A_212 = arith.constant 0 : i32
      %dma_wait3A_213 = tpu.memref_slice %arg8[%dma_wait3A_211, %dma_wait3A_212] : memref<2x128xi32, #tpu.memory_space<vmem>> -> memref<1x128xi32, #tpu.memory_space<vmem>>
      %dma_wait3A_214 = tpu.memref_squeeze %dma_wait3A_213 : memref<1x128xi32, #tpu.memory_space<vmem>> -> memref<128xi32, #tpu.memory_space<vmem>>
      %dma_wait3A_215 = arith.constant 0 : i32
      %dma_wait3A_216 = arith.constant 0 : i32
      %dma_wait3A_217 = tpu.memref_slice %arg13[%dma_wait3A_215, %dma_wait3A_216] : memref<11024x128xf32, #tpu.memory_space<vmem_shared>> -> memref<11024x128xf32, #tpu.memory_space<vmem_shared>>
      tpu.wait_indirect_dma semaphore(%arg16 : memref<!tpu.dma_semaphore, #tpu.memory_space<semaphore_mem>>) src(%arg11 : memref<128x128xf32, #tpu.memory_space<vmem>>) dst(%dma_wait3A_217 : memref<11024x128xf32, #tpu.memory_space<vmem_shared>>)
      %lt3A_218 = arith.constant 19 : i32
      %lt3A_219 = arith.cmpi slt, %scan3A_88, %lt3A_218 : i32
      %convert_element_type3A_220 = arith.extui %lt3A_219 : i1 to i32
      %cond3A_221 = arith.constant 0 : i32
      %cond3A_222 = arith.cmpi ne, %convert_element_type3A_220, %cond3A_221 : i32
      scf.if %cond3A_222 {
        %add3A_223 = arith.constant 2 : i32
        %add3A_224 = arith.addi %mul3A_90, %add3A_223 : i32
        %dma_wait3A_225 = arith.constant 0 : i32
        %dma_wait3A_226 = arith.constant 0 : i32
        %dma_wait3A_227 = tpu.memref_slice %arg4[%add3A, %add3A_224, %dma_wait3A_225, %dma_wait3A_226] : memref<32x40x2x128xi32, #tpu.memory_space<hbm>> -> memref<1x1x2x128xi32, #tpu.memory_space<hbm>>
        %dma_wait3A_228 = tpu.memref_squeeze %dma_wait3A_227 : memref<1x1x2x128xi32, #tpu.memory_space<hbm>> -> memref<2x128xi32, #tpu.memory_space<hbm>>
        %dma_wait3A_229 = arith.constant 0 : i32
        %dma_wait3A_230 = arith.constant 0 : i32
        %dma_wait3A_231 = tpu.memref_slice %arg4[%add3A, %add3A_224, %dma_wait3A_229, %dma_wait3A_230] : memref<32x40x2x128xi32, #tpu.memory_space<hbm>> -> memref<1x1x2x128xi32, #tpu.memory_space<hbm>>
        %dma_wait3A_232 = tpu.memref_squeeze %dma_wait3A_231 : memref<1x1x2x128xi32, #tpu.memory_space<hbm>> -> memref<2x128xi32, #tpu.memory_space<hbm>>
        tpu.wait_dma2 semaphore(%arg15 : memref<!tpu.dma_semaphore, #tpu.memory_space<semaphore_mem>>) src(%dma_wait3A_232 : memref<2x128xi32, #tpu.memory_space<hbm>>) dst(%arg7 : memref<2x128xi32, #tpu.memory_space<vmem>>)
        %dma_wait3A_233 = arith.constant 0 : i32
        %dma_wait3A_234 = arith.constant 0 : i32
        %dma_wait3A_235 = tpu.memref_slice %arg5[%add3A, %add3A_224, %dma_wait3A_233, %dma_wait3A_234] : memref<32x40x2x128xi32, #tpu.memory_space<hbm>> -> memref<1x1x2x128xi32, #tpu.memory_space<hbm>>
        %dma_wait3A_236 = tpu.memref_squeeze %dma_wait3A_235 : memref<1x1x2x128xi32, #tpu.memory_space<hbm>> -> memref<2x128xi32, #tpu.memory_space<hbm>>
        %dma_wait3A_237 = arith.constant 0 : i32
        %dma_wait3A_238 = arith.constant 0 : i32
        %dma_wait3A_239 = tpu.memref_slice %arg5[%add3A, %add3A_224, %dma_wait3A_237, %dma_wait3A_238] : memref<32x40x2x128xi32, #tpu.memory_space<hbm>> -> memref<1x1x2x128xi32, #tpu.memory_space<hbm>>
        %dma_wait3A_240 = tpu.memref_squeeze %dma_wait3A_239 : memref<1x1x2x128xi32, #tpu.memory_space<hbm>> -> memref<2x128xi32, #tpu.memory_space<hbm>>
        tpu.wait_dma2 semaphore(%arg15 : memref<!tpu.dma_semaphore, #tpu.memory_space<semaphore_mem>>) src(%dma_wait3A_240 : memref<2x128xi32, #tpu.memory_space<hbm>>) dst(%arg8 : memref<2x128xi32, #tpu.memory_space<vmem>>)
        %dma_start3A_241 = arith.constant 0 : i32
        %dma_start3A_242 = arith.constant 0 : i32
        %dma_start3A_243 = tpu.memref_slice %arg7[%dma_start3A_241, %dma_start3A_242] : memref<2x128xi32, #tpu.memory_space<vmem>> -> memref<1x128xi32, #tpu.memory_space<vmem>>
        %dma_start3A_244 = tpu.memref_squeeze %dma_start3A_243 : memref<1x128xi32, #tpu.memory_space<vmem>> -> memref<128xi32, #tpu.memory_space<vmem>>
        %dma_start3A_245 = arith.constant 0 : i32
        %dma_start3A_246 = arith.constant 0 : i32
        %dma_start3A_247 = tpu.memref_slice %arg2[%dma_start3A_245, %dma_start3A_246] : memref<10000x128xf32, #tpu.memory_space<hbm>> -> memref<10000x128xf32, #tpu.memory_space<hbm>>
        tpu.enqueue_indirect_dma source(%dma_start3A_247 : memref<10000x128xf32, #tpu.memory_space<hbm>>) target(%arg11 : memref<128x128xf32, #tpu.memory_space<vmem>>) offsets(%dma_start3A_244 : memref<128xi32, #tpu.memory_space<vmem>>) semaphore(%arg14 : memref<!tpu.dma_semaphore, #tpu.memory_space<semaphore_mem>>)
      } else {
      }
    }
    %scan3A_71 = arith.constant 20 : i32
    %dma_wait3A_72 = arith.constant 0 : i32
    %dma_wait3A_73 = arith.constant 0 : i32
    %dma_wait3A_74 = tpu.memref_slice %arg8[%dma_wait3A_72, %dma_wait3A_73] : memref<2x128xi32, #tpu.memory_space<vmem>> -> memref<1x128xi32, #tpu.memory_space<vmem>>
    %dma_wait3A_75 = tpu.memref_squeeze %dma_wait3A_74 : memref<1x128xi32, #tpu.memory_space<vmem>> -> memref<128xi32, #tpu.memory_space<vmem>>
    %dma_wait3A_76 = arith.constant 0 : i32
    %dma_wait3A_77 = arith.constant 0 : i32
    %dma_wait3A_78 = tpu.memref_slice %arg13[%dma_wait3A_76, %dma_wait3A_77] : memref<11024x128xf32, #tpu.memory_space<vmem_shared>> -> memref<11024x128xf32, #tpu.memory_space<vmem_shared>>
    tpu.wait_indirect_dma semaphore(%arg16 : memref<!tpu.dma_semaphore, #tpu.memory_space<semaphore_mem>>) src(%arg11 : memref<128x128xf32, #tpu.memory_space<vmem>>) dst(%dma_wait3A_78 : memref<11024x128xf32, #tpu.memory_space<vmem_shared>>)
    %barrier3A_79 = arith.constant 0 : index
    tpu.barrier barrier_id(%barrier3A_79)
    %lt3A = arith.constant 2 : i32
    %lt3A_80 = arith.cmpi slt, %arg1, %lt3A : i32
    %convert_element_type3A_81 = arith.extui %lt3A_80 : i1 to i32
    %cond3A_82 = arith.constant 0 : i32
    %cond3A_83 = arith.cmpi ne, %convert_element_type3A_81, %cond3A_82 : i32
    scf.if %cond3A_83 {
      %mul3A_88 = arith.constant 79 : i32
      %mul3A_89 = arith.muli %arg1, %mul3A_88 : i32
      %mul3A_90 = arith.constant 8 : i32
      %mul3A_91 = arith.muli %mul3A_89, %mul3A_90 : i32
      "tpu.region"() ({
        %run_scoped3A = tpu.sem_alloc : memref<!tpu.dma_semaphore, #tpu.memory_space<semaphore_mem>>
        %dma_start3A_92 = arith.constant 0 : i32
        %dma_start3A_93 = tpu.memref_slice %arg6[%arg0, %mul3A_91, %dma_start3A_92] : memref<2x10000x128xf32, #tpu.memory_space<hbm>> -> memref<1x632x128xf32, #tpu.memory_space<hbm>>
        %dma_start3A_94 = tpu.memref_squeeze %dma_start3A_93 : memref<1x632x128xf32, #tpu.memory_space<hbm>> -> memref<632x128xf32, #tpu.memory_space<hbm>>
        %dma_start3A_95 = arith.constant 0 : i32
        %dma_start3A_96 = tpu.memref_slice %arg13[%mul3A_91, %dma_start3A_95] : memref<11024x128xf32, #tpu.memory_space<vmem_shared>> -> memref<632x128xf32, #tpu.memory_space<vmem_shared>>
        tpu.enqueue_dma source(%dma_start3A_96 : memref<632x128xf32, #tpu.memory_space<vmem_shared>>) target(%dma_start3A_94 : memref<632x128xf32, #tpu.memory_space<hbm>>) target_semaphore(%run_scoped3A : memref<!tpu.dma_semaphore, #tpu.memory_space<semaphore_mem>>)
        %dma_wait3A_97 = arith.constant 0 : i32
        %dma_wait3A_98 = tpu.memref_slice %arg6[%arg0, %mul3A_91, %dma_wait3A_97] : memref<2x10000x128xf32, #tpu.memory_space<hbm>> -> memref<1x632x128xf32, #tpu.memory_space<hbm>>
        %dma_wait3A_99 = tpu.memref_squeeze %dma_wait3A_98 : memref<1x632x128xf32, #tpu.memory_space<hbm>> -> memref<632x128xf32, #tpu.memory_space<hbm>>
        %dma_wait3A_100 = arith.constant 0 : i32
        %dma_wait3A_101 = tpu.memref_slice %arg13[%mul3A_91, %dma_wait3A_100] : memref<11024x128xf32, #tpu.memory_space<vmem_shared>> -> memref<632x128xf32, #tpu.memory_space<vmem_shared>>
        tpu.wait_dma2 semaphore(%run_scoped3A : memref<!tpu.dma_semaphore, #tpu.memory_space<semaphore_mem>>) src(%dma_wait3A_101 : memref<632x128xf32, #tpu.memory_space<vmem_shared>>) dst(%dma_wait3A_99 : memref<632x128xf32, #tpu.memory_space<hbm>>)
        tpu.yield
      }) : () -> ()
    } else {
    }
    %ge3A = arith.constant 2 : i32
    %ge3A_84 = arith.cmpi sge, %arg1, %ge3A : i32
    %convert_element_type3A_85 = arith.extui %ge3A_84 : i1 to i32
    %cond3A_86 = arith.constant 0 : i32
    %cond3A_87 = arith.cmpi ne, %convert_element_type3A_85, %cond3A_86 : i32
    scf.if %cond3A_87 {
      %sub3A = arith.constant 2 : i32
      %sub3A_88 = arith.subi %arg1, %sub3A : i32
      %mul3A_89 = arith.constant 78 : i32
      %mul3A_90 = arith.muli %sub3A_88, %mul3A_89 : i32
      %add3A_91 = arith.constant 158 : i32
      %add3A_92 = arith.addi %add3A_91, %mul3A_90 : i32
      %mul3A_93 = arith.constant 8 : i32
      %mul3A_94 = arith.muli %add3A_92, %mul3A_93 : i32
      "tpu.region"() ({
        %run_scoped3A = tpu.sem_alloc : memref<!tpu.dma_semaphore, #tpu.memory_space<semaphore_mem>>
        %dma_start3A_95 = arith.constant 0 : i32
        %dma_start3A_96 = tpu.memref_slice %arg6[%arg0, %mul3A_94, %dma_start3A_95] : memref<2x10000x128xf32, #tpu.memory_space<hbm>> -> memref<1x624x128xf32, #tpu.memory_space<hbm>>
        %dma_start3A_97 = tpu.memref_squeeze %dma_start3A_96 : memref<1x624x128xf32, #tpu.memory_space<hbm>> -> memref<624x128xf32, #tpu.memory_space<hbm>>
        %dma_start3A_98 = arith.constant 0 : i32
        %dma_start3A_99 = tpu.memref_slice %arg13[%mul3A_94, %dma_start3A_98] : memref<11024x128xf32, #tpu.memory_space<vmem_shared>> -> memref<624x128xf32, #tpu.memory_space<vmem_shared>>
        tpu.enqueue_dma source(%dma_start3A_99 : memref<624x128xf32, #tpu.memory_space<vmem_shared>>) target(%dma_start3A_97 : memref<624x128xf32, #tpu.memory_space<hbm>>) target_semaphore(%run_scoped3A : memref<!tpu.dma_semaphore, #tpu.memory_space<semaphore_mem>>)
        %dma_wait3A_100 = arith.constant 0 : i32
        %dma_wait3A_101 = tpu.memref_slice %arg6[%arg0, %mul3A_94, %dma_wait3A_100] : memref<2x10000x128xf32, #tpu.memory_space<hbm>> -> memref<1x624x128xf32, #tpu.memory_space<hbm>>
        %dma_wait3A_102 = tpu.memref_squeeze %dma_wait3A_101 : memref<1x624x128xf32, #tpu.memory_space<hbm>> -> memref<624x128xf32, #tpu.memory_space<hbm>>
        %dma_wait3A_103 = arith.constant 0 : i32
        %dma_wait3A_104 = tpu.memref_slice %arg13[%mul3A_94, %dma_wait3A_103] : memref<11024x128xf32, #tpu.memory_space<vmem_shared>> -> memref<624x128xf32, #tpu.memory_space<vmem_shared>>
        tpu.wait_dma2 semaphore(%run_scoped3A : memref<!tpu.dma_semaphore, #tpu.memory_space<semaphore_mem>>) src(%dma_wait3A_104 : memref<624x128xf32, #tpu.memory_space<vmem_shared>>) dst(%dma_wait3A_102 : memref<624x128xf32, #tpu.memory_space<hbm>>)
        tpu.yield
      }) : () -> ()
    } else {
    }
    return
  }
}

module attributes {stable_mosaic.version = 14 : i64} {
  func.func @body(%arg0: i32, %arg1: memref<2x2000x16xf32, #tpu.memory_space<vmem>>, %arg2: memref<2000x128xf32, #tpu.memory_space<vmem>>, %arg3: memref<128x128xf32, #tpu.memory_space<vmem>>, %arg4: memref<2000x128xf32, #tpu.memory_space<vmem>>, %arg5: memref<2000x1xf32, #tpu.memory_space<vmem>>) attributes {dimension_semantics = [#tpu.dimension_semantics<arbitrary>], iteration_bounds = array<i64: 5>, scalar_prefetch = 0 : i64, scratch_operands = 0 : i64, tpu.core_type = #tpu.core_type<tc>, window_params = [{transform_indices = @transform_0, window_bounds = array<i64: 2, 2000, 16>}, {transform_indices = @transform_1, window_bounds = array<i64: 2000, 128>}, {pipeline_mode = #tpu.pipeline_mode<synchronous>, transform_indices = @transform_2, window_bounds = array<i64: 128, 128>}, {transform_indices = @transform_3, window_bounds = array<i64: 2000, 128>}, {transform_indices = @transform_4, window_bounds = array<i64: 2000, 1>}]} {
    %get3A = arith.constant 0 : index
    %get3A_0 = arith.constant 0 : index
    %get3A_1 = arith.constant 0 : index
    %get3A_2 = vector.load %arg1[%get3A, %get3A_0, %get3A_1] : memref<2x2000x16xf32, #tpu.memory_space<vmem>>, vector<1x2000x1xf32>
    %get3A_3 = vector.shape_cast %get3A_2 : vector<1x2000x1xf32> to vector<2000x1xf32>
    %get3A_4 = arith.constant 1 : index
    %get3A_5 = arith.constant 0 : index
    %get3A_6 = arith.constant 0 : index
    %get3A_7 = vector.load %arg1[%get3A_4, %get3A_5, %get3A_6] : memref<2x2000x16xf32, #tpu.memory_space<vmem>>, vector<1x2000x1xf32>
    %get3A_8 = vector.shape_cast %get3A_7 : vector<1x2000x1xf32> to vector<2000x1xf32>
    %add3A = arith.addf %get3A_3, %get3A_8 : vector<2000x1xf32>
    %rsqrt3A = math.rsqrt %add3A : vector<2000x1xf32>
    %get3A_9 = arith.constant 0 : index
    %get3A_10 = arith.constant 0 : index
    %get3A_11 = vector.load %arg2[%get3A_9, %get3A_10] : memref<2000x128xf32, #tpu.memory_space<vmem>>, vector<2000x128xf32>
    %get3A_12 = arith.constant 0 : index
    %get3A_13 = arith.constant 0 : index
    %get3A_14 = vector.load %arg3[%get3A_12, %get3A_13] : memref<128x128xf32, #tpu.memory_space<vmem>>, vector<128x128xf32>
    %dot_general3A = arith.constant dense<0.000000e+00> : vector<2000x128xf32>
    %dot_general3A_15 = tpu.matmul %get3A_11, %get3A_14, %dot_general3A {dimension_numbers = #tpu.dot_dimension_numbers<[1], [0], [0], [1], [0, 0, 1, 1], [], []>, transpose_lhs_hint = false} : vector<2000x128xf32>, vector<128x128xf32>, vector<2000x128xf32> -> vector<2000x128xf32>
    %mul3A = vector.broadcast %rsqrt3A : vector<2000x1xf32> to vector<2000x128xf32>
    %mul3A_16 = arith.mulf %dot_general3A_15, %mul3A : vector<2000x128xf32>
    %swap3A = arith.constant 0 : index
    %swap3A_17 = arith.constant 0 : index
    %swap3A_18 = vector.load %arg4[%swap3A, %swap3A_17] : memref<2000x128xf32, #tpu.memory_space<vmem>>, vector<2000x128xf32>
    tpu.vector_store %arg4[%swap3A, %swap3A_17], %mul3A_16 {strides = array<i32>} : memref<2000x128xf32, #tpu.memory_space<vmem>>, vector<2000x128xf32>,
    %swap3A_19 = arith.constant 0 : index
    %swap3A_20 = arith.constant 0 : index
    %swap3A_21 = vector.load %arg5[%swap3A_19, %swap3A_20] : memref<2000x1xf32, #tpu.memory_space<vmem>>, vector<2000x1xf32>
    tpu.vector_store %arg5[%swap3A_19, %swap3A_20], %rsqrt3A {strides = array<i32>} : memref<2000x1xf32, #tpu.memory_space<vmem>>, vector<2000x1xf32>,
    return
  }
  func.func @transform_0(%arg0: i32) -> (i32, i32, i32) {
    %c0_i32 = arith.constant 0 : i32
    %c0_i32_0 = arith.constant 0 : i32
    %c0_i32_1 = arith.constant 0 : i32
    return %c0_i32, %arg0, %c0_i32_0 : i32, i32, i32
  }
  func.func @transform_1(%arg0: i32) -> (i32, i32) {
    %c0_i32 = arith.constant 0 : i32
    %c0_i32_0 = arith.constant 0 : i32
    return %arg0, %c0_i32 : i32, i32
  }
  func.func @transform_2(%arg0: i32) -> (i32, i32) {
    %c0_i32 = arith.constant 0 : i32
    %c0_i32_0 = arith.constant 0 : i32
    %c0_i32_1 = arith.constant 0 : i32
    return %c0_i32, %c0_i32_0 : i32, i32
  }
  func.func @transform_3(%arg0: i32) -> (i32, i32) {
    %c0_i32 = arith.constant 0 : i32
    %c0_i32_0 = arith.constant 0 : i32
    return %arg0, %c0_i32 : i32, i32
  }
  func.func @transform_4(%arg0: i32) -> (i32, i32) {
    %c0_i32 = arith.constant 0 : i32
    %c0_i32_0 = arith.constant 0 : i32
    return %arg0, %c0_i32 : i32, i32
  }
}

module attributes {stable_mosaic.version = 14 : i64} {
  func.func @body(%arg0: i32, %arg1: memref<2x2000x128xf32, #tpu.memory_space<vmem>>, %arg2: memref<2000x1xf32, #tpu.memory_space<vmem>>, %arg3: memref<1x128xf32, #tpu.memory_space<vmem>>, %arg4: memref<128x128xf32, #tpu.memory_space<vmem>>, %arg5: memref<2000x128xf32, #tpu.memory_space<vmem>>, %arg6: memref<2000x128xf32, #tpu.memory_space<vmem>>) attributes {dimension_semantics = [#tpu.dimension_semantics<arbitrary>], iteration_bounds = array<i64: 5>, scalar_prefetch = 0 : i64, scratch_operands = 0 : i64, tpu.core_type = #tpu.core_type<tc>, window_params = [{transform_indices = @transform_0, window_bounds = array<i64: 2, 2000, 128>}, {transform_indices = @transform_1, window_bounds = array<i64: 2000, 1>}, {pipeline_mode = #tpu.pipeline_mode<synchronous>, transform_indices = @transform_2, window_bounds = array<i64: 1, 128>}, {pipeline_mode = #tpu.pipeline_mode<synchronous>, transform_indices = @transform_3, window_bounds = array<i64: 128, 128>}, {transform_indices = @transform_4, window_bounds = array<i64: 2000, 128>}, {transform_indices = @transform_5, window_bounds = array<i64: 2000, 128>}]} {
    %get3A = arith.constant 0 : index
    %get3A_0 = arith.constant 0 : index
    %get3A_1 = vector.load %arg2[%get3A, %get3A_0] : memref<2000x1xf32, #tpu.memory_space<vmem>>, vector<2000x1xf32>
    %get3A_2 = arith.constant 0 : index
    %get3A_3 = arith.constant 0 : index
    %get3A_4 = arith.constant 0 : index
    %get3A_5 = vector.load %arg1[%get3A_2, %get3A_3, %get3A_4] : memref<2x2000x128xf32, #tpu.memory_space<vmem>>, vector<1x2000x128xf32>
    %get3A_6 = vector.shape_cast %get3A_5 : vector<1x2000x128xf32> to vector<2000x128xf32>
    %get3A_7 = arith.constant 1 : index
    %get3A_8 = arith.constant 0 : index
    %get3A_9 = arith.constant 0 : index
    %get3A_10 = vector.load %arg1[%get3A_7, %get3A_8, %get3A_9] : memref<2x2000x128xf32, #tpu.memory_space<vmem>>, vector<1x2000x128xf32>
    %get3A_11 = vector.shape_cast %get3A_10 : vector<1x2000x128xf32> to vector<2000x128xf32>
    %add3A = arith.addf %get3A_6, %get3A_11 : vector<2000x128xf32>
    %mul3A = vector.broadcast %get3A_1 : vector<2000x1xf32> to vector<2000x128xf32>
    %mul3A_12 = arith.mulf %mul3A, %add3A : vector<2000x128xf32>
    %get3A_13 = arith.constant 0 : index
    %get3A_14 = arith.constant 0 : index
    %get3A_15 = vector.load %arg3[%get3A_13, %get3A_14] : memref<1x128xf32, #tpu.memory_space<vmem>>, vector<1x128xf32>
    %add3A_16 = vector.broadcast %get3A_15 : vector<1x128xf32> to vector<2000x128xf32>
    %add3A_17 = arith.addf %mul3A_12, %add3A_16 : vector<2000x128xf32>
    %max3A = arith.constant 0.000000e+00 : f32
    %max3A_18 = vector.broadcast %max3A : f32 to vector<2000x128xf32>
    %max3A_19 = arith.maximumf %add3A_17, %max3A_18 : vector<2000x128xf32>
    %swap3A = arith.constant 0 : index
    %swap3A_20 = arith.constant 0 : index
    %swap3A_21 = vector.load %arg5[%swap3A, %swap3A_20] : memref<2000x128xf32, #tpu.memory_space<vmem>>, vector<2000x128xf32>
    tpu.vector_store %arg5[%swap3A, %swap3A_20], %max3A_19 {strides = array<i32>} : memref<2000x128xf32, #tpu.memory_space<vmem>>, vector<2000x128xf32>,
    %get3A_22 = arith.constant 0 : index
    %get3A_23 = arith.constant 0 : index
    %get3A_24 = vector.load %arg4[%get3A_22, %get3A_23] : memref<128x128xf32, #tpu.memory_space<vmem>>, vector<128x128xf32>
    %dot_general3A = arith.constant dense<0.000000e+00> : vector<2000x128xf32>
    %dot_general3A_25 = tpu.matmul %max3A_19, %get3A_24, %dot_general3A {dimension_numbers = #tpu.dot_dimension_numbers<[1], [0], [0], [1], [0, 0, 1, 1], [], []>, transpose_lhs_hint = false} : vector<2000x128xf32>, vector<128x128xf32>, vector<2000x128xf32> -> vector<2000x128xf32>
    %mul3A_26 = vector.broadcast %get3A_1 : vector<2000x1xf32> to vector<2000x128xf32>
    %mul3A_27 = arith.mulf %dot_general3A_25, %mul3A_26 : vector<2000x128xf32>
    %swap3A_28 = arith.constant 0 : index
    %swap3A_29 = arith.constant 0 : index
    %swap3A_30 = vector.load %arg6[%swap3A_28, %swap3A_29] : memref<2000x128xf32, #tpu.memory_space<vmem>>, vector<2000x128xf32>
    tpu.vector_store %arg6[%swap3A_28, %swap3A_29], %mul3A_27 {strides = array<i32>} : memref<2000x128xf32, #tpu.memory_space<vmem>>, vector<2000x128xf32>,
    return
  }
  func.func @transform_0(%arg0: i32) -> (i32, i32, i32) {
    %c0_i32 = arith.constant 0 : i32
    %c0_i32_0 = arith.constant 0 : i32
    %c0_i32_1 = arith.constant 0 : i32
    return %c0_i32, %arg0, %c0_i32_0 : i32, i32, i32
  }
  func.func @transform_1(%arg0: i32) -> (i32, i32) {
    %c0_i32 = arith.constant 0 : i32
    %c0_i32_0 = arith.constant 0 : i32
    return %arg0, %c0_i32 : i32, i32
  }
  func.func @transform_2(%arg0: i32) -> (i32, i32) {
    %c0_i32 = arith.constant 0 : i32
    %c0_i32_0 = arith.constant 0 : i32
    %c0_i32_1 = arith.constant 0 : i32
    return %c0_i32, %c0_i32_0 : i32, i32
  }
  func.func @transform_3(%arg0: i32) -> (i32, i32) {
    %c0_i32 = arith.constant 0 : i32
    %c0_i32_0 = arith.constant 0 : i32
    %c0_i32_1 = arith.constant 0 : i32
    return %c0_i32, %c0_i32_0 : i32, i32
  }
  func.func @transform_4(%arg0: i32) -> (i32, i32) {
    %c0_i32 = arith.constant 0 : i32
    %c0_i32_0 = arith.constant 0 : i32
    return %arg0, %c0_i32 : i32, i32
  }
  func.func @transform_5(%arg0: i32) -> (i32, i32) {
    %c0_i32 = arith.constant 0 : i32
    %c0_i32_0 = arith.constant 0 : i32
    return %arg0, %c0_i32 : i32, i32
  }
}

module attributes {stable_mosaic.version = 14 : i64} {
  func.func @body(%arg0: i32, %arg1: memref<2x2000x128xf32, #tpu.memory_space<vmem>>, %arg2: memref<2000x1xf32, #tpu.memory_space<vmem>>, %arg3: memref<1x128xf32, #tpu.memory_space<vmem>>, %arg4: memref<2000x128xf32, #tpu.memory_space<vmem>>, %arg5: memref<2000x128xf32, #tpu.memory_space<vmem>>, %arg6: memref<128x128xf32, #tpu.memory_space<vmem>>, %arg7: memref<1x128xf32, #tpu.memory_space<vmem>>, %arg8: memref<2000x128xf32, #tpu.memory_space<vmem>>) attributes {dimension_semantics = [#tpu.dimension_semantics<arbitrary>], iteration_bounds = array<i64: 5>, scalar_prefetch = 0 : i64, scratch_operands = 0 : i64, tpu.core_type = #tpu.core_type<tc>, window_params = [{transform_indices = @transform_0, window_bounds = array<i64: 2, 2000, 128>}, {transform_indices = @transform_1, window_bounds = array<i64: 2000, 1>}, {pipeline_mode = #tpu.pipeline_mode<synchronous>, transform_indices = @transform_2, window_bounds = array<i64: 1, 128>}, {transform_indices = @transform_3, window_bounds = array<i64: 2000, 128>}, {transform_indices = @transform_4, window_bounds = array<i64: 2000, 128>}, {pipeline_mode = #tpu.pipeline_mode<synchronous>, transform_indices = @transform_5, window_bounds = array<i64: 128, 128>}, {pipeline_mode = #tpu.pipeline_mode<synchronous>, transform_indices = @transform_6, window_bounds = array<i64: 1, 128>}, {transform_indices = @transform_7, window_bounds = array<i64: 2000, 128>}]} {
    %get3A = arith.constant 0 : index
    %get3A_0 = arith.constant 0 : index
    %get3A_1 = vector.load %arg2[%get3A, %get3A_0] : memref<2000x1xf32, #tpu.memory_space<vmem>>, vector<2000x1xf32>
    %get3A_2 = arith.constant 0 : index
    %get3A_3 = arith.constant 0 : index
    %get3A_4 = arith.constant 0 : index
    %get3A_5 = vector.load %arg1[%get3A_2, %get3A_3, %get3A_4] : memref<2x2000x128xf32, #tpu.memory_space<vmem>>, vector<1x2000x128xf32>
    %get3A_6 = vector.shape_cast %get3A_5 : vector<1x2000x128xf32> to vector<2000x128xf32>
    %get3A_7 = arith.constant 1 : index
    %get3A_8 = arith.constant 0 : index
    %get3A_9 = arith.constant 0 : index
    %get3A_10 = vector.load %arg1[%get3A_7, %get3A_8, %get3A_9] : memref<2x2000x128xf32, #tpu.memory_space<vmem>>, vector<1x2000x128xf32>
    %get3A_11 = vector.shape_cast %get3A_10 : vector<1x2000x128xf32> to vector<2000x128xf32>
    %add3A = arith.addf %get3A_6, %get3A_11 : vector<2000x128xf32>
    %mul3A = vector.broadcast %get3A_1 : vector<2000x1xf32> to vector<2000x128xf32>
    %mul3A_12 = arith.mulf %mul3A, %add3A : vector<2000x128xf32>
    %get3A_13 = arith.constant 0 : index
    %get3A_14 = arith.constant 0 : index
    %get3A_15 = vector.load %arg3[%get3A_13, %get3A_14] : memref<1x128xf32, #tpu.memory_space<vmem>>, vector<1x128xf32>
    %add3A_16 = vector.broadcast %get3A_15 : vector<1x128xf32> to vector<2000x128xf32>
    %add3A_17 = arith.addf %mul3A_12, %add3A_16 : vector<2000x128xf32>
    %max3A = arith.constant 0.000000e+00 : f32
    %max3A_18 = vector.broadcast %max3A : f32 to vector<2000x128xf32>
    %max3A_19 = arith.maximumf %add3A_17, %max3A_18 : vector<2000x128xf32>
    %get3A_20 = arith.constant 0 : index
    %get3A_21 = arith.constant 0 : index
    %get3A_22 = vector.load %arg4[%get3A_20, %get3A_21] : memref<2000x128xf32, #tpu.memory_space<vmem>>, vector<2000x128xf32>
    %get3A_23 = arith.constant 0 : index
    %get3A_24 = arith.constant 0 : index
    %get3A_25 = vector.load %arg5[%get3A_23, %get3A_24] : memref<2000x128xf32, #tpu.memory_space<vmem>>, vector<2000x128xf32>
    %add3A_26 = arith.addf %get3A_22, %get3A_25 : vector<2000x128xf32>
    %add3A_27 = arith.addf %add3A_26, %max3A_19 : vector<2000x128xf32>
    %mul3A_28 = arith.constant 0.333333343 : f32
    %mul3A_29 = vector.broadcast %mul3A_28 : f32 to vector<2000x128xf32>
    %mul3A_30 = arith.mulf %add3A_27, %mul3A_29 : vector<2000x128xf32>
    %get3A_31 = arith.constant 0 : index
    %get3A_32 = arith.constant 0 : index
    %get3A_33 = vector.load %arg6[%get3A_31, %get3A_32] : memref<128x128xf32, #tpu.memory_space<vmem>>, vector<128x128xf32>
    %dot_general3A = arith.constant dense<0.000000e+00> : vector<2000x128xf32>
    %dot_general3A_34 = tpu.matmul %mul3A_30, %get3A_33, %dot_general3A {dimension_numbers = #tpu.dot_dimension_numbers<[1], [0], [0], [1], [0, 0, 1, 1], [], []>, transpose_lhs_hint = false} : vector<2000x128xf32>, vector<128x128xf32>, vector<2000x128xf32> -> vector<2000x128xf32>
    %get3A_35 = arith.constant 0 : index
    %get3A_36 = arith.constant 0 : index
    %get3A_37 = vector.load %arg7[%get3A_35, %get3A_36] : memref<1x128xf32, #tpu.memory_space<vmem>>, vector<1x128xf32>
    %add3A_38 = vector.broadcast %get3A_37 : vector<1x128xf32> to vector<2000x128xf32>
    %add3A_39 = arith.addf %dot_general3A_34, %add3A_38 : vector<2000x128xf32>
    %swap3A = arith.constant 0 : index
    %swap3A_40 = arith.constant 0 : index
    %swap3A_41 = vector.load %arg8[%swap3A, %swap3A_40] : memref<2000x128xf32, #tpu.memory_space<vmem>>, vector<2000x128xf32>
    tpu.vector_store %arg8[%swap3A, %swap3A_40], %add3A_39 {strides = array<i32>} : memref<2000x128xf32, #tpu.memory_space<vmem>>, vector<2000x128xf32>,
    return
  }
  func.func @transform_0(%arg0: i32) -> (i32, i32, i32) {
    %c0_i32 = arith.constant 0 : i32
    %c0_i32_0 = arith.constant 0 : i32
    %c0_i32_1 = arith.constant 0 : i32
    return %c0_i32, %arg0, %c0_i32_0 : i32, i32, i32
  }
  func.func @transform_1(%arg0: i32) -> (i32, i32) {
    %c0_i32 = arith.constant 0 : i32
    %c0_i32_0 = arith.constant 0 : i32
    return %arg0, %c0_i32 : i32, i32
  }
  func.func @transform_2(%arg0: i32) -> (i32, i32) {
    %c0_i32 = arith.constant 0 : i32
    %c0_i32_0 = arith.constant 0 : i32
    %c0_i32_1 = arith.constant 0 : i32
    return %c0_i32, %c0_i32_0 : i32, i32
  }
  func.func @transform_3(%arg0: i32) -> (i32, i32) {
    %c0_i32 = arith.constant 0 : i32
    %c0_i32_0 = arith.constant 0 : i32
    return %arg0, %c0_i32 : i32, i32
  }
  func.func @transform_4(%arg0: i32) -> (i32, i32) {
    %c0_i32 = arith.constant 0 : i32
    %c0_i32_0 = arith.constant 0 : i32
    return %arg0, %c0_i32 : i32, i32
  }
  func.func @transform_5(%arg0: i32) -> (i32, i32) {
    %c0_i32 = arith.constant 0 : i32
    %c0_i32_0 = arith.constant 0 : i32
    %c0_i32_1 = arith.constant 0 : i32
    return %c0_i32, %c0_i32_0 : i32, i32
  }
  func.func @transform_6(%arg0: i32) -> (i32, i32) {
    %c0_i32 = arith.constant 0 : i32
    %c0_i32_0 = arith.constant 0 : i32
    %c0_i32_1 = arith.constant 0 : i32
    return %c0_i32, %c0_i32_0 : i32, i32
  }
  func.func @transform_7(%arg0: i32) -> (i32, i32) {
    %c0_i32 = arith.constant 0 : i32
    %c0_i32_0 = arith.constant 0 : i32
    return %arg0, %c0_i32 : i32, i32
  }
}

</mosaic_0001>

<sc_bundles>
// kernel: kernel.10.cloned.1.call-start
scs
__scs_entry_jumppad:
0x0: {  	(pc) =	sbr.rel $0x88, $3  }
0x1: {  	(tag) =	ssettag $0x0;
	lr =	simm.s32 $0x1  }
0x2: {  	[smem:$0x3F97] =	sst lr;
	_ =	strace $0xD0000000  }
0x3: {  	_ = 	snop  }
0x4: {  	_ = 	snop  }
0x5: {  	_ = 	snop  }
0x6: {  	_ = 	snop  }
0x7: {  	_ = 	snop  }
__scs_overlays_trampoline_lowered:
0x8: {  	[smem:$0x3FA6] =	sst s0  }
0x9: {  	[smem:$0x3FA7] =	sst s1  }
0xa: {  	[smem:$0x3FA8] =	sst s2  }
0xb: {  	[smem:$0x3FA9] =	sst s3  }
0xc: {  	[smem:$0x3FAA] =	sst s4  }
0xd: {  	[smem:$0x3FAB] =	sst s5  }
0xe: {  	[smem:$0x3FAC] =	sst s6  }
0xf: {  	[smem:$0x3FAD] =	sst s7  }
0x10: {  	[smem:$0x3FAE] =	sst s8  }
0x11: {  	[smem:$0x3FAF] =	sst s9;
	s0 =	simm.s32 @!p0 $0x0  }
0x12: {  	s1 =	sld [smem:$0x3F95];
	s0 =	simm.s32 @p0 $0x1  }
0x13: {  	[smem:$0x3FB0] =	sst s0;
	s0 =	simm.s32 @!p1 $0x0  }
0x14: {  	s2 =	sld [smem:$0x3F94];
	s0 =	simm.s32 @p1 $0x1  }
0x15: {  	[smem:$0x3FB1] =	sst s0;
	s0 =	simm.s32 @!p2 $0x0  }
0x16: {  	s3 =	sld [smem:$0x3FDB];
	s0 =	simm.s32 @p2 $0x1  }
0x17: {  	s4 =	simm.s32 $0x1BF5;
	[smem:$0x3FB3] =	sst s0  }
0x18: {  	s0 =	sld [smem:$0x3F96];
	_ =	swait.ge [sflag:s4], $0x0  }
0x19: {  	s7 =	sld [smem:$0x3F97]  }
0x1a: {  	s8 =	sadd.s32 $0xFFFFE003, lr  }
0x1b: {  	s9 =	sadd.s32 $0xFFFFFEF7, lr;
	s5 =	simm.s32 $0xFFFFFFFF;
	p2 =	slt.u32 s8, $0xFFFFF086  }
0x1c: {  	p1 =	slt.u32 s9, $0xF7A;
	s5 =	simm.s32 @!p2 $0x0  }
0x1d: {  	s5 =	simm.s32 @p1 $0x1;
	p0 =	seq.s32 s7, s2  }
0x1e: {  	s7 =	smul.u32 @!p0 $0xF7A, s2;
	p2 =	seq.s32 @!p0 s5, $0x0  }
0x1f: {  	s9 =	smul.u32 $0xF7A, s1;
	s8 =	simm.s32 @!p0 $0x1BF5;
	p2 =	por !p2, p0  }
0x20: {  	[sflag:s8] =	ssyncset.s32 @!p0 $0xFFFFF086;
	s6 =	sadd.s32 @!p0 s3, s7;
	s7 =	simm.s32 @!p0 $0x108  }
0x21: {  	s3 =	sadd.s32 s3, s9;
	s6 =	sadd.s32 @!p0 $0x88, s6;
	s7 =	simm.s32 @p2 $0x1082  }
0x22: {  	[simem:s7], [sflag:s8] =	dma.local @!p0 [hbm:s6], $0xF7A  }
0x23: {  	s9 =	sor.u32 $0xD0000000, s2;
	s6 =	simm.s32 $0x108;
	_ =	swait.ge @!p0 [sflag:s8], $0x0  }
0x24: {  	s3 =	sadd.s32 $0x88, s3;
	s6 =	simm.s32 @!p1 $0x1082;
	[sflag:s4] =	ssyncset.s32 $0xFFFFF086  }
0x25: {  	[simem:s6], [sflag:s4] =	dma.local [hbm:s3], $0xF7A  }
0x26: {  	[smem:$0x3F97] =	sst s1;
	(tag) =	ssettag s2;
	_ =	strace s9  }
0x27: {  	s1 =	sld [smem:$0x3FA7]  }
0x28: {  	s2 =	sld [smem:$0x3FA8]  }
0x29: {  	s4 =	sld [smem:$0x3FAA]  }
0x2a: {  	p0 =	seq.s32 s5, $0x0;
	s5 =	sld [smem:$0x3FAB]  }
0x2b: {  	s6 =	sld [smem:$0x3FAC]  }
0x2c: {  	s7 =	sld [smem:$0x3FAD]  }
0x2d: {  	s3 =	simm.s32 $0x108;
	s8 =	sld [smem:$0x3FAE]  }
0x2e: {  	s3 =	simm.s32 @!p0 $0x1082;
	s9 =	sld [smem:$0x3FAF]  }
0x2f: {  	lr =	sadd.s32 s0, s3;
	s0 =	sld [smem:$0x3FA6]  }
0x30: {  	s3 =	sld [smem:$0x3FA9]  }
0x31: {  	[smem:$0x3FB2] =	sst s10  }
0x32: {  	s10 =	sld [smem:$0x3FB0];
	_ =	sdelay $0x3  }
0x33: {  	p0 =	seq.s32 s10, $0x1;
	s10 =	sld [smem:$0x3FB2];
	_ =	sdelay $0x3  }
0x34: {  	[smem:$0x3FB2] =	sst s10  }
0x35: {  	s10 =	sld [smem:$0x3FB1];
	_ =	sdelay $0x3  }
0x36: {  	p1 =	seq.s32 s10, $0x1;
	s10 =	sld [smem:$0x3FB2];
	_ =	sdelay $0x3  }
0x37: {  	[smem:$0x3FB2] =	sst s10  }
0x38: {  	s10 =	sld [smem:$0x3FB3]  }
0x39: {  	_ = 	snop;
	(pc) =	sbr.ind lr, $3  }
0x3a: {  	_ = 	snop  }
0x3b: {  	_ = 	snop  }
0x3c: {  	p2 =	seq.s32 s10, $0x1;
	s10 =	sld [smem:$0x3FB2]  }
0x3d: {  	_ =	shalt  }
0x3e: {  	_ =	shalt  }
0x3f: {  	_ =	shalt  }
0x40: {  	_ =	shalt  }
0x41: {  	_ =	shalt  }
0x42: {  	_ =	shalt  }
0x43: {  	_ =	shalt  }
0x44: {  	_ =	shalt  }
0x45: {  	_ =	shalt  }
0x46: {  	_ =	shalt  }
0x47: {  	_ =	shalt  }
0x48: {  	_ =	shalt  }
0x49: {  	_ =	shalt  }
0x4a: {  	_ =	shalt  }
0x4b: {  	_ =	shalt  }
0x4c: {  	_ =	shalt  }
0x4d: {  	_ =	shalt  }
0x4e: {  	_ =	shalt  }
0x4f: {  	_ =	shalt  }
0x50: {  	_ =	shalt  }
0x51: {  	_ =	shalt  }
0x52: {  	_ =	shalt  }
0x53: {  	_ =	shalt  }
0x54: {  	_ =	shalt  }
0x55: {  	_ =	shalt  }
0x56: {  	_ =	shalt  }
0x57: {  	_ =	shalt  }
0x58: {  	_ =	shalt  }
0x59: {  	_ =	shalt  }
0x5a: {  	_ =	shalt  }
0x5b: {  	_ =	shalt  }
0x5c: {  	_ =	shalt  }
0x5d: {  	_ =	shalt  }
0x5e: {  	_ =	shalt  }
0x5f: {  	_ =	shalt  }
0x60: {  	_ =	shalt  }
0x61: {  	_ =	shalt  }
0x62: {  	_ =	shalt  }
0x63: {  	_ =	shalt  }
0x64: {  	_ =	shalt  }
0x65: {  	_ =	shalt  }
0x66: {  	_ =	shalt  }
0x67: {  	_ =	shalt  }
0x68: {  	_ =	shalt  }
0x69: {  	_ =	shalt  }
0x6a: {  	_ =	shalt  }
0x6b: {  	_ =	shalt  }
0x6c: {  	_ =	shalt  }
0x6d: {  	_ =	shalt  }
0x6e: {  	_ =	shalt  }
0x6f: {  	_ =	shalt  }
0x70: {  	_ =	shalt  }
0x71: {  	_ =	shalt  }
0x72: {  	_ =	shalt  }
0x73: {  	_ =	shalt  }
0x74: {  	_ =	shalt  }
0x75: {  	_ =	shalt  }
0x76: {  	_ =	shalt  }
0x77: {  	_ =	shalt  }
0x78: {  	_ =	shalt  }
0x79: {  	_ =	shalt  }
0x7a: {  	_ =	shalt  }
0x7b: {  	_ =	shalt  }
0x7c: {  	_ =	shalt  }
0x7d: {  	_ =	shalt  }
0x7e: {  	_ =	shalt  }
0x7f: {  	_ =	shalt  }
0x80: {  	_ =	shalt  }
0x81: {  	_ =	shalt  }
0x82: {  	_ =	shalt  }
0x83: {  	_ =	shalt  }
0x84: {  	_ =	shalt  }
0x85: {  	_ =	shalt  }
0x86: {  	_ =	shalt  }
0x87: {  	_ =	shalt  }
.Lfunc_end0:
.L_simem_size_0:
called_computation_lowered:
.L_overlay_start_0:
0x88: {  	s2 =	sld [smem:$0x3FD9]  }
0x89: {  	s3 =	sld [smem:$0x3FFE];
	_ =	sdelay $0x1  }
0x8a: {  	s1 =	srdreg.scid  }
0x8b: {  	s0 =	sand.u32 $0x1, s1  }
0x8c: {  	s17 =	sshll.u32 s0, $0xA;
	s2 =	sadd.s32 s3, s2  }
0x8d: {  	s2 =	sadd.s32 s2, s17  }
0x8e: {  	[smem:$0x3FBE] =	sst s2  }
0x8f: {  	_ = 	snop  }
0x90: {  	s2 =	sld [smem:$0x3FD0];
	(tm) =	ssettm $0x1  }
0x91: {  	s18 =	sld [smem:$0x3FFB];
	_ =	sdelay $0x3  }
0x92: {  	_ =	strace s18  }
0x93: {  	s3 =	sld [smem:$0x3FFC];
	_ =	sdelay $0x3  }
0x94: {  	_ =	strace s3  }
0x95: {  	s3 =	sld [smem:$0x3FFD];
	_ =	sdelay $0x3  }
0x96: {  	_ =	strace s3  }
0x97: {  	_ =	strace $0x8FFFFFFF  }
0x98: {  	s19 =	sld [smem:$0x3FDB];
	_ =	sdelay $0x1  }
0x99: {  	s4 =	simm.s32 $_scs_section_size  }
0x9a: {  	s5 =	simm.s32 $_size__tile_overlayer_lowered;
	s6 =	simm.s32 $_tile_overlayer_lowered  }
0x9b: {  	s22 =	simm.s32 $0x1BFF;
	s21 =	sshll.u32 s6, $0x1;
	s3 =	sadd.s32 s4, s19  }
0x9c: {  	s7 =	simm.s32 $0x0;
	s20 =	sshll.u32 s5, $0x1;
	s5 =	sadd.s32 s21, s3  }
0x9d: {  	[timem:s7], [sflag:s22] =	dma.local [hbm:s5], s20  }
0x9e: {  	_ =	swait.ge [sflag:s22], s20  }
0x9f: {  	s4 =	ssub.s32 $0x0, s20;
	[sflag:s22] =	ssyncset.done $0x0  }
0xa0: {  	[sflag:s22] =	ssyncadd.s32 s4;
	_ =	sdelay $0x1  }
0xa1: {  	s23 =	simm.s32 $0x1B8B  }
0xa2: {  	_ =	swait.ge [sflag:s23], $0x1  }
0xa3: {  	[sflag:s23] =	ssyncset.done $0x0  }
0xa4: {  	s25 =	simm.s32 $0x1B8E;
	s24 =	sld [smem:$0x3FFE];
	[sflag:s23] =	ssyncadd.s32 $0xFFFFFFFF  }
0xa5: {  	s26 =	simm.s32 $execute0_lowered;
	[smem:$0x3FD2] =	sst s25  }
0xa6: {  	s5 =	sshll.u32 s26, $0x1;
	_ =	strace $0x80000046;
	[dreg:$0x1] =	wrdreg $0xFFFFFFFF  }
0xa7: {  	s28 =	simm.s32 $_size_execute0_lowered;
	s3 =	sadd.s32 s3, s5;
	[dreg:$0x0] =	wrdreg $0x0  }
0xa8: {  	s5 =	sshll.u32 s28, $0x1;
	[dreg:$0x2] =	wrdreg s3  }
0xa9: {  	[dreg:$0x3] =	wrdreg s5  }
0xaa: {  	[dreg:$0x4] =	wrdreg $0xC0  }
0xab: {  	_ =	task [dreg:s7], $0x5FFFF  }
0xac: {  	[dreg:$0x1] =	wrdreg $0xFFFFFFFF  }
0xad: {  	[dreg:$0x0] =	wrdreg $0x60  }
0xae: {  	[dreg:$0x2] =	wrdreg s2  }
0xaf: {  	[dreg:$0x3] =	wrdreg s24  }
0xb0: {  	[dreg:$0x4] =	wrdreg $0x68000  }
0xb1: {  	[dreg:$0x5] =	wrdreg $0x9  }
0xb2: {  	_ =	task.clear_ibuf [dreg:s7], $0x6FFFF;
	_ =	strace $0x90000046  }
0xb3: {  	s29 =	simm.s32 $0x9;
	_ =	strace $0x80000048  }
0xb4: {  	_ =	swait.ge [sflag:s29], $0x1  }
0xb5: {  	[sflag:s29] =	ssyncadd.s32 $0xFFFFFFFF  }
0xb6: {  	_ =	strace $0x90000048  }
0xb7: {  	_ =	sfence  }
0xb8: {  	s30 =	sld [smem:$0x0];
	_ =	sdelay $0x2  }
0xb9: {  	s31 =	sshll.u32 s1, $0xD;
	s1 =	sshrl.u32 s1, $0x2  }
0xba: {  	s3 =	sand.u32 $0x4000, s31;
	s1 =	sadd.s32 s1, s30  }
0xbb: {  	s0 =	sor.u32 s3, s0;
	s1 =	sshll.u32 s1, $0x11  }
0xbc: {  	s0 =	sor.u32 s1, s0  }
0xbd: {  	s0 =	sadd.s32 $0x8F2B, s0  }
0xbe: {  	[sflag:s0] =	ssyncadd.remote.s32 $0x1  }
0xbf: {  	_ =	sfence.sel $0xFFFF  }
0xc0: {  	[dreg:$0x0] =	wrdreg $0xFFFFFFFF;
	(pc) =	sbr.abs _section_cstart, $3  }
0xc1: {  	[dreg:$0x1] =	wrdreg $0xFFFFFFFF  }
0xc2: {  	_ =	task.clear_ibuf [dreg:s7], $0x2FFFF;
	_ =	strace $0x9FFFFFFF  }
0xc3: {  	(tm) =	ssettm $0x7FFFFFFF  }
tec
execute0_lowered:
.L_overlay_start_1:
0x0: {  	(tag) =	ssettag $0x1  }
0x1: {  	s8 =	rddreg [dreg:$0x0]  }
0x2: {  	s4 =	rddreg [dreg:$0x1]  }
0x3: {  	s1 =	rddreg [dreg:$0x2]  }
0x4: {  	s2 =	srdreg.scid;
	s0 =	rddreg [dreg:$0x3]  }
0x5: {  	s3 =	simm.s32 $0x0;
	s19 =	simm.s32 $0x1;
	s20 =	simm.s32 $0x80  }
0x6: {  	s21 =	simm.s32 $0x2800;
	s6 =	sand.u32 $0x1, s2;
	s2 =	stileid.u32  }
0x7: {  	s22 =	simm.s32 $0x0;
	[smem:$0x7FF] =	sst s3;
	s11 =	smul.u32 $0x270, s2  }
0x8: {  	s10 =	sadd.s32 $0x16E00, s4;
	s12 =	sadd.s32 $0x3E000, s4;
	s29 =	smul.u32 $0x4F000, s2  }
0x9: {  	s5 =	sshll.u32 s6, $0x4;
	_ =	strace $0x80000047;
	s14 =	smul.u32 $0x2780, s2  }
0xa: {  	s7 =	ssub.s32 $0x2, s6;
	p3 =	seq.s32 s6, $0x1;
	s16 =	smul.u32 $0x138800, s6  }
0xb: {  	s17 =	smul.u32 $0x13C00, s2;
	s5 =	sor.u32 s2, s5;
	s9 =	sshrl.u32 s7, $0x1  }
0xc: {  	p1 =	sgt.u32 @p3 s2, $0x1;
	p4 =	sgt.u32 @!p3 s2, $0x1;
	s5 =	smul.u32 $0x500, s5  }
0xd: {  	s13 =	ssub.s32 s7, s9;
	s28 =	sadd.s32 $0x10, s11;
	s30 =	sshrl.u32 s29, $0x2  }
0xe: {  	s31 =	sadd.s32 s17, s16;
	p0 =	por !p1, !p3;
	p1 =	por p1, !p3  }
0xf: {  	p2 =	por !p4, p3;
	p3 =	por p4, p3;
	p4 =	sgt.u32 s2, $0x1  }
0x10: {  	s11 =	sshll.u32 s28, $0x7;
	s15 =	sshll.u32 s28, $0x4;
	s7 =	sadd.s32 s30, s1  }
0x11: {  	s13 =	smax.u32 s13, $0x1;
	s18 =	sshll.u32 @!p2 s2, $0x6;
	s5 =	sadd.s32 s5, s4  }
0x12: {  	s6 =	sadd.s32 s8, s15;
	s8 =	sadd.s32 s8, s14;
	s9 =	sadd.s32 s10, s15  }
0x13: {  	s10 =	sadd.s32 s10, s14;
	s14 =	sshrl.u32 s31, $0x3;
	s17 =	sshrl.u32 @!p1 s7, $0x3  }
0x14: {  	s4 =	sadd.s32 $0xCE00, s5;
	s5 =	sadd.s32 s11, s1;
	s11 =	sadd.s32 s16, s11  }
0x15: {  	s18 =	sor.u32 @!p2 $0x1C02, s18;
	s16 =	sshll.u32 @!p1 s2, $0x6;
	s11 =	sshrl.u32 s11, $0x3  }
0x16: {  	s11 =	sadd.s32 s12, s11;
	s12 =	sadd.s32 s12, s14;
	s14 =	sshll.u32 @!p0 s2, $0x6  }
0x17: {  	v0 =	vimm.f32 $1.000000000e+00;
	s15 =	sshrl.u32 @!p0 s5, $0x3;
	s16 =	sor.u32 @!p1 $0x1C02, s16;
	s14 =	sor.u32 @!p0 $0x1C02, s14  }
.LBB2_1:
0x18: {  	[tilespmem:s3], [sflag:$0x1] =	stream.linear.gather [hbm4b:s4+s3], $0x2800, $0x38;
	[tilespmem:$0x9310] =	vst v63  }
0x19: {  	s23 =	simm.s32 @!p0 $0x2  }
0x1a: {  	[spmem:s15], [sflag:s14] =	dma.local @!p0 [hbm:s9], $0x2700  }
0x1b: {  	_ =	swait.ge @!p0 [sflag:s23], $0x2700  }
0x1c: {  	[sflag:s23] =	ssyncset.done @!p0 $0x0  }
0x1d: {  	[sflag:s23] =	ssyncadd.s32 @!p0 $0xFFFFD900;
	s23 =	simm.s32 @!p1 $0x2  }
0x1e: {  	[spmem:s17], [sflag:s16] =	dma.local @!p1 [hbm:s10], $0x2780  }
0x1f: {  	_ =	swait.ge @!p1 [sflag:s23], $0x2780  }
0x20: {  	[sflag:s23] =	ssyncset.done @!p1 $0x0  }
0x21: {  	[sflag:s23] =	ssyncadd.s32 @!p1 $0xFFFFD880;
	s23 =	sshrl.u32 @!p2 s5, $0x3  }
0x22: {  	[spmem:s23], [sflag:s18] =	dma.local @!p2 [hbm:s6], $0x2700  }
0x23: {  	s23 =	simm.s32 @!p2 $0x2  }
0x24: {  	_ =	swait.ge @!p2 [sflag:s23], $0x2700  }
0x25: {  	s24 =	sshll.u32 @!p3 s2, $0x6;
	[sflag:s23] =	ssyncset.done @!p2 $0x0  }
0x26: {  	[sflag:s23] =	ssyncadd.s32 @!p2 $0xFFFFD900;
	s23 =	sor.u32 @!p3 $0x1C02, s24;
	s24 =	sshrl.u32 @!p3 s7, $0x3  }
0x27: {  	[spmem:s24], [sflag:s23] =	dma.local @!p3 [hbm:s8], $0x2780  }
0x28: {  	s23 =	simm.s32 @!p3 $0x2  }
0x29: {  	_ =	swait.ge @!p3 [sflag:s23], $0x2780  }
0x2a: {  	[sflag:s23] =	ssyncset.done @!p3 $0x0  }
0x2b: {  	s24 =	simm.s32 $0x0;
	[sflag:s23] =	ssyncadd.s32 @!p3 $0xFFFFD880;
	s23 =	simm.s32 $0x200  }
.LBB2_2:
0x2c: {  	p5 =	sne.s32 s23, $0xFE00;
	[tilespmem:s24+$0x2800] =	vst v0;
	s24 =	smov.u32 s23;
	s23 =	sadd.s32 $0x200, s23  }
.Ltmp0:
0x2d: {  	(pc) =	sbr.rel @p5 .LBB2_2-.Ltmp0, $2  }
0x2e: {  	_ =	sdelay $0x2  }
0x2f: {  	s24 =	sshra.s32 s24, $0x2  }
0x30: {  	[tilespmem:s24+$0x2800] =	vst v0  }
0x31: {  	_ =	swait.ge [sflag:s19], $0x2800  }
0x32: {  	[sflag:s19] =	ssyncset.done $0x0  }
0x33: {  	[sflag:s19] =	ssyncadd.s32 $0xFFFFD800  }
0x34: {  	s23 =	simm.s32 $0x0;
	[bflag:$0x0] =	sbarrier.arrive $0xFFFF  }
.LBB2_4:
0x35: {  	p5 =	sne.s32 s23, $0x9E00  }
.Ltmp1:
0x36: {  	_ = 	snop;
	(pc) =	sbr.rel @p5 .LBB2_4-.Ltmp1, $3  }
0x37: {  	_ =	sdelay $0x1  }
0x38: {  	s24 =	sshra.s32 s23, $0x2;
	s23 =	sadd.s32 $0x200, s23  }
0x39: {  	[spmem:s1] =	stream.indirect.scatter.add.f32 [tilespmem:s21], [sflag:$0x1], $0x10, s24, s20, $0xb8;
	[tilespmem:$0x9310] =	vst v63  }
0x3a: {  	_ =	swait.ge [sflag:s19], $0x800  }
0x3b: {  	s23 =	simm.s32 $0x4F;
	[sflag:s19] =	ssyncset.done $0x0  }
.LBB2_6:
0x3c: {  	p5 =	sne.s32 s23, $0x1;
	s23 =	sadd.s32 $0xFFFFFFFF, s23;
	[sflag:s19] =	ssyncadd.s32 $0xFFFFF800  }
.Ltmp2:
0x3d: {  	(pc) =	sbr.rel @p5 .LBB2_6-.Ltmp2, $3  }
0x3e: {  	_ =	sdelay $0x1  }
0x3f: {  	_ =	swait.ge [sflag:s19], $0x800  }
0x40: {  	[sflag:s19] =	ssyncset.done $0x0  }
0x41: {  	[sflag:s19] =	ssyncadd.s32 $0xFFFFF800;
	s23 =	sshll.u32 @p4 s2, $0x6  }
0x42: {  	s24 =	sshrl.u32 @p4 s5, $0x3;
	[bflag:$0x0] =	sbarrier.arrive $0xFFFF;
	s23 =	sor.u32 @p4 $0x1C02, s23  }
0x43: {  	[hbm:s11], [sflag:s23] =	dma.local @p4 [spmem:s24], $0x2700  }
0x44: {  	s23 =	simm.s32 @p4 $0x2  }
0x45: {  	s22 =	sadd.s32 $0x1, s22;
	_ =	swait.ge @p4 [sflag:s23], $0x2700  }
0x46: {  	p5 =	sne.s32 s22, s13;
	s24 =	sshll.u32 @!p4 s2, $0x6;
	[sflag:s23] =	ssyncset.done @p4 $0x0  }
0x47: {  	[sflag:s23] =	ssyncadd.s32 @p4 $0xFFFFD900;
	s23 =	sor.u32 @!p4 $0x1C02, s24;
	s24 =	sshrl.u32 @!p4 s7, $0x3  }
0x48: {  	[hbm:s12], [sflag:s23] =	dma.local @!p4 [spmem:s24], $0x2780  }
.Ltmp3:
0x49: {  	_ = 	snop;
	(pc) =	sbr.rel @p5 .LBB2_1-.Ltmp3, $4  }
0x4a: {  	s23 =	simm.s32 @!p4 $0x2  }
0x4b: {  	_ =	swait.ge @!p4 [sflag:s23], $0x2780  }
0x4c: {  	[sflag:s23] =	ssyncset.done @!p4 $0x0  }
0x4d: {  	[sflag:s23] =	ssyncadd.s32 @!p4 $0xFFFFD880  }
0x4e: {  	_ =	sfence.sel $0x180000  }
0x4f: {  	[bflag:$0x0] =	sbarrier.arrive $0xFFFF  }
0x50: {  	p0 =	sne.s32 s2, $0x0;
	_ =	strace $0x90000047  }
0x51: {  	s0 =	sadd.s32 @!p0 $0x100000, s0;
	[bflag:$0x2] =	sbarrier.arrive $0xFFFF  }
0x52: {  	[sflag:s0] =	ssyncadd.tile.s32 @!p0 $0x1;
	_ =	shalt  }
.Lfunc_end2:
_tile_overlayer_lowered:
.L_overlay_start_2:
0x53: {  	(tag) =	ssettag $0x2  }
0x54: {  	s0 =	rddreg [dreg:$0x0];
	s2 =	stileid.u32  }
0x55: {  	s1 =	rddreg [dreg:$0x1];
	p0 =	sne.s32 s2, $0x0  }
0x56: {  	s3 =	rddreg [dreg:$0x2];
	[bflag:$0x3] =	sbarrier.arrive $0xFFFF;
	s2 =	simm.s32 @!p0 $0x1C02  }
0x57: {  	[timem:s3], [sflag:s2] =	dma.local @!p0 [hbm:s0], s1  }
0x58: {  	s0 =	simm.s32 @!p0 $0x2  }
0x59: {  	_ =	swait.ge @!p0 [sflag:s0], s1  }
0x5a: {  	s1 =	ssub.s32 @!p0 $0x0, s1;
	[sflag:s0] =	ssyncset.done @!p0 $0x0  }
0x5b: {  	[sflag:s0] =	ssyncadd.s32 @!p0 s1  }
0x5c: {  	[bflag:$0x3] =	sbarrier.arrive $0xFFFF  }
0x5d: {  	_ =	shalt  }

// kernel: kernel.13.cloned.1.call-start
scs
__scs_entry_jumppad:
0x0: {  	(pc) =	sbr.rel $0x88, $3  }
0x1: {  	(tag) =	ssettag $0x0;
	lr =	simm.s32 $0x1  }
0x2: {  	[smem:$0x3F97] =	sst lr;
	_ =	strace $0xD0000000  }
0x3: {  	_ = 	snop  }
0x4: {  	_ = 	snop  }
0x5: {  	_ = 	snop  }
0x6: {  	_ = 	snop  }
0x7: {  	_ = 	snop  }
__scs_overlays_trampoline_lowered:
0x8: {  	[smem:$0x3FA6] =	sst s0  }
0x9: {  	[smem:$0x3FA7] =	sst s1  }
0xa: {  	[smem:$0x3FA8] =	sst s2  }
0xb: {  	[smem:$0x3FA9] =	sst s3  }
0xc: {  	[smem:$0x3FAA] =	sst s4  }
0xd: {  	[smem:$0x3FAB] =	sst s5  }
0xe: {  	[smem:$0x3FAC] =	sst s6  }
0xf: {  	[smem:$0x3FAD] =	sst s7  }
0x10: {  	[smem:$0x3FAE] =	sst s8  }
0x11: {  	[smem:$0x3FAF] =	sst s9;
	s0 =	simm.s32 @!p0 $0x0  }
0x12: {  	s1 =	sld [smem:$0x3F95];
	s0 =	simm.s32 @p0 $0x1  }
0x13: {  	[smem:$0x3FB0] =	sst s0;
	s0 =	simm.s32 @!p1 $0x0  }
0x14: {  	s2 =	sld [smem:$0x3F94];
	s0 =	simm.s32 @p1 $0x1  }
0x15: {  	[smem:$0x3FB1] =	sst s0;
	s0 =	simm.s32 @!p2 $0x0  }
0x16: {  	s3 =	sld [smem:$0x3FDB];
	s0 =	simm.s32 @p2 $0x1  }
0x17: {  	s4 =	simm.s32 $0x1BF5;
	[smem:$0x3FB3] =	sst s0  }
0x18: {  	s0 =	sld [smem:$0x3F96];
	_ =	swait.ge [sflag:s4], $0x0  }
0x19: {  	s7 =	sld [smem:$0x3F97]  }
0x1a: {  	s8 =	sadd.s32 $0xFFFFE003, lr  }
0x1b: {  	s9 =	sadd.s32 $0xFFFFFEF7, lr;
	s5 =	simm.s32 $0xFFFFFFFF;
	p2 =	slt.u32 s8, $0xFFFFF086  }
0x1c: {  	p1 =	slt.u32 s9, $0xF7A;
	s5 =	simm.s32 @!p2 $0x0  }
0x1d: {  	s5 =	simm.s32 @p1 $0x1;
	p0 =	seq.s32 s7, s2  }
0x1e: {  	s7 =	smul.u32 @!p0 $0xF7A, s2;
	p2 =	seq.s32 @!p0 s5, $0x0  }
0x1f: {  	s9 =	smul.u32 $0xF7A, s1;
	s8 =	simm.s32 @!p0 $0x1BF5;
	p2 =	por !p2, p0  }
0x20: {  	[sflag:s8] =	ssyncset.s32 @!p0 $0xFFFFF086;
	s6 =	sadd.s32 @!p0 s3, s7;
	s7 =	simm.s32 @!p0 $0x108  }
0x21: {  	s3 =	sadd.s32 s3, s9;
	s6 =	sadd.s32 @!p0 $0x88, s6;
	s7 =	simm.s32 @p2 $0x1082  }
0x22: {  	[simem:s7], [sflag:s8] =	dma.local @!p0 [hbm:s6], $0xF7A  }
0x23: {  	s9 =	sor.u32 $0xD0000000, s2;
	s6 =	simm.s32 $0x108;
	_ =	swait.ge @!p0 [sflag:s8], $0x0  }
0x24: {  	s3 =	sadd.s32 $0x88, s3;
	s6 =	simm.s32 @!p1 $0x1082;
	[sflag:s4] =	ssyncset.s32 $0xFFFFF086  }
0x25: {  	[simem:s6], [sflag:s4] =	dma.local [hbm:s3], $0xF7A  }
0x26: {  	[smem:$0x3F97] =	sst s1;
	(tag) =	ssettag s2;
	_ =	strace s9  }
0x27: {  	s1 =	sld [smem:$0x3FA7]  }
0x28: {  	s2 =	sld [smem:$0x3FA8]  }
0x29: {  	s4 =	sld [smem:$0x3FAA]  }
0x2a: {  	p0 =	seq.s32 s5, $0x0;
	s5 =	sld [smem:$0x3FAB]  }
0x2b: {  	s6 =	sld [smem:$0x3FAC]  }
0x2c: {  	s7 =	sld [smem:$0x3FAD]  }
0x2d: {  	s3 =	simm.s32 $0x108;
	s8 =	sld [smem:$0x3FAE]  }
0x2e: {  	s3 =	simm.s32 @!p0 $0x1082;
	s9 =	sld [smem:$0x3FAF]  }
0x2f: {  	lr =	sadd.s32 s0, s3;
	s0 =	sld [smem:$0x3FA6]  }
0x30: {  	s3 =	sld [smem:$0x3FA9]  }
0x31: {  	[smem:$0x3FB2] =	sst s10  }
0x32: {  	s10 =	sld [smem:$0x3FB0];
	_ =	sdelay $0x3  }
0x33: {  	p0 =	seq.s32 s10, $0x1;
	s10 =	sld [smem:$0x3FB2];
	_ =	sdelay $0x3  }
0x34: {  	[smem:$0x3FB2] =	sst s10  }
0x35: {  	s10 =	sld [smem:$0x3FB1];
	_ =	sdelay $0x3  }
0x36: {  	p1 =	seq.s32 s10, $0x1;
	s10 =	sld [smem:$0x3FB2];
	_ =	sdelay $0x3  }
0x37: {  	[smem:$0x3FB2] =	sst s10  }
0x38: {  	s10 =	sld [smem:$0x3FB3]  }
0x39: {  	_ = 	snop;
	(pc) =	sbr.ind lr, $3  }
0x3a: {  	_ = 	snop  }
0x3b: {  	_ = 	snop  }
0x3c: {  	p2 =	seq.s32 s10, $0x1;
	s10 =	sld [smem:$0x3FB2]  }
0x3d: {  	_ =	shalt  }
0x3e: {  	_ =	shalt  }
0x3f: {  	_ =	shalt  }
0x40: {  	_ =	shalt  }
0x41: {  	_ =	shalt  }
0x42: {  	_ =	shalt  }
0x43: {  	_ =	shalt  }
0x44: {  	_ =	shalt  }
0x45: {  	_ =	shalt  }
0x46: {  	_ =	shalt  }
0x47: {  	_ =	shalt  }
0x48: {  	_ =	shalt  }
0x49: {  	_ =	shalt  }
0x4a: {  	_ =	shalt  }
0x4b: {  	_ =	shalt  }
0x4c: {  	_ =	shalt  }
0x4d: {  	_ =	shalt  }
0x4e: {  	_ =	shalt  }
0x4f: {  	_ =	shalt  }
0x50: {  	_ =	shalt  }
0x51: {  	_ =	shalt  }
0x52: {  	_ =	shalt  }
0x53: {  	_ =	shalt  }
0x54: {  	_ =	shalt  }
0x55: {  	_ =	shalt  }
0x56: {  	_ =	shalt  }
0x57: {  	_ =	shalt  }
0x58: {  	_ =	shalt  }
0x59: {  	_ =	shalt  }
0x5a: {  	_ =	shalt  }
0x5b: {  	_ =	shalt  }
0x5c: {  	_ =	shalt  }
0x5d: {  	_ =	shalt  }
0x5e: {  	_ =	shalt  }
0x5f: {  	_ =	shalt  }
0x60: {  	_ =	shalt  }
0x61: {  	_ =	shalt  }
0x62: {  	_ =	shalt  }
0x63: {  	_ =	shalt  }
0x64: {  	_ =	shalt  }
0x65: {  	_ =	shalt  }
0x66: {  	_ =	shalt  }
0x67: {  	_ =	shalt  }
0x68: {  	_ =	shalt  }
0x69: {  	_ =	shalt  }
0x6a: {  	_ =	shalt  }
0x6b: {  	_ =	shalt  }
0x6c: {  	_ =	shalt  }
0x6d: {  	_ =	shalt  }
0x6e: {  	_ =	shalt  }
0x6f: {  	_ =	shalt  }
0x70: {  	_ =	shalt  }
0x71: {  	_ =	shalt  }
0x72: {  	_ =	shalt  }
0x73: {  	_ =	shalt  }
0x74: {  	_ =	shalt  }
0x75: {  	_ =	shalt  }
0x76: {  	_ =	shalt  }
0x77: {  	_ =	shalt  }
0x78: {  	_ =	shalt  }
0x79: {  	_ =	shalt  }
0x7a: {  	_ =	shalt  }
0x7b: {  	_ =	shalt  }
0x7c: {  	_ =	shalt  }
0x7d: {  	_ =	shalt  }
0x7e: {  	_ =	shalt  }
0x7f: {  	_ =	shalt  }
0x80: {  	_ =	shalt  }
0x81: {  	_ =	shalt  }
0x82: {  	_ =	shalt  }
0x83: {  	_ =	shalt  }
0x84: {  	_ =	shalt  }
0x85: {  	_ =	shalt  }
0x86: {  	_ =	shalt  }
0x87: {  	_ =	shalt  }
.Lfunc_end0:
.L_simem_size_0:
called_computation.1_lowered:
.L_overlay_start_0:
0x88: {  	s2 =	sld [smem:$0x3FD9]  }
0x89: {  	s3 =	sld [smem:$0x3FFE];
	_ =	sdelay $0x1  }
0x8a: {  	s1 =	srdreg.scid  }
0x8b: {  	s0 =	sand.u32 $0x1, s1  }
0x8c: {  	s17 =	sshll.u32 s0, $0xA;
	s2 =	sadd.s32 s3, s2  }
0x8d: {  	s2 =	sadd.s32 s2, s17  }
0x8e: {  	[smem:$0x3FBE] =	sst s2  }
0x8f: {  	_ = 	snop  }
0x90: {  	s2 =	sld [smem:$0x3FD0];
	(tm) =	ssettm $0x1  }
0x91: {  	s18 =	sld [smem:$0x3FFB];
	_ =	sdelay $0x3  }
0x92: {  	_ =	strace s18  }
0x93: {  	s3 =	sld [smem:$0x3FFC];
	_ =	sdelay $0x3  }
0x94: {  	_ =	strace s3  }
0x95: {  	s3 =	sld [smem:$0x3FFD];
	_ =	sdelay $0x3  }
0x96: {  	_ =	strace s3  }
0x97: {  	_ =	strace $0x8FFFFFFF  }
0x98: {  	s19 =	sld [smem:$0x3FDB];
	_ =	sdelay $0x1  }
0x99: {  	s4 =	simm.s32 $_scs_section_size  }
0x9a: {  	s5 =	simm.s32 $_size__tile_overlayer_lowered;
	s6 =	simm.s32 $_tile_overlayer_lowered  }
0x9b: {  	s22 =	simm.s32 $0x1BFF;
	s21 =	sshll.u32 s6, $0x1;
	s3 =	sadd.s32 s4, s19  }
0x9c: {  	s7 =	simm.s32 $0x0;
	s20 =	sshll.u32 s5, $0x1;
	s5 =	sadd.s32 s21, s3  }
0x9d: {  	[timem:s7], [sflag:s22] =	dma.local [hbm:s5], s20  }
0x9e: {  	_ =	swait.ge [sflag:s22], s20  }
0x9f: {  	s4 =	ssub.s32 $0x0, s20;
	[sflag:s22] =	ssyncset.done $0x0  }
0xa0: {  	[sflag:s22] =	ssyncadd.s32 s4;
	_ =	sdelay $0x1  }
0xa1: {  	s23 =	simm.s32 $0x1B8B  }
0xa2: {  	_ =	swait.ge [sflag:s23], $0x1  }
0xa3: {  	[sflag:s23] =	ssyncset.done $0x0  }
0xa4: {  	s25 =	simm.s32 $0x1B8E;
	s24 =	sld [smem:$0x3FFE];
	[sflag:s23] =	ssyncadd.s32 $0xFFFFFFFF  }
0xa5: {  	s26 =	simm.s32 $execute0_lowered;
	[smem:$0x3FD2] =	sst s25  }
0xa6: {  	s5 =	sshll.u32 s26, $0x1;
	_ =	strace $0x80000049;
	[dreg:$0x1] =	wrdreg $0xFFFFFFFF  }
0xa7: {  	s28 =	simm.s32 $_size_execute0_lowered;
	s3 =	sadd.s32 s3, s5;
	[dreg:$0x0] =	wrdreg $0x0  }
0xa8: {  	s5 =	sshll.u32 s28, $0x1;
	[dreg:$0x2] =	wrdreg s3  }
0xa9: {  	[dreg:$0x3] =	wrdreg s5  }
0xaa: {  	[dreg:$0x4] =	wrdreg $0xC0  }
0xab: {  	_ =	task [dreg:s7], $0x5FFFF  }
0xac: {  	[dreg:$0x1] =	wrdreg $0xFFFFFFFF  }
0xad: {  	[dreg:$0x0] =	wrdreg $0x60  }
0xae: {  	[dreg:$0x2] =	wrdreg s2  }
0xaf: {  	[dreg:$0x3] =	wrdreg s24  }
0xb0: {  	[dreg:$0x4] =	wrdreg $0x84000  }
0xb1: {  	[dreg:$0x5] =	wrdreg $0x9  }
0xb2: {  	_ =	task.clear_ibuf [dreg:s7], $0x6FFFF;
	_ =	strace $0x90000049  }
0xb3: {  	s29 =	simm.s32 $0x9;
	_ =	strace $0x8000004B  }
0xb4: {  	_ =	swait.ge [sflag:s29], $0x1  }
0xb5: {  	[sflag:s29] =	ssyncadd.s32 $0xFFFFFFFF  }
0xb6: {  	_ =	strace $0x9000004B  }
0xb7: {  	_ =	sfence  }
0xb8: {  	s30 =	sld [smem:$0x0];
	_ =	sdelay $0x2  }
0xb9: {  	s31 =	sshll.u32 s1, $0xD;
	s1 =	sshrl.u32 s1, $0x2  }
0xba: {  	s3 =	sand.u32 $0x4000, s31;
	s1 =	sadd.s32 s1, s30  }
0xbb: {  	s0 =	sor.u32 s3, s0;
	s1 =	sshll.u32 s1, $0x11  }
0xbc: {  	s0 =	sor.u32 s1, s0  }
0xbd: {  	s0 =	sadd.s32 $0x8F2B, s0  }
0xbe: {  	[sflag:s0] =	ssyncadd.remote.s32 $0x1  }
0xbf: {  	_ =	sfence.sel $0xFFFF  }
0xc0: {  	[dreg:$0x0] =	wrdreg $0xFFFFFFFF;
	(pc) =	sbr.abs _section_cstart, $3  }
0xc1: {  	[dreg:$0x1] =	wrdreg $0xFFFFFFFF  }
0xc2: {  	_ =	task.clear_ibuf [dreg:s7], $0x2FFFF;
	_ =	strace $0x9FFFFFFF  }
0xc3: {  	(tm) =	ssettm $0x7FFFFFFF  }
tec
execute0_lowered:
.L_overlay_start_1:
0x0: {  	(tag) =	ssettag $0x1  }
0x1: {  	s1 =	rddreg [dreg:$0x0]  }
0x2: {  	s0 =	rddreg [dreg:$0x1]  }
0x3: {  	s2 =	rddreg [dreg:$0x2]  }
0x4: {  	s3 =	srdreg.scid;
	s4 =	simm.s32 $0x0;
	s28 =	simm.s32 $0x300  }
0x5: {  	s29 =	simm.s32 $0x1;
	s30 =	simm.s32 $0x4400;
	s31 =	simm.s32 $0x180  }
0x6: {  	s5 =	sand.u32 $0x1, s3;
	s3 =	stileid.u32;
	[smem:$0x7FF] =	sst s4  }
0x7: {  	s8 =	sadd.s32 $0x16E00, s0;
	s10 =	sadd.s32 $0x2E00, s0;
	s20 =	sadd.s32 $0xCE00, s0  }
0x8: {  	s0 =	sadd.s32 $0x3E000, s0;
	s6 =	sshll.u32 s5, $0x4;
	s9 =	smul.u32 $0x270, s3  }
0x9: {  	_ =	strace $0x8000004A;
	s7 =	ssub.s32 $0x2, s5;
	s26 =	smul.u32 $0x4F000, s3  }
0xa: {  	p3 =	seq.s32 s5, $0x1;
	s6 =	sor.u32 s3, s6;
	s11 =	sshrl.u32 s7, $0x1  }
0xb: {  	p1 =	sgt.u32 @p3 s3, $0x1;
	p4 =	sgt.u32 @!p3 s3, $0x1;
	s6 =	smul.u32 $0x2800, s6  }
0xc: {  	s17 =	ssub.s32 s7, s11;
	s9 =	sadd.s32 $0x10, s9;
	s15 =	sshrl.u32 s26, $0x2  }
0xd: {  	p0 =	por !p1, !p3;
	p1 =	por p1, !p3;
	p2 =	por !p4, p3  }
0xe: {  	p3 =	por p4, p3;
	p4 =	sgt.u32 s3, $0x1;
	s14 =	sshll.u32 s9, $0x7  }
0xf: {  	s12 =	sshll.u32 s9, $0x4;
	s9 =	sadd.s32 s15, s2;
	s15 =	smul.u32 $0x138800, s5  }
0x10: {  	s5 =	smul.u32 $0x28000, s5;
	s17 =	smax.u32 s17, $0x1;
	s16 =	sadd.s32 s1, s12  }
0x11: {  	s6 =	sshrl.u32 s6, $0x3;
	s19 =	sadd.s32 s8, s12;
	[dreg:$0x6] =	wrdreg s16  }
0x12: {  	s7 =	sadd.s32 s14, s2;
	s25 =	sadd.s32 s10, s6;
	[dreg:$0x8] =	wrdreg s19  }
0x13: {  	s13 =	sadd.s32 s20, s6;
	s16 =	smul.u32 $0x13C00, s3;
	[dreg:$0x4] =	wrdreg s25  }
0x14: {  	s6 =	sor.u32 $0x20, s6;
	s22 =	sadd.s32 s15, s14;
	[dreg:$0x5] =	wrdreg s13  }
0x15: {  	s13 =	smul.u32 $0x2780, s3;
	s21 =	sadd.s32 s10, s6;
	s14 =	sadd.s32 s20, s6  }
0x16: {  	s23 =	sshrl.u32 s22, $0x3;
	s22 =	simm.s32 $0x100;
	s6 =	simm.s32 $0x380  }
0x17: {  	[dreg:$0xa] =	wrdreg s21;
	s24 =	sadd.s32 s16, s15;
	s15 =	sadd.s32 s0, s23  }
0x18: {  	s23 =	simm.s32 $0x2;
	s18 =	sadd.s32 s1, s13;
	s8 =	sadd.s32 s8, s13  }
0x19: {  	s25 =	sshrl.u32 s24, $0x3;
	[dreg:$0x7] =	wrdreg s18;
	s18 =	smul.u32 $0x2800, s3  }
0x1a: {  	s24 =	simm.s32 $0x80;
	[dreg:$0x9] =	wrdreg s8;
	s16 =	sadd.s32 s0, s25  }
.Ltmp0:
0x1b: {  	s25 =	simm.s32 $0x400;
	s5 =	sadd.s32 s18, s5;
	(pc) =	sbr.rel .LBB2_1-.Ltmp0, $4  }
0x1c: {  	s8 =	simm.s32 $0x0;
	s26 =	sor.u32 $0x200, s5;
	s5 =	sor.u32 $0x100, s5  }
0x1d: {  	s0 =	sshrl.u32 s26, $0x3;
	s5 =	sshrl.u32 s5, $0x3;
	s26 =	simm.s32 $0x200  }
0x1e: {  	s18 =	sadd.s32 s0, s20;
	s19 =	sadd.s32 s0, s10;
	s20 =	sadd.s32 s5, s20  }
0x1f: {  	s21 =	sadd.s32 s5, s10;
	s0 =	simm.s32 $0x3;
	s5 =	simm.s32 $0x280  }
.LBB2_4:
0x20: {  	[tilespmem:s30], [sflag:$0x1] =	stream.indirect.gather [hbm4b:s1+s24], $0x80, s5, s24, $0xb8;
	[tilespmem:$0x1DC80] =	vst v63  }
0x21: {  	_ =	swait.ge [sflag:s29], $0x4000  }
0x22: {  	[sflag:s29] =	ssyncset.done $0x0  }
0x23: {  	[sflag:s29] =	ssyncadd.s32 $0xFFFFC000  }
0x24: {  	[spmem:s2] =	stream.indirect.scatter.add.f32 [tilespmem:s30], [sflag:$0x3], $0x80, s6, s24, $0xb8;
	[tilespmem:$0x1DC80] =	vst v63  }
0x25: {  	_ =	swait.ge [sflag:s0], $0x4000  }
0x26: {  	[sflag:s0] =	ssyncset.done $0x0  }
0x27: {  	[sflag:s0] =	ssyncadd.s32 $0xFFFFC000  }
0x28: {  	_ =	swait.ge [sflag:s0], $0x4000  }
0x29: {  	[sflag:s0] =	ssyncset.done $0x0  }
0x2a: {  	s10 =	sshll.u32 @p4 s3, $0x6;
	[sflag:s0] =	ssyncadd.s32 $0xFFFFC000  }
0x2b: {  	s11 =	sshrl.u32 @p4 s7, $0x3;
	s10 =	sor.u32 @p4 $0x1C04, s10;
	[bflag:$0x0] =	sbarrier.arrive $0xFFFF  }
0x2c: {  	[hbm:s15], [sflag:s10] =	dma.local @p4 [spmem:s11], $0x2700  }
0x2d: {  	s10 =	simm.s32 @p4 $0x4  }
0x2e: {  	s8 =	sadd.s32 $0x1, s8;
	_ =	swait.ge @p4 [sflag:s10], $0x2700  }
0x2f: {  	p5 =	sne.s32 s8, s17;
	s11 =	sshll.u32 @!p4 s3, $0x6;
	[sflag:s10] =	ssyncset.done @p4 $0x0  }
0x30: {  	[sflag:s10] =	ssyncadd.s32 @p4 $0xFFFFD900;
	s10 =	sor.u32 @!p4 $0x1C04, s11;
	s11 =	sshrl.u32 @!p4 s9, $0x3  }
0x31: {  	[hbm:s16], [sflag:s10] =	dma.local @!p4 [spmem:s11], $0x2780  }
.Ltmp1:
0x32: {  	_ = 	snop;
	(pc) =	sbr.rel @!p5 .LBB2_5-.Ltmp1, $4  }
0x33: {  	s10 =	simm.s32 @!p4 $0x4  }
0x34: {  	_ =	swait.ge @!p4 [sflag:s10], $0x2780  }
0x35: {  	[sflag:s10] =	ssyncset.done @!p4 $0x0  }
0x36: {  	[sflag:s10] =	ssyncadd.s32 @!p4 $0xFFFFD880  }
.LBB2_1:
0x37: {  	s10 =	rddreg [dreg:$0x4]  }
0x38: {  	[tilespmem:s4], [sflag:$0x2] =	stream.linear.gather [hbm4b:s10+s4], $0x100, $0x38;
	[tilespmem:$0x1DC80] =	vst v63  }
0x39: {  	s12 =	rddreg [dreg:$0x5];
	s10 =	sshll.u32 @!p0 s3, $0x6  }
0x3a: {  	[tilespmem:s22], [sflag:$0x2] =	stream.linear.gather [hbm4b:s12+s4], $0x100, $0x38;
	[tilespmem:$0x1DC80] =	vst v63  }
0x3b: {  	s11 =	sshrl.u32 @!p0 s7, $0x3;
	s10 =	sor.u32 @!p0 $0x1C04, s10;
	s12 =	rddreg [dreg:$0x8]  }
0x3c: {  	[spmem:s11], [sflag:s10] =	dma.local @!p0 [hbm:s12], $0x2700  }
0x3d: {  	s10 =	simm.s32 @!p0 $0x4  }
0x3e: {  	_ =	swait.ge @!p0 [sflag:s10], $0x2700  }
0x3f: {  	s11 =	sshll.u32 @!p1 s3, $0x6;
	[sflag:s10] =	ssyncset.done @!p0 $0x0;
	s12 =	rddreg [dreg:$0x9]  }
0x40: {  	[sflag:s10] =	ssyncadd.s32 @!p0 $0xFFFFD900;
	s10 =	sor.u32 @!p1 $0x1C04, s11;
	s11 =	sshrl.u32 @!p1 s9, $0x3  }
0x41: {  	[spmem:s11], [sflag:s10] =	dma.local @!p1 [hbm:s12], $0x2780  }
0x42: {  	s10 =	simm.s32 @!p1 $0x4  }
0x43: {  	_ =	swait.ge @!p1 [sflag:s10], $0x2780  }
0x44: {  	s11 =	sshll.u32 @!p2 s3, $0x6;
	[sflag:s10] =	ssyncset.done @!p1 $0x0;
	s12 =	rddreg [dreg:$0x6]  }
0x45: {  	[sflag:s10] =	ssyncadd.s32 @!p1 $0xFFFFD880;
	s10 =	sor.u32 @!p2 $0x1C04, s11;
	s11 =	sshrl.u32 @!p2 s7, $0x3  }
0x46: {  	[spmem:s11], [sflag:s10] =	dma.local @!p2 [hbm:s12], $0x2700  }
0x47: {  	s10 =	simm.s32 @!p2 $0x4  }
0x48: {  	_ =	swait.ge @!p2 [sflag:s10], $0x2700  }
0x49: {  	s11 =	sshll.u32 @!p3 s3, $0x6;
	[sflag:s10] =	ssyncset.done @!p2 $0x0;
	s12 =	rddreg [dreg:$0x7]  }
0x4a: {  	[sflag:s10] =	ssyncadd.s32 @!p2 $0xFFFFD900;
	s10 =	sor.u32 @!p3 $0x1C04, s11;
	s11 =	sshrl.u32 @!p3 s9, $0x3  }
0x4b: {  	[spmem:s11], [sflag:s10] =	dma.local @!p3 [hbm:s12], $0x2780  }
0x4c: {  	s10 =	simm.s32 @!p3 $0x4  }
0x4d: {  	_ =	swait.ge @!p3 [sflag:s10], $0x2780  }
0x4e: {  	[sflag:s10] =	ssyncset.done @!p3 $0x0  }
0x4f: {  	[sflag:s10] =	ssyncadd.s32 @!p3 $0xFFFFD880  }
0x50: {  	_ =	swait.ge [sflag:s23], $0x100  }
0x51: {  	[sflag:s23] =	ssyncset.done $0x0  }
0x52: {  	[sflag:s23] =	ssyncadd.s32 $0xFFFFFF00  }
0x53: {  	_ =	swait.ge [sflag:s23], $0x100  }
0x54: {  	[sflag:s23] =	ssyncset.done $0x0  }
0x55: {  	[sflag:s23] =	ssyncadd.s32 $0xFFFFFF00  }
0x56: {  	[bflag:$0x0] =	sbarrier.arrive $0xFFFF  }
0x57: {  	[tilespmem:s25], [sflag:$0x1] =	stream.indirect.gather [hbm4b:s1+s24], $0x80, s4, s24, $0xb8;
	[tilespmem:$0x1DC80] =	vst v63  }
0x58: {  	s13 =	rddreg [dreg:$0xa]  }
0x59: {  	[tilespmem:s26], [sflag:$0x2] =	stream.linear.gather [hbm4b:s13+s4], $0x100, $0x38;
	[tilespmem:$0x1DC80] =	vst v63  }
0x5a: {  	s10 =	simm.s32 $0x0  }
0x5b: {  	[tilespmem:s28], [sflag:$0x2] =	stream.linear.gather [hbm4b:s14+s4], $0x100, $0x38;
	[tilespmem:$0x1DC80] =	vst v63  }
.LBB2_2:
0x5c: {  	_ =	swait.ge [sflag:s29], $0x4000  }
0x5d: {  	p5 =	seq.s32 s10, $0x0;
	[sflag:s29] =	ssyncset.done $0x0  }
0x5e: {  	s11 =	simm.s32 @!p5 $0x3;
	[sflag:s29] =	ssyncadd.s32 $0xFFFFC000  }
0x5f: {  	[spmem:s2] =	stream.indirect.scatter.add.f32 [tilespmem:s25], [sflag:$0x3], $0x80, s22, s24, $0xb8;
	[tilespmem:$0x1DC80] =	vst v63  }
0x60: {  	_ =	swait.ge @!p5 [sflag:s11], $0x4000  }
0x61: {  	s12 =	simm.s32 @!p5 $0x0;
	[sflag:s11] =	ssyncset.done @!p5 $0x0  }
0x62: {  	s13 =	simm.s32 @!p5 $0x200;
	[sflag:s11] =	ssyncadd.s32 @!p5 $0xFFFFC000;
	s11 =	sadd.s32 @!p5 s10, s21  }
0x63: {  	[tilespmem:s13], [sflag:$0x2] =	stream.linear.gather @!p5 [hbm4b:s11+s12], $0x100, $0x38;
	[tilespmem:$0x1DC80] =	vst v63  }
0x64: {  	s11 =	sadd.s32 @!p5 s10, s20;
	s13 =	simm.s32 @!p5 $0x300  }
0x65: {  	[tilespmem:s13], [sflag:$0x2] =	stream.linear.gather @!p5 [hbm4b:s11+s12], $0x100, $0x38;
	[tilespmem:$0x1DC80] =	vst v63  }
0x66: {  	_ = 	snop  }
0x67: {  	[tilespmem:s30], [sflag:$0x1] =	stream.indirect.gather [hbm4b:s1+s24], $0x80, s24, s24, $0xb8;
	[tilespmem:$0x1DC80] =	vst v63  }
0x68: {  	_ =	swait.ge [sflag:s29], $0x4000  }
0x69: {  	[sflag:s29] =	ssyncset.done $0x0  }
0x6a: {  	[sflag:s29] =	ssyncadd.s32 $0xFFFFC000  }
0x6b: {  	[spmem:s2] =	stream.indirect.scatter.add.f32 [tilespmem:s30], [sflag:$0x3], $0x80, s31, s24, $0xb8;
	[tilespmem:$0x1DC80] =	vst v63  }
0x6c: {  	_ =	swait.ge [sflag:s0], $0x4000  }
0x6d: {  	[sflag:s0] =	ssyncset.done $0x0  }
0x6e: {  	[sflag:s0] =	ssyncadd.s32 $0xFFFFC000  }
0x6f: {  	_ =	swait.ge [sflag:s23], $0x100  }
0x70: {  	[sflag:s23] =	ssyncset.done $0x0  }
0x71: {  	[sflag:s23] =	ssyncadd.s32 $0xFFFFFF00  }
0x72: {  	_ =	swait.ge [sflag:s23], $0x100  }
0x73: {  	[sflag:s23] =	ssyncset.done $0x0  }
0x74: {  	[sflag:s23] =	ssyncadd.s32 $0xFFFFFF00  }
0x75: {  	[tilespmem:s25], [sflag:$0x1] =	stream.indirect.gather [hbm4b:s1+s24], $0x80, s26, s24, $0xb8;
	[tilespmem:$0x1DC80] =	vst v63  }
0x76: {  	_ =	swait.ge [sflag:s29], $0x4000  }
0x77: {  	p5 =	seq.s32 s10, $0x4C0;
	[sflag:s29] =	ssyncset.done $0x0  }
.Ltmp2:
0x78: {  	[sflag:s29] =	ssyncadd.s32 $0xFFFFC000;
	(pc) =	sbr.rel @p5 .LBB2_4-.Ltmp2, $4  }
0x79: {  	[spmem:s2] =	stream.indirect.scatter.add.f32 [tilespmem:s25], [sflag:$0x3], $0x80, s28, s24, $0xb8;
	[tilespmem:$0x1DC80] =	vst v63  }
0x7a: {  	_ =	swait.ge [sflag:s0], $0x4000  }
0x7b: {  	[sflag:s0] =	ssyncset.done $0x0  }
0x7c: {  	[sflag:s0] =	ssyncadd.s32 $0xFFFFC000  }
0x7d: {  	s11 =	sadd.s32 s10, s19  }
0x7e: {  	[tilespmem:s4], [sflag:$0x2] =	stream.linear.gather [hbm4b:s11+s4], $0x100, $0x38;
	[tilespmem:$0x1DC80] =	vst v63  }
0x7f: {  	s13 =	sadd.s32 s10, s18  }
0x80: {  	[tilespmem:s22], [sflag:$0x2] =	stream.linear.gather [hbm4b:s13+s4], $0x100, $0x38;
	[tilespmem:$0x1DC80] =	vst v63  }
0x81: {  	_ = 	snop  }
0x82: {  	[tilespmem:s30], [sflag:$0x1] =	stream.indirect.gather [hbm4b:s1+s24], $0x80, s5, s24, $0xb8;
	[tilespmem:$0x1DC80] =	vst v63  }
0x83: {  	_ =	swait.ge [sflag:s29], $0x4000  }
0x84: {  	[sflag:s29] =	ssyncset.done $0x0  }
0x85: {  	[sflag:s29] =	ssyncadd.s32 $0xFFFFC000  }
0x86: {  	[spmem:s2] =	stream.indirect.scatter.add.f32 [tilespmem:s30], [sflag:$0x3], $0x80, s6, s24, $0xb8;
	[tilespmem:$0x1DC80] =	vst v63  }
0x87: {  	_ =	swait.ge [sflag:s0], $0x4000  }
0x88: {  	[sflag:s0] =	ssyncset.done $0x0  }
0x89: {  	[sflag:s0] =	ssyncadd.s32 $0xFFFFC000  }
0x8a: {  	_ =	swait.ge [sflag:s23], $0x100  }
0x8b: {  	[sflag:s23] =	ssyncset.done $0x0  }
.Ltmp3:
0x8c: {  	[sflag:s23] =	ssyncadd.s32 $0xFFFFFF00;
	(pc) =	sbr.rel .LBB2_2-.Ltmp3, $4  }
0x8d: {  	_ =	swait.ge [sflag:s23], $0x100  }
0x8e: {  	[sflag:s23] =	ssyncset.done $0x0  }
0x8f: {  	s10 =	sadd.s32 $0x40, s10;
	[sflag:s23] =	ssyncadd.s32 $0xFFFFFF00  }
0x90: {  	[tilespmem:s25], [sflag:$0x1] =	stream.indirect.gather [hbm4b:s1+s24], $0x80, s4, s24, $0xb8;
	[tilespmem:$0x1DC80] =	vst v63  }
.LBB2_5:
0x91: {  	_ =	sfence.sel $0x180000  }
0x92: {  	[bflag:$0x0] =	sbarrier.arrive $0xFFFF  }
0x93: {  	_ =	strace $0x9000004A  }
0x94: {  	[bflag:$0x2] =	sbarrier.arrive $0xFFFF  }
0x95: {  	p0 =	sne.s32 s3, $0x0;
	s0 =	rddreg [dreg:$0x3]  }
0x96: {  	s0 =	sadd.s32 @!p0 $0x100000, s0  }
0x97: {  	[sflag:s0] =	ssyncadd.tile.s32 @!p0 $0x1;
	_ =	shalt  }
.Lfunc_end2:
_tile_overlayer_lowered:
.L_overlay_start_2:
0x98: {  	(tag) =	ssettag $0x2  }
0x99: {  	s0 =	rddreg [dreg:$0x0];
	s2 =	stileid.u32  }
0x9a: {  	s1 =	rddreg [dreg:$0x1];
	p0 =	sne.s32 s2, $0x0  }
0x9b: {  	s3 =	rddreg [dreg:$0x2];
	[bflag:$0x3] =	sbarrier.arrive $0xFFFF;
	s2 =	simm.s32 @!p0 $0x1C04  }
0x9c: {  	[timem:s3], [sflag:s2] =	dma.local @!p0 [hbm:s0], s1  }
0x9d: {  	s0 =	simm.s32 @!p0 $0x4  }
0x9e: {  	_ =	swait.ge @!p0 [sflag:s0], s1  }
0x9f: {  	s1 =	ssub.s32 @!p0 $0x0, s1;
	[sflag:s0] =	ssyncset.done @!p0 $0x0  }
0xa0: {  	[sflag:s0] =	ssyncadd.s32 @!p0 s1  }
0xa1: {  	[bflag:$0x3] =	sbarrier.arrive $0xFFFF  }
0xa2: {  	_ =	shalt  }

// kernel: kernel.16.cloned.1.call-start
scs
__scs_entry_jumppad:
0x0: {  	(pc) =	sbr.rel $0x88, $3  }
0x1: {  	(tag) =	ssettag $0x0;
	lr =	simm.s32 $0x1  }
0x2: {  	[smem:$0x3F97] =	sst lr;
	_ =	strace $0xD0000000  }
0x3: {  	_ = 	snop  }
0x4: {  	_ = 	snop  }
0x5: {  	_ = 	snop  }
0x6: {  	_ = 	snop  }
0x7: {  	_ = 	snop  }
__scs_overlays_trampoline_lowered:
0x8: {  	[smem:$0x3FA6] =	sst s0  }
0x9: {  	[smem:$0x3FA7] =	sst s1  }
0xa: {  	[smem:$0x3FA8] =	sst s2  }
0xb: {  	[smem:$0x3FA9] =	sst s3  }
0xc: {  	[smem:$0x3FAA] =	sst s4  }
0xd: {  	[smem:$0x3FAB] =	sst s5  }
0xe: {  	[smem:$0x3FAC] =	sst s6  }
0xf: {  	[smem:$0x3FAD] =	sst s7  }
0x10: {  	[smem:$0x3FAE] =	sst s8  }
0x11: {  	[smem:$0x3FAF] =	sst s9;
	s0 =	simm.s32 @!p0 $0x0  }
0x12: {  	s1 =	sld [smem:$0x3F95];
	s0 =	simm.s32 @p0 $0x1  }
0x13: {  	[smem:$0x3FB0] =	sst s0;
	s0 =	simm.s32 @!p1 $0x0  }
0x14: {  	s2 =	sld [smem:$0x3F94];
	s0 =	simm.s32 @p1 $0x1  }
0x15: {  	[smem:$0x3FB1] =	sst s0;
	s0 =	simm.s32 @!p2 $0x0  }
0x16: {  	s3 =	sld [smem:$0x3FDB];
	s0 =	simm.s32 @p2 $0x1  }
0x17: {  	s4 =	simm.s32 $0x1BF5;
	[smem:$0x3FB3] =	sst s0  }
0x18: {  	s0 =	sld [smem:$0x3F96];
	_ =	swait.ge [sflag:s4], $0x0  }
0x19: {  	s7 =	sld [smem:$0x3F97]  }
0x1a: {  	s8 =	sadd.s32 $0xFFFFE003, lr  }
0x1b: {  	s9 =	sadd.s32 $0xFFFFFEF7, lr;
	s5 =	simm.s32 $0xFFFFFFFF;
	p2 =	slt.u32 s8, $0xFFFFF086  }
0x1c: {  	p1 =	slt.u32 s9, $0xF7A;
	s5 =	simm.s32 @!p2 $0x0  }
0x1d: {  	s5 =	simm.s32 @p1 $0x1;
	p0 =	seq.s32 s7, s2  }
0x1e: {  	s7 =	smul.u32 @!p0 $0xF7A, s2;
	p2 =	seq.s32 @!p0 s5, $0x0  }
0x1f: {  	s9 =	smul.u32 $0xF7A, s1;
	s8 =	simm.s32 @!p0 $0x1BF5;
	p2 =	por !p2, p0  }
0x20: {  	[sflag:s8] =	ssyncset.s32 @!p0 $0xFFFFF086;
	s6 =	sadd.s32 @!p0 s3, s7;
	s7 =	simm.s32 @!p0 $0x108  }
0x21: {  	s3 =	sadd.s32 s3, s9;
	s6 =	sadd.s32 @!p0 $0x88, s6;
	s7 =	simm.s32 @p2 $0x1082  }
0x22: {  	[simem:s7], [sflag:s8] =	dma.local @!p0 [hbm:s6], $0xF7A  }
0x23: {  	s9 =	sor.u32 $0xD0000000, s2;
	s6 =	simm.s32 $0x108;
	_ =	swait.ge @!p0 [sflag:s8], $0x0  }
0x24: {  	s3 =	sadd.s32 $0x88, s3;
	s6 =	simm.s32 @!p1 $0x1082;
	[sflag:s4] =	ssyncset.s32 $0xFFFFF086  }
0x25: {  	[simem:s6], [sflag:s4] =	dma.local [hbm:s3], $0xF7A  }
0x26: {  	[smem:$0x3F97] =	sst s1;
	(tag) =	ssettag s2;
	_ =	strace s9  }
0x27: {  	s1 =	sld [smem:$0x3FA7]  }
0x28: {  	s2 =	sld [smem:$0x3FA8]  }
0x29: {  	s4 =	sld [smem:$0x3FAA]  }
0x2a: {  	p0 =	seq.s32 s5, $0x0;
	s5 =	sld [smem:$0x3FAB]  }
0x2b: {  	s6 =	sld [smem:$0x3FAC]  }
0x2c: {  	s7 =	sld [smem:$0x3FAD]  }
0x2d: {  	s3 =	simm.s32 $0x108;
	s8 =	sld [smem:$0x3FAE]  }
0x2e: {  	s3 =	simm.s32 @!p0 $0x1082;
	s9 =	sld [smem:$0x3FAF]  }
0x2f: {  	lr =	sadd.s32 s0, s3;
	s0 =	sld [smem:$0x3FA6]  }
0x30: {  	s3 =	sld [smem:$0x3FA9]  }
0x31: {  	[smem:$0x3FB2] =	sst s10  }
0x32: {  	s10 =	sld [smem:$0x3FB0];
	_ =	sdelay $0x3  }
0x33: {  	p0 =	seq.s32 s10, $0x1;
	s10 =	sld [smem:$0x3FB2];
	_ =	sdelay $0x3  }
0x34: {  	[smem:$0x3FB2] =	sst s10  }
0x35: {  	s10 =	sld [smem:$0x3FB1];
	_ =	sdelay $0x3  }
0x36: {  	p1 =	seq.s32 s10, $0x1;
	s10 =	sld [smem:$0x3FB2];
	_ =	sdelay $0x3  }
0x37: {  	[smem:$0x3FB2] =	sst s10  }
0x38: {  	s10 =	sld [smem:$0x3FB3]  }
0x39: {  	_ = 	snop;
	(pc) =	sbr.ind lr, $3  }
0x3a: {  	_ = 	snop  }
0x3b: {  	_ = 	snop  }
0x3c: {  	p2 =	seq.s32 s10, $0x1;
	s10 =	sld [smem:$0x3FB2]  }
0x3d: {  	_ =	shalt  }
0x3e: {  	_ =	shalt  }
0x3f: {  	_ =	shalt  }
0x40: {  	_ =	shalt  }
0x41: {  	_ =	shalt  }
0x42: {  	_ =	shalt  }
0x43: {  	_ =	shalt  }
0x44: {  	_ =	shalt  }
0x45: {  	_ =	shalt  }
0x46: {  	_ =	shalt  }
0x47: {  	_ =	shalt  }
0x48: {  	_ =	shalt  }
0x49: {  	_ =	shalt  }
0x4a: {  	_ =	shalt  }
0x4b: {  	_ =	shalt  }
0x4c: {  	_ =	shalt  }
0x4d: {  	_ =	shalt  }
0x4e: {  	_ =	shalt  }
0x4f: {  	_ =	shalt  }
0x50: {  	_ =	shalt  }
0x51: {  	_ =	shalt  }
0x52: {  	_ =	shalt  }
0x53: {  	_ =	shalt  }
0x54: {  	_ =	shalt  }
0x55: {  	_ =	shalt  }
0x56: {  	_ =	shalt  }
0x57: {  	_ =	shalt  }
0x58: {  	_ =	shalt  }
0x59: {  	_ =	shalt  }
0x5a: {  	_ =	shalt  }
0x5b: {  	_ =	shalt  }
0x5c: {  	_ =	shalt  }
0x5d: {  	_ =	shalt  }
0x5e: {  	_ =	shalt  }
0x5f: {  	_ =	shalt  }
0x60: {  	_ =	shalt  }
0x61: {  	_ =	shalt  }
0x62: {  	_ =	shalt  }
0x63: {  	_ =	shalt  }
0x64: {  	_ =	shalt  }
0x65: {  	_ =	shalt  }
0x66: {  	_ =	shalt  }
0x67: {  	_ =	shalt  }
0x68: {  	_ =	shalt  }
0x69: {  	_ =	shalt  }
0x6a: {  	_ =	shalt  }
0x6b: {  	_ =	shalt  }
0x6c: {  	_ =	shalt  }
0x6d: {  	_ =	shalt  }
0x6e: {  	_ =	shalt  }
0x6f: {  	_ =	shalt  }
0x70: {  	_ =	shalt  }
0x71: {  	_ =	shalt  }
0x72: {  	_ =	shalt  }
0x73: {  	_ =	shalt  }
0x74: {  	_ =	shalt  }
0x75: {  	_ =	shalt  }
0x76: {  	_ =	shalt  }
0x77: {  	_ =	shalt  }
0x78: {  	_ =	shalt  }
0x79: {  	_ =	shalt  }
0x7a: {  	_ =	shalt  }
0x7b: {  	_ =	shalt  }
0x7c: {  	_ =	shalt  }
0x7d: {  	_ =	shalt  }
0x7e: {  	_ =	shalt  }
0x7f: {  	_ =	shalt  }
0x80: {  	_ =	shalt  }
0x81: {  	_ =	shalt  }
0x82: {  	_ =	shalt  }
0x83: {  	_ =	shalt  }
0x84: {  	_ =	shalt  }
0x85: {  	_ =	shalt  }
0x86: {  	_ =	shalt  }
0x87: {  	_ =	shalt  }
.Lfunc_end0:
.L_simem_size_0:
called_computation.2_lowered:
.L_overlay_start_0:
0x88: {  	s2 =	sld [smem:$0x3FD9]  }
0x89: {  	s3 =	sld [smem:$0x3FFE];
	_ =	sdelay $0x1  }
0x8a: {  	s1 =	srdreg.scid  }
0x8b: {  	s0 =	sand.u32 $0x1, s1  }
0x8c: {  	s17 =	sshll.u32 s0, $0xA;
	s2 =	sadd.s32 s3, s2  }
0x8d: {  	s2 =	sadd.s32 s2, s17  }
0x8e: {  	[smem:$0x3FBE] =	sst s2  }
0x8f: {  	_ = 	snop  }
0x90: {  	s2 =	sld [smem:$0x3FD0];
	(tm) =	ssettm $0x1  }
0x91: {  	s18 =	sld [smem:$0x3FFB];
	_ =	sdelay $0x3  }
0x92: {  	_ =	strace s18  }
0x93: {  	s3 =	sld [smem:$0x3FFC];
	_ =	sdelay $0x3  }
0x94: {  	_ =	strace s3  }
0x95: {  	s3 =	sld [smem:$0x3FFD];
	_ =	sdelay $0x3  }
0x96: {  	_ =	strace s3  }
0x97: {  	_ =	strace $0x8FFFFFFF  }
0x98: {  	s19 =	sld [smem:$0x3FDB];
	_ =	sdelay $0x1  }
0x99: {  	s4 =	simm.s32 $_scs_section_size  }
0x9a: {  	s5 =	simm.s32 $_size__tile_overlayer_lowered;
	s6 =	simm.s32 $_tile_overlayer_lowered  }
0x9b: {  	s22 =	simm.s32 $0x1BFF;
	s21 =	sshll.u32 s6, $0x1;
	s3 =	sadd.s32 s4, s19  }
0x9c: {  	s7 =	simm.s32 $0x0;
	s20 =	sshll.u32 s5, $0x1;
	s5 =	sadd.s32 s21, s3  }
0x9d: {  	[timem:s7], [sflag:s22] =	dma.local [hbm:s5], s20  }
0x9e: {  	_ =	swait.ge [sflag:s22], s20  }
0x9f: {  	s4 =	ssub.s32 $0x0, s20;
	[sflag:s22] =	ssyncset.done $0x0  }
0xa0: {  	[sflag:s22] =	ssyncadd.s32 s4;
	_ =	sdelay $0x1  }
0xa1: {  	s23 =	simm.s32 $0x1B8B  }
0xa2: {  	_ =	swait.ge [sflag:s23], $0x1  }
0xa3: {  	[sflag:s23] =	ssyncset.done $0x0  }
0xa4: {  	s25 =	simm.s32 $0x1B8E;
	s24 =	sld [smem:$0x3FFE];
	[sflag:s23] =	ssyncadd.s32 $0xFFFFFFFF  }
0xa5: {  	s26 =	simm.s32 $execute0_lowered;
	[smem:$0x3FD2] =	sst s25  }
0xa6: {  	s5 =	sshll.u32 s26, $0x1;
	_ =	strace $0x8000004C;
	[dreg:$0x1] =	wrdreg $0xFFFFFFFF  }
0xa7: {  	s28 =	simm.s32 $_size_execute0_lowered;
	s3 =	sadd.s32 s3, s5;
	[dreg:$0x0] =	wrdreg $0x0  }
0xa8: {  	s5 =	sshll.u32 s28, $0x1;
	[dreg:$0x2] =	wrdreg s3  }
0xa9: {  	[dreg:$0x3] =	wrdreg s5  }
0xaa: {  	[dreg:$0x4] =	wrdreg $0xC0  }
0xab: {  	_ =	task [dreg:s7], $0x5FFFF  }
0xac: {  	[dreg:$0x1] =	wrdreg $0xFFFFFFFF  }
0xad: {  	[dreg:$0x0] =	wrdreg $0x60  }
0xae: {  	[dreg:$0x2] =	wrdreg s2  }
0xaf: {  	[dreg:$0x3] =	wrdreg s24  }
0xb0: {  	[dreg:$0x4] =	wrdreg $0x84000  }
0xb1: {  	[dreg:$0x5] =	wrdreg $0x9  }
0xb2: {  	_ =	task.clear_ibuf [dreg:s7], $0x6FFFF;
	_ =	strace $0x9000004C  }
0xb3: {  	s29 =	simm.s32 $0x9;
	_ =	strace $0x8000004E  }
0xb4: {  	_ =	swait.ge [sflag:s29], $0x1  }
0xb5: {  	[sflag:s29] =	ssyncadd.s32 $0xFFFFFFFF  }
0xb6: {  	_ =	strace $0x9000004E  }
0xb7: {  	_ =	sfence  }
0xb8: {  	s30 =	sld [smem:$0x0];
	_ =	sdelay $0x2  }
0xb9: {  	s31 =	sshll.u32 s1, $0xD;
	s1 =	sshrl.u32 s1, $0x2  }
0xba: {  	s3 =	sand.u32 $0x4000, s31;
	s1 =	sadd.s32 s1, s30  }
0xbb: {  	s0 =	sor.u32 s3, s0;
	s1 =	sshll.u32 s1, $0x11  }
0xbc: {  	s0 =	sor.u32 s1, s0  }
0xbd: {  	s0 =	sadd.s32 $0x8F2B, s0  }
0xbe: {  	[sflag:s0] =	ssyncadd.remote.s32 $0x1  }
0xbf: {  	_ =	sfence.sel $0xFFFF  }
0xc0: {  	[dreg:$0x0] =	wrdreg $0xFFFFFFFF;
	(pc) =	sbr.abs _section_cstart, $3  }
0xc1: {  	[dreg:$0x1] =	wrdreg $0xFFFFFFFF  }
0xc2: {  	_ =	task.clear_ibuf [dreg:s7], $0x2FFFF;
	_ =	strace $0x9FFFFFFF  }
0xc3: {  	(tm) =	ssettm $0x7FFFFFFF  }
tec
execute0_lowered:
.L_overlay_start_1:
0x0: {  	(tag) =	ssettag $0x1  }
0x1: {  	s1 =	rddreg [dreg:$0x0]  }
0x2: {  	s0 =	rddreg [dreg:$0x1]  }
0x3: {  	s2 =	rddreg [dreg:$0x2]  }
0x4: {  	s3 =	srdreg.scid;
	s4 =	simm.s32 $0x0;
	s28 =	simm.s32 $0x300  }
0x5: {  	s29 =	simm.s32 $0x1;
	s30 =	simm.s32 $0x4400;
	s31 =	simm.s32 $0x180  }
0x6: {  	s5 =	sand.u32 $0x1, s3;
	s3 =	stileid.u32;
	[smem:$0x7FF] =	sst s4  }
0x7: {  	s8 =	sadd.s32 $0x16E00, s0;
	s10 =	sadd.s32 $0x2E00, s0;
	s20 =	sadd.s32 $0xCE00, s0  }
0x8: {  	s0 =	sadd.s32 $0x3E000, s0;
	s6 =	sshll.u32 s5, $0x4;
	s9 =	smul.u32 $0x270, s3  }
0x9: {  	_ =	strace $0x8000004D;
	s7 =	ssub.s32 $0x2, s5;
	s26 =	smul.u32 $0x4F000, s3  }
0xa: {  	p3 =	seq.s32 s5, $0x1;
	s6 =	sor.u32 s3, s6;
	s11 =	sshrl.u32 s7, $0x1  }
0xb: {  	p1 =	sgt.u32 @p3 s3, $0x1;
	p4 =	sgt.u32 @!p3 s3, $0x1;
	s6 =	smul.u32 $0x2800, s6  }
0xc: {  	s17 =	ssub.s32 s7, s11;
	s9 =	sadd.s32 $0x10, s9;
	s15 =	sshrl.u32 s26, $0x2  }
0xd: {  	p0 =	por !p1, !p3;
	p1 =	por p1, !p3;
	p2 =	por !p4, p3  }
0xe: {  	p3 =	por p4, p3;
	p4 =	sgt.u32 s3, $0x1;
	s14 =	sshll.u32 s9, $0x7  }
0xf: {  	s12 =	sshll.u32 s9, $0x4;
	s9 =	sadd.s32 s15, s2;
	s15 =	smul.u32 $0x138800, s5  }
0x10: {  	s5 =	smul.u32 $0x28000, s5;
	s17 =	smax.u32 s17, $0x1;
	s16 =	sadd.s32 s1, s12  }
0x11: {  	s6 =	sshrl.u32 s6, $0x3;
	s19 =	sadd.s32 s8, s12;
	[dreg:$0x6] =	wrdreg s16  }
0x12: {  	s7 =	sadd.s32 s14, s2;
	s25 =	sadd.s32 s10, s6;
	[dreg:$0x8] =	wrdreg s19  }
0x13: {  	s13 =	sadd.s32 s20, s6;
	s16 =	smul.u32 $0x13C00, s3;
	[dreg:$0x4] =	wrdreg s25  }
0x14: {  	s6 =	sor.u32 $0x20, s6;
	s22 =	sadd.s32 s15, s14;
	[dreg:$0x5] =	wrdreg s13  }
0x15: {  	s13 =	smul.u32 $0x2780, s3;
	s21 =	sadd.s32 s10, s6;
	s14 =	sadd.s32 s20, s6  }
0x16: {  	s23 =	sshrl.u32 s22, $0x3;
	s22 =	simm.s32 $0x100;
	s6 =	simm.s32 $0x380  }
0x17: {  	[dreg:$0xa] =	wrdreg s21;
	s24 =	sadd.s32 s16, s15;
	s15 =	sadd.s32 s0, s23  }
0x18: {  	s23 =	simm.s32 $0x2;
	s18 =	sadd.s32 s1, s13;
	s8 =	sadd.s32 s8, s13  }
0x19: {  	s25 =	sshrl.u32 s24, $0x3;
	[dreg:$0x7] =	wrdreg s18;
	s18 =	smul.u32 $0x2800, s3  }
0x1a: {  	s24 =	simm.s32 $0x80;
	[dreg:$0x9] =	wrdreg s8;
	s16 =	sadd.s32 s0, s25  }
.Ltmp0:
0x1b: {  	s25 =	simm.s32 $0x400;
	s5 =	sadd.s32 s18, s5;
	(pc) =	sbr.rel .LBB2_1-.Ltmp0, $4  }
0x1c: {  	s8 =	simm.s32 $0x0;
	s26 =	sor.u32 $0x200, s5;
	s5 =	sor.u32 $0x100, s5  }
0x1d: {  	s0 =	sshrl.u32 s26, $0x3;
	s5 =	sshrl.u32 s5, $0x3;
	s26 =	simm.s32 $0x200  }
0x1e: {  	s18 =	sadd.s32 s0, s20;
	s19 =	sadd.s32 s0, s10;
	s20 =	sadd.s32 s5, s20  }
0x1f: {  	s21 =	sadd.s32 s5, s10;
	s0 =	simm.s32 $0x3;
	s5 =	simm.s32 $0x280  }
.LBB2_4:
0x20: {  	[tilespmem:s30], [sflag:$0x1] =	stream.indirect.gather [hbm4b:s1+s24], $0x80, s5, s24, $0xb8;
	[tilespmem:$0x1DC80] =	vst v63  }
0x21: {  	_ =	swait.ge [sflag:s29], $0x4000  }
0x22: {  	[sflag:s29] =	ssyncset.done $0x0  }
0x23: {  	[sflag:s29] =	ssyncadd.s32 $0xFFFFC000  }
0x24: {  	[spmem:s2] =	stream.indirect.scatter.add.f32 [tilespmem:s30], [sflag:$0x3], $0x80, s6, s24, $0xb8;
	[tilespmem:$0x1DC80] =	vst v63  }
0x25: {  	_ =	swait.ge [sflag:s0], $0x4000  }
0x26: {  	[sflag:s0] =	ssyncset.done $0x0  }
0x27: {  	[sflag:s0] =	ssyncadd.s32 $0xFFFFC000  }
0x28: {  	_ =	swait.ge [sflag:s0], $0x4000  }
0x29: {  	[sflag:s0] =	ssyncset.done $0x0  }
0x2a: {  	s10 =	sshll.u32 @p4 s3, $0x6;
	[sflag:s0] =	ssyncadd.s32 $0xFFFFC000  }
0x2b: {  	s11 =	sshrl.u32 @p4 s7, $0x3;
	s10 =	sor.u32 @p4 $0x1C04, s10;
	[bflag:$0x0] =	sbarrier.arrive $0xFFFF  }
0x2c: {  	[hbm:s15], [sflag:s10] =	dma.local @p4 [spmem:s11], $0x2700  }
0x2d: {  	s10 =	simm.s32 @p4 $0x4  }
0x2e: {  	s8 =	sadd.s32 $0x1, s8;
	_ =	swait.ge @p4 [sflag:s10], $0x2700  }
0x2f: {  	p5 =	sne.s32 s8, s17;
	s11 =	sshll.u32 @!p4 s3, $0x6;
	[sflag:s10] =	ssyncset.done @p4 $0x0  }
0x30: {  	[sflag:s10] =	ssyncadd.s32 @p4 $0xFFFFD900;
	s10 =	sor.u32 @!p4 $0x1C04, s11;
	s11 =	sshrl.u32 @!p4 s9, $0x3  }
0x31: {  	[hbm:s16], [sflag:s10] =	dma.local @!p4 [spmem:s11], $0x2780  }
.Ltmp1:
0x32: {  	_ = 	snop;
	(pc) =	sbr.rel @!p5 .LBB2_5-.Ltmp1, $4  }
0x33: {  	s10 =	simm.s32 @!p4 $0x4  }
0x34: {  	_ =	swait.ge @!p4 [sflag:s10], $0x2780  }
0x35: {  	[sflag:s10] =	ssyncset.done @!p4 $0x0  }
0x36: {  	[sflag:s10] =	ssyncadd.s32 @!p4 $0xFFFFD880  }
.LBB2_1:
0x37: {  	s10 =	rddreg [dreg:$0x4]  }
0x38: {  	[tilespmem:s4], [sflag:$0x2] =	stream.linear.gather [hbm4b:s10+s4], $0x100, $0x38;
	[tilespmem:$0x1DC80] =	vst v63  }
0x39: {  	s12 =	rddreg [dreg:$0x5];
	s10 =	sshll.u32 @!p0 s3, $0x6  }
0x3a: {  	[tilespmem:s22], [sflag:$0x2] =	stream.linear.gather [hbm4b:s12+s4], $0x100, $0x38;
	[tilespmem:$0x1DC80] =	vst v63  }
0x3b: {  	s11 =	sshrl.u32 @!p0 s7, $0x3;
	s10 =	sor.u32 @!p0 $0x1C04, s10;
	s12 =	rddreg [dreg:$0x8]  }
0x3c: {  	[spmem:s11], [sflag:s10] =	dma.local @!p0 [hbm:s12], $0x2700  }
0x3d: {  	s10 =	simm.s32 @!p0 $0x4  }
0x3e: {  	_ =	swait.ge @!p0 [sflag:s10], $0x2700  }
0x3f: {  	s11 =	sshll.u32 @!p1 s3, $0x6;
	[sflag:s10] =	ssyncset.done @!p0 $0x0;
	s12 =	rddreg [dreg:$0x9]  }
0x40: {  	[sflag:s10] =	ssyncadd.s32 @!p0 $0xFFFFD900;
	s10 =	sor.u32 @!p1 $0x1C04, s11;
	s11 =	sshrl.u32 @!p1 s9, $0x3  }
0x41: {  	[spmem:s11], [sflag:s10] =	dma.local @!p1 [hbm:s12], $0x2780  }
0x42: {  	s10 =	simm.s32 @!p1 $0x4  }
0x43: {  	_ =	swait.ge @!p1 [sflag:s10], $0x2780  }
0x44: {  	s11 =	sshll.u32 @!p2 s3, $0x6;
	[sflag:s10] =	ssyncset.done @!p1 $0x0;
	s12 =	rddreg [dreg:$0x6]  }
0x45: {  	[sflag:s10] =	ssyncadd.s32 @!p1 $0xFFFFD880;
	s10 =	sor.u32 @!p2 $0x1C04, s11;
	s11 =	sshrl.u32 @!p2 s7, $0x3  }
0x46: {  	[spmem:s11], [sflag:s10] =	dma.local @!p2 [hbm:s12], $0x2700  }
0x47: {  	s10 =	simm.s32 @!p2 $0x4  }
0x48: {  	_ =	swait.ge @!p2 [sflag:s10], $0x2700  }
0x49: {  	s11 =	sshll.u32 @!p3 s3, $0x6;
	[sflag:s10] =	ssyncset.done @!p2 $0x0;
	s12 =	rddreg [dreg:$0x7]  }
0x4a: {  	[sflag:s10] =	ssyncadd.s32 @!p2 $0xFFFFD900;
	s10 =	sor.u32 @!p3 $0x1C04, s11;
	s11 =	sshrl.u32 @!p3 s9, $0x3  }
0x4b: {  	[spmem:s11], [sflag:s10] =	dma.local @!p3 [hbm:s12], $0x2780  }
0x4c: {  	s10 =	simm.s32 @!p3 $0x4  }
0x4d: {  	_ =	swait.ge @!p3 [sflag:s10], $0x2780  }
0x4e: {  	[sflag:s10] =	ssyncset.done @!p3 $0x0  }
0x4f: {  	[sflag:s10] =	ssyncadd.s32 @!p3 $0xFFFFD880  }
0x50: {  	_ =	swait.ge [sflag:s23], $0x100  }
0x51: {  	[sflag:s23] =	ssyncset.done $0x0  }
0x52: {  	[sflag:s23] =	ssyncadd.s32 $0xFFFFFF00  }
0x53: {  	_ =	swait.ge [sflag:s23], $0x100  }
0x54: {  	[sflag:s23] =	ssyncset.done $0x0  }
0x55: {  	[sflag:s23] =	ssyncadd.s32 $0xFFFFFF00  }
0x56: {  	[bflag:$0x0] =	sbarrier.arrive $0xFFFF  }
0x57: {  	[tilespmem:s25], [sflag:$0x1] =	stream.indirect.gather [hbm4b:s1+s24], $0x80, s4, s24, $0xb8;
	[tilespmem:$0x1DC80] =	vst v63  }
0x58: {  	s13 =	rddreg [dreg:$0xa]  }
0x59: {  	[tilespmem:s26], [sflag:$0x2] =	stream.linear.gather [hbm4b:s13+s4], $0x100, $0x38;
	[tilespmem:$0x1DC80] =	vst v63  }
0x5a: {  	s10 =	simm.s32 $0x0  }
0x5b: {  	[tilespmem:s28], [sflag:$0x2] =	stream.linear.gather [hbm4b:s14+s4], $0x100, $0x38;
	[tilespmem:$0x1DC80] =	vst v63  }
.LBB2_2:
0x5c: {  	_ =	swait.ge [sflag:s29], $0x4000  }
0x5d: {  	p5 =	seq.s32 s10, $0x0;
	[sflag:s29] =	ssyncset.done $0x0  }
0x5e: {  	s11 =	simm.s32 @!p5 $0x3;
	[sflag:s29] =	ssyncadd.s32 $0xFFFFC000  }
0x5f: {  	[spmem:s2] =	stream.indirect.scatter.add.f32 [tilespmem:s25], [sflag:$0x3], $0x80, s22, s24, $0xb8;
	[tilespmem:$0x1DC80] =	vst v63  }
0x60: {  	_ =	swait.ge @!p5 [sflag:s11], $0x4000  }
0x61: {  	s12 =	simm.s32 @!p5 $0x0;
	[sflag:s11] =	ssyncset.done @!p5 $0x0  }
0x62: {  	s13 =	simm.s32 @!p5 $0x200;
	[sflag:s11] =	ssyncadd.s32 @!p5 $0xFFFFC000;
	s11 =	sadd.s32 @!p5 s10, s21  }
0x63: {  	[tilespmem:s13], [sflag:$0x2] =	stream.linear.gather @!p5 [hbm4b:s11+s12], $0x100, $0x38;
	[tilespmem:$0x1DC80] =	vst v63  }
0x64: {  	s11 =	sadd.s32 @!p5 s10, s20;
	s13 =	simm.s32 @!p5 $0x300  }
0x65: {  	[tilespmem:s13], [sflag:$0x2] =	stream.linear.gather @!p5 [hbm4b:s11+s12], $0x100, $0x38;
	[tilespmem:$0x1DC80] =	vst v63  }
0x66: {  	_ = 	snop  }
0x67: {  	[tilespmem:s30], [sflag:$0x1] =	stream.indirect.gather [hbm4b:s1+s24], $0x80, s24, s24, $0xb8;
	[tilespmem:$0x1DC80] =	vst v63  }
0x68: {  	_ =	swait.ge [sflag:s29], $0x4000  }
0x69: {  	[sflag:s29] =	ssyncset.done $0x0  }
0x6a: {  	[sflag:s29] =	ssyncadd.s32 $0xFFFFC000  }
0x6b: {  	[spmem:s2] =	stream.indirect.scatter.add.f32 [tilespmem:s30], [sflag:$0x3], $0x80, s31, s24, $0xb8;
	[tilespmem:$0x1DC80] =	vst v63  }
0x6c: {  	_ =	swait.ge [sflag:s0], $0x4000  }
0x6d: {  	[sflag:s0] =	ssyncset.done $0x0  }
0x6e: {  	[sflag:s0] =	ssyncadd.s32 $0xFFFFC000  }
0x6f: {  	_ =	swait.ge [sflag:s23], $0x100  }
0x70: {  	[sflag:s23] =	ssyncset.done $0x0  }
0x71: {  	[sflag:s23] =	ssyncadd.s32 $0xFFFFFF00  }
0x72: {  	_ =	swait.ge [sflag:s23], $0x100  }
0x73: {  	[sflag:s23] =	ssyncset.done $0x0  }
0x74: {  	[sflag:s23] =	ssyncadd.s32 $0xFFFFFF00  }
0x75: {  	[tilespmem:s25], [sflag:$0x1] =	stream.indirect.gather [hbm4b:s1+s24], $0x80, s26, s24, $0xb8;
	[tilespmem:$0x1DC80] =	vst v63  }
0x76: {  	_ =	swait.ge [sflag:s29], $0x4000  }
0x77: {  	p5 =	seq.s32 s10, $0x4C0;
	[sflag:s29] =	ssyncset.done $0x0  }
.Ltmp2:
0x78: {  	[sflag:s29] =	ssyncadd.s32 $0xFFFFC000;
	(pc) =	sbr.rel @p5 .LBB2_4-.Ltmp2, $4  }
0x79: {  	[spmem:s2] =	stream.indirect.scatter.add.f32 [tilespmem:s25], [sflag:$0x3], $0x80, s28, s24, $0xb8;
	[tilespmem:$0x1DC80] =	vst v63  }
0x7a: {  	_ =	swait.ge [sflag:s0], $0x4000  }
0x7b: {  	[sflag:s0] =	ssyncset.done $0x0  }
0x7c: {  	[sflag:s0] =	ssyncadd.s32 $0xFFFFC000  }
0x7d: {  	s11 =	sadd.s32 s10, s19  }
0x7e: {  	[tilespmem:s4], [sflag:$0x2] =	stream.linear.gather [hbm4b:s11+s4], $0x100, $0x38;
	[tilespmem:$0x1DC80] =	vst v63  }
0x7f: {  	s13 =	sadd.s32 s10, s18  }
0x80: {  	[tilespmem:s22], [sflag:$0x2] =	stream.linear.gather [hbm4b:s13+s4], $0x100, $0x38;
	[tilespmem:$0x1DC80] =	vst v63  }
0x81: {  	_ = 	snop  }
0x82: {  	[tilespmem:s30], [sflag:$0x1] =	stream.indirect.gather [hbm4b:s1+s24], $0x80, s5, s24, $0xb8;
	[tilespmem:$0x1DC80] =	vst v63  }
0x83: {  	_ =	swait.ge [sflag:s29], $0x4000  }
0x84: {  	[sflag:s29] =	ssyncset.done $0x0  }
0x85: {  	[sflag:s29] =	ssyncadd.s32 $0xFFFFC000  }
0x86: {  	[spmem:s2] =	stream.indirect.scatter.add.f32 [tilespmem:s30], [sflag:$0x3], $0x80, s6, s24, $0xb8;
	[tilespmem:$0x1DC80] =	vst v63  }
0x87: {  	_ =	swait.ge [sflag:s0], $0x4000  }
0x88: {  	[sflag:s0] =	ssyncset.done $0x0  }
0x89: {  	[sflag:s0] =	ssyncadd.s32 $0xFFFFC000  }
0x8a: {  	_ =	swait.ge [sflag:s23], $0x100  }
0x8b: {  	[sflag:s23] =	ssyncset.done $0x0  }
.Ltmp3:
0x8c: {  	[sflag:s23] =	ssyncadd.s32 $0xFFFFFF00;
	(pc) =	sbr.rel .LBB2_2-.Ltmp3, $4  }
0x8d: {  	_ =	swait.ge [sflag:s23], $0x100  }
0x8e: {  	[sflag:s23] =	ssyncset.done $0x0  }
0x8f: {  	s10 =	sadd.s32 $0x40, s10;
	[sflag:s23] =	ssyncadd.s32 $0xFFFFFF00  }
0x90: {  	[tilespmem:s25], [sflag:$0x1] =	stream.indirect.gather [hbm4b:s1+s24], $0x80, s4, s24, $0xb8;
	[tilespmem:$0x1DC80] =	vst v63  }
.LBB2_5:
0x91: {  	_ =	sfence.sel $0x180000  }
0x92: {  	[bflag:$0x0] =	sbarrier.arrive $0xFFFF  }
0x93: {  	_ =	strace $0x9000004D  }
0x94: {  	[bflag:$0x2] =	sbarrier.arrive $0xFFFF  }
0x95: {  	p0 =	sne.s32 s3, $0x0;
	s0 =	rddreg [dreg:$0x3]  }
0x96: {  	s0 =	sadd.s32 @!p0 $0x100000, s0  }
0x97: {  	[sflag:s0] =	ssyncadd.tile.s32 @!p0 $0x1;
	_ =	shalt  }
.Lfunc_end2:
_tile_overlayer_lowered:
.L_overlay_start_2:
0x98: {  	(tag) =	ssettag $0x2  }
0x99: {  	s0 =	rddreg [dreg:$0x0];
	s2 =	stileid.u32  }
0x9a: {  	s1 =	rddreg [dreg:$0x1];
	p0 =	sne.s32 s2, $0x0  }
0x9b: {  	s3 =	rddreg [dreg:$0x2];
	[bflag:$0x3] =	sbarrier.arrive $0xFFFF;
	s2 =	simm.s32 @!p0 $0x1C04  }
0x9c: {  	[timem:s3], [sflag:s2] =	dma.local @!p0 [hbm:s0], s1  }
0x9d: {  	s0 =	simm.s32 @!p0 $0x4  }
0x9e: {  	_ =	swait.ge @!p0 [sflag:s0], s1  }
0x9f: {  	s1 =	ssub.s32 @!p0 $0x0, s1;
	[sflag:s0] =	ssyncset.done @!p0 $0x0  }
0xa0: {  	[sflag:s0] =	ssyncadd.s32 @!p0 s1  }
0xa1: {  	[bflag:$0x3] =	sbarrier.arrive $0xFFFF  }
0xa2: {  	_ =	shalt  }

// kernel: kernel.19.cloned.1.call-start
scs
__scs_entry_jumppad:
0x0: {  	(pc) =	sbr.rel $0x88, $3  }
0x1: {  	(tag) =	ssettag $0x0;
	lr =	simm.s32 $0x1  }
0x2: {  	[smem:$0x3F97] =	sst lr;
	_ =	strace $0xD0000000  }
0x3: {  	_ = 	snop  }
0x4: {  	_ = 	snop  }
0x5: {  	_ = 	snop  }
0x6: {  	_ = 	snop  }
0x7: {  	_ = 	snop  }
__scs_overlays_trampoline_lowered:
0x8: {  	[smem:$0x3FA6] =	sst s0  }
0x9: {  	[smem:$0x3FA7] =	sst s1  }
0xa: {  	[smem:$0x3FA8] =	sst s2  }
0xb: {  	[smem:$0x3FA9] =	sst s3  }
0xc: {  	[smem:$0x3FAA] =	sst s4  }
0xd: {  	[smem:$0x3FAB] =	sst s5  }
0xe: {  	[smem:$0x3FAC] =	sst s6  }
0xf: {  	[smem:$0x3FAD] =	sst s7  }
0x10: {  	[smem:$0x3FAE] =	sst s8  }
0x11: {  	[smem:$0x3FAF] =	sst s9;
	s0 =	simm.s32 @!p0 $0x0  }
0x12: {  	s1 =	sld [smem:$0x3F95];
	s0 =	simm.s32 @p0 $0x1  }
0x13: {  	[smem:$0x3FB0] =	sst s0;
	s0 =	simm.s32 @!p1 $0x0  }
0x14: {  	s2 =	sld [smem:$0x3F94];
	s0 =	simm.s32 @p1 $0x1  }
0x15: {  	[smem:$0x3FB1] =	sst s0;
	s0 =	simm.s32 @!p2 $0x0  }
0x16: {  	s3 =	sld [smem:$0x3FDB];
	s0 =	simm.s32 @p2 $0x1  }
0x17: {  	s4 =	simm.s32 $0x1BF5;
	[smem:$0x3FB3] =	sst s0  }
0x18: {  	s0 =	sld [smem:$0x3F96];
	_ =	swait.ge [sflag:s4], $0x0  }
0x19: {  	s7 =	sld [smem:$0x3F97]  }
0x1a: {  	s8 =	sadd.s32 $0xFFFFE003, lr  }
0x1b: {  	s9 =	sadd.s32 $0xFFFFFEF7, lr;
	s5 =	simm.s32 $0xFFFFFFFF;
	p2 =	slt.u32 s8, $0xFFFFF086  }
0x1c: {  	p1 =	slt.u32 s9, $0xF7A;
	s5 =	simm.s32 @!p2 $0x0  }
0x1d: {  	s5 =	simm.s32 @p1 $0x1;
	p0 =	seq.s32 s7, s2  }
0x1e: {  	s7 =	smul.u32 @!p0 $0xF7A, s2;
	p2 =	seq.s32 @!p0 s5, $0x0  }
0x1f: {  	s9 =	smul.u32 $0xF7A, s1;
	s8 =	simm.s32 @!p0 $0x1BF5;
	p2 =	por !p2, p0  }
0x20: {  	[sflag:s8] =	ssyncset.s32 @!p0 $0xFFFFF086;
	s6 =	sadd.s32 @!p0 s3, s7;
	s7 =	simm.s32 @!p0 $0x108  }
0x21: {  	s3 =	sadd.s32 s3, s9;
	s6 =	sadd.s32 @!p0 $0x88, s6;
	s7 =	simm.s32 @p2 $0x1082  }
0x22: {  	[simem:s7], [sflag:s8] =	dma.local @!p0 [hbm:s6], $0xF7A  }
0x23: {  	s9 =	sor.u32 $0xD0000000, s2;
	s6 =	simm.s32 $0x108;
	_ =	swait.ge @!p0 [sflag:s8], $0x0  }
0x24: {  	s3 =	sadd.s32 $0x88, s3;
	s6 =	simm.s32 @!p1 $0x1082;
	[sflag:s4] =	ssyncset.s32 $0xFFFFF086  }
0x25: {  	[simem:s6], [sflag:s4] =	dma.local [hbm:s3], $0xF7A  }
0x26: {  	[smem:$0x3F97] =	sst s1;
	(tag) =	ssettag s2;
	_ =	strace s9  }
0x27: {  	s1 =	sld [smem:$0x3FA7]  }
0x28: {  	s2 =	sld [smem:$0x3FA8]  }
0x29: {  	s4 =	sld [smem:$0x3FAA]  }
0x2a: {  	p0 =	seq.s32 s5, $0x0;
	s5 =	sld [smem:$0x3FAB]  }
0x2b: {  	s6 =	sld [smem:$0x3FAC]  }
0x2c: {  	s7 =	sld [smem:$0x3FAD]  }
0x2d: {  	s3 =	simm.s32 $0x108;
	s8 =	sld [smem:$0x3FAE]  }
0x2e: {  	s3 =	simm.s32 @!p0 $0x1082;
	s9 =	sld [smem:$0x3FAF]  }
0x2f: {  	lr =	sadd.s32 s0, s3;
	s0 =	sld [smem:$0x3FA6]  }
0x30: {  	s3 =	sld [smem:$0x3FA9]  }
0x31: {  	[smem:$0x3FB2] =	sst s10  }
0x32: {  	s10 =	sld [smem:$0x3FB0];
	_ =	sdelay $0x3  }
0x33: {  	p0 =	seq.s32 s10, $0x1;
	s10 =	sld [smem:$0x3FB2];
	_ =	sdelay $0x3  }
0x34: {  	[smem:$0x3FB2] =	sst s10  }
0x35: {  	s10 =	sld [smem:$0x3FB1];
	_ =	sdelay $0x3  }
0x36: {  	p1 =	seq.s32 s10, $0x1;
	s10 =	sld [smem:$0x3FB2];
	_ =	sdelay $0x3  }
0x37: {  	[smem:$0x3FB2] =	sst s10  }
0x38: {  	s10 =	sld [smem:$0x3FB3]  }
0x39: {  	_ = 	snop;
	(pc) =	sbr.ind lr, $3  }
0x3a: {  	_ = 	snop  }
0x3b: {  	_ = 	snop  }
0x3c: {  	p2 =	seq.s32 s10, $0x1;
	s10 =	sld [smem:$0x3FB2]  }
0x3d: {  	_ =	shalt  }
0x3e: {  	_ =	shalt  }
0x3f: {  	_ =	shalt  }
0x40: {  	_ =	shalt  }
0x41: {  	_ =	shalt  }
0x42: {  	_ =	shalt  }
0x43: {  	_ =	shalt  }
0x44: {  	_ =	shalt  }
0x45: {  	_ =	shalt  }
0x46: {  	_ =	shalt  }
0x47: {  	_ =	shalt  }
0x48: {  	_ =	shalt  }
0x49: {  	_ =	shalt  }
0x4a: {  	_ =	shalt  }
0x4b: {  	_ =	shalt  }
0x4c: {  	_ =	shalt  }
0x4d: {  	_ =	shalt  }
0x4e: {  	_ =	shalt  }
0x4f: {  	_ =	shalt  }
0x50: {  	_ =	shalt  }
0x51: {  	_ =	shalt  }
0x52: {  	_ =	shalt  }
0x53: {  	_ =	shalt  }
0x54: {  	_ =	shalt  }
0x55: {  	_ =	shalt  }
0x56: {  	_ =	shalt  }
0x57: {  	_ =	shalt  }
0x58: {  	_ =	shalt  }
0x59: {  	_ =	shalt  }
0x5a: {  	_ =	shalt  }
0x5b: {  	_ =	shalt  }
0x5c: {  	_ =	shalt  }
0x5d: {  	_ =	shalt  }
0x5e: {  	_ =	shalt  }
0x5f: {  	_ =	shalt  }
0x60: {  	_ =	shalt  }
0x61: {  	_ =	shalt  }
0x62: {  	_ =	shalt  }
0x63: {  	_ =	shalt  }
0x64: {  	_ =	shalt  }
0x65: {  	_ =	shalt  }
0x66: {  	_ =	shalt  }
0x67: {  	_ =	shalt  }
0x68: {  	_ =	shalt  }
0x69: {  	_ =	shalt  }
0x6a: {  	_ =	shalt  }
0x6b: {  	_ =	shalt  }
0x6c: {  	_ =	shalt  }
0x6d: {  	_ =	shalt  }
0x6e: {  	_ =	shalt  }
0x6f: {  	_ =	shalt  }
0x70: {  	_ =	shalt  }
0x71: {  	_ =	shalt  }
0x72: {  	_ =	shalt  }
0x73: {  	_ =	shalt  }
0x74: {  	_ =	shalt  }
0x75: {  	_ =	shalt  }
0x76: {  	_ =	shalt  }
0x77: {  	_ =	shalt  }
0x78: {  	_ =	shalt  }
0x79: {  	_ =	shalt  }
0x7a: {  	_ =	shalt  }
0x7b: {  	_ =	shalt  }
0x7c: {  	_ =	shalt  }
0x7d: {  	_ =	shalt  }
0x7e: {  	_ =	shalt  }
0x7f: {  	_ =	shalt  }
0x80: {  	_ =	shalt  }
0x81: {  	_ =	shalt  }
0x82: {  	_ =	shalt  }
0x83: {  	_ =	shalt  }
0x84: {  	_ =	shalt  }
0x85: {  	_ =	shalt  }
0x86: {  	_ =	shalt  }
0x87: {  	_ =	shalt  }
.Lfunc_end0:
.L_simem_size_0:
called_computation.3_lowered:
.L_overlay_start_0:
0x88: {  	s2 =	sld [smem:$0x3FD9]  }
0x89: {  	s3 =	sld [smem:$0x3FFE];
	_ =	sdelay $0x1  }
0x8a: {  	s1 =	srdreg.scid  }
0x8b: {  	s0 =	sand.u32 $0x1, s1  }
0x8c: {  	s17 =	sshll.u32 s0, $0xA;
	s2 =	sadd.s32 s3, s2  }
0x8d: {  	s2 =	sadd.s32 s2, s17  }
0x8e: {  	[smem:$0x3FBE] =	sst s2  }
0x8f: {  	_ = 	snop  }
0x90: {  	s2 =	sld [smem:$0x3FD0];
	(tm) =	ssettm $0x1  }
0x91: {  	s18 =	sld [smem:$0x3FFB];
	_ =	sdelay $0x3  }
0x92: {  	_ =	strace s18  }
0x93: {  	s3 =	sld [smem:$0x3FFC];
	_ =	sdelay $0x3  }
0x94: {  	_ =	strace s3  }
0x95: {  	s3 =	sld [smem:$0x3FFD];
	_ =	sdelay $0x3  }
0x96: {  	_ =	strace s3  }
0x97: {  	_ =	strace $0x8FFFFFFF  }
0x98: {  	s19 =	sld [smem:$0x3FDB];
	_ =	sdelay $0x1  }
0x99: {  	s4 =	simm.s32 $_scs_section_size  }
0x9a: {  	s5 =	simm.s32 $_size__tile_overlayer_lowered;
	s6 =	simm.s32 $_tile_overlayer_lowered  }
0x9b: {  	s22 =	simm.s32 $0x1BFF;
	s21 =	sshll.u32 s6, $0x1;
	s3 =	sadd.s32 s4, s19  }
0x9c: {  	s7 =	simm.s32 $0x0;
	s20 =	sshll.u32 s5, $0x1;
	s5 =	sadd.s32 s21, s3  }
0x9d: {  	[timem:s7], [sflag:s22] =	dma.local [hbm:s5], s20  }
0x9e: {  	_ =	swait.ge [sflag:s22], s20  }
0x9f: {  	s4 =	ssub.s32 $0x0, s20;
	[sflag:s22] =	ssyncset.done $0x0  }
0xa0: {  	[sflag:s22] =	ssyncadd.s32 s4;
	_ =	sdelay $0x1  }
0xa1: {  	s23 =	simm.s32 $0x1B8B  }
0xa2: {  	_ =	swait.ge [sflag:s23], $0x1  }
0xa3: {  	[sflag:s23] =	ssyncset.done $0x0  }
0xa4: {  	s25 =	simm.s32 $0x1B8E;
	s24 =	sld [smem:$0x3FFE];
	[sflag:s23] =	ssyncadd.s32 $0xFFFFFFFF  }
0xa5: {  	s26 =	simm.s32 $execute0_lowered;
	[smem:$0x3FD2] =	sst s25  }
0xa6: {  	s5 =	sshll.u32 s26, $0x1;
	_ =	strace $0x8000004F;
	[dreg:$0x1] =	wrdreg $0xFFFFFFFF  }
0xa7: {  	s28 =	simm.s32 $_size_execute0_lowered;
	s3 =	sadd.s32 s3, s5;
	[dreg:$0x0] =	wrdreg $0x0  }
0xa8: {  	s5 =	sshll.u32 s28, $0x1;
	[dreg:$0x2] =	wrdreg s3  }
0xa9: {  	[dreg:$0x3] =	wrdreg s5  }
0xaa: {  	[dreg:$0x4] =	wrdreg $0xC0  }
0xab: {  	_ =	task [dreg:s7], $0x5FFFF  }
0xac: {  	[dreg:$0x1] =	wrdreg $0xFFFFFFFF  }
0xad: {  	[dreg:$0x0] =	wrdreg $0x60  }
0xae: {  	[dreg:$0x2] =	wrdreg s2  }
0xaf: {  	[dreg:$0x3] =	wrdreg s24  }
0xb0: {  	[dreg:$0x4] =	wrdreg $0x84000  }
0xb1: {  	[dreg:$0x5] =	wrdreg $0x9  }
0xb2: {  	_ =	task.clear_ibuf [dreg:s7], $0x6FFFF;
	_ =	strace $0x9000004F  }
0xb3: {  	s29 =	simm.s32 $0x9;
	_ =	strace $0x80000051  }
0xb4: {  	_ =	swait.ge [sflag:s29], $0x1  }
0xb5: {  	[sflag:s29] =	ssyncadd.s32 $0xFFFFFFFF  }
0xb6: {  	_ =	strace $0x90000051  }
0xb7: {  	_ =	sfence  }
0xb8: {  	s30 =	sld [smem:$0x0];
	_ =	sdelay $0x2  }
0xb9: {  	s31 =	sshll.u32 s1, $0xD;
	s1 =	sshrl.u32 s1, $0x2  }
0xba: {  	s3 =	sand.u32 $0x4000, s31;
	s1 =	sadd.s32 s1, s30  }
0xbb: {  	s0 =	sor.u32 s3, s0;
	s1 =	sshll.u32 s1, $0x11  }
0xbc: {  	s0 =	sor.u32 s1, s0  }
0xbd: {  	s0 =	sadd.s32 $0x8F2B, s0  }
0xbe: {  	[sflag:s0] =	ssyncadd.remote.s32 $0x1  }
0xbf: {  	_ =	sfence.sel $0xFFFF  }
0xc0: {  	[dreg:$0x0] =	wrdreg $0xFFFFFFFF;
	(pc) =	sbr.abs _section_cstart, $3  }
0xc1: {  	[dreg:$0x1] =	wrdreg $0xFFFFFFFF  }
0xc2: {  	_ =	task.clear_ibuf [dreg:s7], $0x2FFFF;
	_ =	strace $0x9FFFFFFF  }
0xc3: {  	(tm) =	ssettm $0x7FFFFFFF  }
tec
execute0_lowered:
.L_overlay_start_1:
0x0: {  	(tag) =	ssettag $0x1  }
0x1: {  	s1 =	rddreg [dreg:$0x0]  }
0x2: {  	s0 =	rddreg [dreg:$0x1]  }
0x3: {  	s2 =	rddreg [dreg:$0x2]  }
0x4: {  	s3 =	srdreg.scid;
	s4 =	simm.s32 $0x0;
	s28 =	simm.s32 $0x300  }
0x5: {  	s29 =	simm.s32 $0x1;
	s30 =	simm.s32 $0x4400;
	s31 =	simm.s32 $0x180  }
0x6: {  	s5 =	sand.u32 $0x1, s3;
	s3 =	stileid.u32;
	[smem:$0x7FF] =	sst s4  }
0x7: {  	s8 =	sadd.s32 $0x16E00, s0;
	s10 =	sadd.s32 $0x2E00, s0;
	s20 =	sadd.s32 $0xCE00, s0  }
0x8: {  	s0 =	sadd.s32 $0x3E000, s0;
	s6 =	sshll.u32 s5, $0x4;
	s9 =	smul.u32 $0x270, s3  }
0x9: {  	_ =	strace $0x80000050;
	s7 =	ssub.s32 $0x2, s5;
	s26 =	smul.u32 $0x4F000, s3  }
0xa: {  	p3 =	seq.s32 s5, $0x1;
	s6 =	sor.u32 s3, s6;
	s11 =	sshrl.u32 s7, $0x1  }
0xb: {  	p1 =	sgt.u32 @p3 s3, $0x1;
	p4 =	sgt.u32 @!p3 s3, $0x1;
	s6 =	smul.u32 $0x2800, s6  }
0xc: {  	s17 =	ssub.s32 s7, s11;
	s9 =	sadd.s32 $0x10, s9;
	s15 =	sshrl.u32 s26, $0x2  }
0xd: {  	p0 =	por !p1, !p3;
	p1 =	por p1, !p3;
	p2 =	por !p4, p3  }
0xe: {  	p3 =	por p4, p3;
	p4 =	sgt.u32 s3, $0x1;
	s14 =	sshll.u32 s9, $0x7  }
0xf: {  	s12 =	sshll.u32 s9, $0x4;
	s9 =	sadd.s32 s15, s2;
	s15 =	smul.u32 $0x138800, s5  }
0x10: {  	s5 =	smul.u32 $0x28000, s5;
	s17 =	smax.u32 s17, $0x1;
	s16 =	sadd.s32 s1, s12  }
0x11: {  	s6 =	sshrl.u32 s6, $0x3;
	s19 =	sadd.s32 s8, s12;
	[dreg:$0x6] =	wrdreg s16  }
0x12: {  	s7 =	sadd.s32 s14, s2;
	s25 =	sadd.s32 s10, s6;
	[dreg:$0x8] =	wrdreg s19  }
0x13: {  	s13 =	sadd.s32 s20, s6;
	s16 =	smul.u32 $0x13C00, s3;
	[dreg:$0x4] =	wrdreg s25  }
0x14: {  	s6 =	sor.u32 $0x20, s6;
	s22 =	sadd.s32 s15, s14;
	[dreg:$0x5] =	wrdreg s13  }
0x15: {  	s13 =	smul.u32 $0x2780, s3;
	s21 =	sadd.s32 s10, s6;
	s14 =	sadd.s32 s20, s6  }
0x16: {  	s23 =	sshrl.u32 s22, $0x3;
	s22 =	simm.s32 $0x100;
	s6 =	simm.s32 $0x380  }
0x17: {  	[dreg:$0xa] =	wrdreg s21;
	s24 =	sadd.s32 s16, s15;
	s15 =	sadd.s32 s0, s23  }
0x18: {  	s23 =	simm.s32 $0x2;
	s18 =	sadd.s32 s1, s13;
	s8 =	sadd.s32 s8, s13  }
0x19: {  	s25 =	sshrl.u32 s24, $0x3;
	[dreg:$0x7] =	wrdreg s18;
	s18 =	smul.u32 $0x2800, s3  }
0x1a: {  	s24 =	simm.s32 $0x80;
	[dreg:$0x9] =	wrdreg s8;
	s16 =	sadd.s32 s0, s25  }
.Ltmp0:
0x1b: {  	s25 =	simm.s32 $0x400;
	s5 =	sadd.s32 s18, s5;
	(pc) =	sbr.rel .LBB2_1-.Ltmp0, $4  }
0x1c: {  	s8 =	simm.s32 $0x0;
	s26 =	sor.u32 $0x200, s5;
	s5 =	sor.u32 $0x100, s5  }
0x1d: {  	s0 =	sshrl.u32 s26, $0x3;
	s5 =	sshrl.u32 s5, $0x3;
	s26 =	simm.s32 $0x200  }
0x1e: {  	s18 =	sadd.s32 s0, s20;
	s19 =	sadd.s32 s0, s10;
	s20 =	sadd.s32 s5, s20  }
0x1f: {  	s21 =	sadd.s32 s5, s10;
	s0 =	simm.s32 $0x3;
	s5 =	simm.s32 $0x280  }
.LBB2_4:
0x20: {  	[tilespmem:s30], [sflag:$0x1] =	stream.indirect.gather [hbm4b:s1+s24], $0x80, s5, s24, $0xb8;
	[tilespmem:$0x1DC80] =	vst v63  }
0x21: {  	_ =	swait.ge [sflag:s29], $0x4000  }
0x22: {  	[sflag:s29] =	ssyncset.done $0x0  }
0x23: {  	[sflag:s29] =	ssyncadd.s32 $0xFFFFC000  }
0x24: {  	[spmem:s2] =	stream.indirect.scatter.add.f32 [tilespmem:s30], [sflag:$0x3], $0x80, s6, s24, $0xb8;
	[tilespmem:$0x1DC80] =	vst v63  }
0x25: {  	_ =	swait.ge [sflag:s0], $0x4000  }
0x26: {  	[sflag:s0] =	ssyncset.done $0x0  }
0x27: {  	[sflag:s0] =	ssyncadd.s32 $0xFFFFC000  }
0x28: {  	_ =	swait.ge [sflag:s0], $0x4000  }
0x29: {  	[sflag:s0] =	ssyncset.done $0x0  }
0x2a: {  	s10 =	sshll.u32 @p4 s3, $0x6;
	[sflag:s0] =	ssyncadd.s32 $0xFFFFC000  }
0x2b: {  	s11 =	sshrl.u32 @p4 s7, $0x3;
	s10 =	sor.u32 @p4 $0x1C04, s10;
	[bflag:$0x0] =	sbarrier.arrive $0xFFFF  }
0x2c: {  	[hbm:s15], [sflag:s10] =	dma.local @p4 [spmem:s11], $0x2700  }
0x2d: {  	s10 =	simm.s32 @p4 $0x4  }
0x2e: {  	s8 =	sadd.s32 $0x1, s8;
	_ =	swait.ge @p4 [sflag:s10], $0x2700  }
0x2f: {  	p5 =	sne.s32 s8, s17;
	s11 =	sshll.u32 @!p4 s3, $0x6;
	[sflag:s10] =	ssyncset.done @p4 $0x0  }
0x30: {  	[sflag:s10] =	ssyncadd.s32 @p4 $0xFFFFD900;
	s10 =	sor.u32 @!p4 $0x1C04, s11;
	s11 =	sshrl.u32 @!p4 s9, $0x3  }
0x31: {  	[hbm:s16], [sflag:s10] =	dma.local @!p4 [spmem:s11], $0x2780  }
.Ltmp1:
0x32: {  	_ = 	snop;
	(pc) =	sbr.rel @!p5 .LBB2_5-.Ltmp1, $4  }
0x33: {  	s10 =	simm.s32 @!p4 $0x4  }
0x34: {  	_ =	swait.ge @!p4 [sflag:s10], $0x2780  }
0x35: {  	[sflag:s10] =	ssyncset.done @!p4 $0x0  }
0x36: {  	[sflag:s10] =	ssyncadd.s32 @!p4 $0xFFFFD880  }
.LBB2_1:
0x37: {  	s10 =	rddreg [dreg:$0x4]  }
0x38: {  	[tilespmem:s4], [sflag:$0x2] =	stream.linear.gather [hbm4b:s10+s4], $0x100, $0x38;
	[tilespmem:$0x1DC80] =	vst v63  }
0x39: {  	s12 =	rddreg [dreg:$0x5];
	s10 =	sshll.u32 @!p0 s3, $0x6  }
0x3a: {  	[tilespmem:s22], [sflag:$0x2] =	stream.linear.gather [hbm4b:s12+s4], $0x100, $0x38;
	[tilespmem:$0x1DC80] =	vst v63  }
0x3b: {  	s11 =	sshrl.u32 @!p0 s7, $0x3;
	s10 =	sor.u32 @!p0 $0x1C04, s10;
	s12 =	rddreg [dreg:$0x8]  }
0x3c: {  	[spmem:s11], [sflag:s10] =	dma.local @!p0 [hbm:s12], $0x2700  }
0x3d: {  	s10 =	simm.s32 @!p0 $0x4  }
0x3e: {  	_ =	swait.ge @!p0 [sflag:s10], $0x2700  }
0x3f: {  	s11 =	sshll.u32 @!p1 s3, $0x6;
	[sflag:s10] =	ssyncset.done @!p0 $0x0;
	s12 =	rddreg [dreg:$0x9]  }
0x40: {  	[sflag:s10] =	ssyncadd.s32 @!p0 $0xFFFFD900;
	s10 =	sor.u32 @!p1 $0x1C04, s11;
	s11 =	sshrl.u32 @!p1 s9, $0x3  }
0x41: {  	[spmem:s11], [sflag:s10] =	dma.local @!p1 [hbm:s12], $0x2780  }
0x42: {  	s10 =	simm.s32 @!p1 $0x4  }
0x43: {  	_ =	swait.ge @!p1 [sflag:s10], $0x2780  }
0x44: {  	s11 =	sshll.u32 @!p2 s3, $0x6;
	[sflag:s10] =	ssyncset.done @!p1 $0x0;
	s12 =	rddreg [dreg:$0x6]  }
0x45: {  	[sflag:s10] =	ssyncadd.s32 @!p1 $0xFFFFD880;
	s10 =	sor.u32 @!p2 $0x1C04, s11;
	s11 =	sshrl.u32 @!p2 s7, $0x3  }
0x46: {  	[spmem:s11], [sflag:s10] =	dma.local @!p2 [hbm:s12], $0x2700  }
0x47: {  	s10 =	simm.s32 @!p2 $0x4  }
0x48: {  	_ =	swait.ge @!p2 [sflag:s10], $0x2700  }
0x49: {  	s11 =	sshll.u32 @!p3 s3, $0x6;
	[sflag:s10] =	ssyncset.done @!p2 $0x0;
	s12 =	rddreg [dreg:$0x7]  }
0x4a: {  	[sflag:s10] =	ssyncadd.s32 @!p2 $0xFFFFD900;
	s10 =	sor.u32 @!p3 $0x1C04, s11;
	s11 =	sshrl.u32 @!p3 s9, $0x3  }
0x4b: {  	[spmem:s11], [sflag:s10] =	dma.local @!p3 [hbm:s12], $0x2780  }
0x4c: {  	s10 =	simm.s32 @!p3 $0x4  }
0x4d: {  	_ =	swait.ge @!p3 [sflag:s10], $0x2780  }
0x4e: {  	[sflag:s10] =	ssyncset.done @!p3 $0x0  }
0x4f: {  	[sflag:s10] =	ssyncadd.s32 @!p3 $0xFFFFD880  }
0x50: {  	_ =	swait.ge [sflag:s23], $0x100  }
0x51: {  	[sflag:s23] =	ssyncset.done $0x0  }
0x52: {  	[sflag:s23] =	ssyncadd.s32 $0xFFFFFF00  }
0x53: {  	_ =	swait.ge [sflag:s23], $0x100  }
0x54: {  	[sflag:s23] =	ssyncset.done $0x0  }
0x55: {  	[sflag:s23] =	ssyncadd.s32 $0xFFFFFF00  }
0x56: {  	[bflag:$0x0] =	sbarrier.arrive $0xFFFF  }
0x57: {  	[tilespmem:s25], [sflag:$0x1] =	stream.indirect.gather [hbm4b:s1+s24], $0x80, s4, s24, $0xb8;
	[tilespmem:$0x1DC80] =	vst v63  }
0x58: {  	s13 =	rddreg [dreg:$0xa]  }
0x59: {  	[tilespmem:s26], [sflag:$0x2] =	stream.linear.gather [hbm4b:s13+s4], $0x100, $0x38;
	[tilespmem:$0x1DC80] =	vst v63  }
0x5a: {  	s10 =	simm.s32 $0x0  }
0x5b: {  	[tilespmem:s28], [sflag:$0x2] =	stream.linear.gather [hbm4b:s14+s4], $0x100, $0x38;
	[tilespmem:$0x1DC80] =	vst v63  }
.LBB2_2:
0x5c: {  	_ =	swait.ge [sflag:s29], $0x4000  }
0x5d: {  	p5 =	seq.s32 s10, $0x0;
	[sflag:s29] =	ssyncset.done $0x0  }
0x5e: {  	s11 =	simm.s32 @!p5 $0x3;
	[sflag:s29] =	ssyncadd.s32 $0xFFFFC000  }
0x5f: {  	[spmem:s2] =	stream.indirect.scatter.add.f32 [tilespmem:s25], [sflag:$0x3], $0x80, s22, s24, $0xb8;
	[tilespmem:$0x1DC80] =	vst v63  }
0x60: {  	_ =	swait.ge @!p5 [sflag:s11], $0x4000  }
0x61: {  	s12 =	simm.s32 @!p5 $0x0;
	[sflag:s11] =	ssyncset.done @!p5 $0x0  }
0x62: {  	s13 =	simm.s32 @!p5 $0x200;
	[sflag:s11] =	ssyncadd.s32 @!p5 $0xFFFFC000;
	s11 =	sadd.s32 @!p5 s10, s21  }
0x63: {  	[tilespmem:s13], [sflag:$0x2] =	stream.linear.gather @!p5 [hbm4b:s11+s12], $0x100, $0x38;
	[tilespmem:$0x1DC80] =	vst v63  }
0x64: {  	s11 =	sadd.s32 @!p5 s10, s20;
	s13 =	simm.s32 @!p5 $0x300  }
0x65: {  	[tilespmem:s13], [sflag:$0x2] =	stream.linear.gather @!p5 [hbm4b:s11+s12], $0x100, $0x38;
	[tilespmem:$0x1DC80] =	vst v63  }
0x66: {  	_ = 	snop  }
0x67: {  	[tilespmem:s30], [sflag:$0x1] =	stream.indirect.gather [hbm4b:s1+s24], $0x80, s24, s24, $0xb8;
	[tilespmem:$0x1DC80] =	vst v63  }
0x68: {  	_ =	swait.ge [sflag:s29], $0x4000  }
0x69: {  	[sflag:s29] =	ssyncset.done $0x0  }
0x6a: {  	[sflag:s29] =	ssyncadd.s32 $0xFFFFC000  }
0x6b: {  	[spmem:s2] =	stream.indirect.scatter.add.f32 [tilespmem:s30], [sflag:$0x3], $0x80, s31, s24, $0xb8;
	[tilespmem:$0x1DC80] =	vst v63  }
0x6c: {  	_ =	swait.ge [sflag:s0], $0x4000  }
0x6d: {  	[sflag:s0] =	ssyncset.done $0x0  }
0x6e: {  	[sflag:s0] =	ssyncadd.s32 $0xFFFFC000  }
0x6f: {  	_ =	swait.ge [sflag:s23], $0x100  }
0x70: {  	[sflag:s23] =	ssyncset.done $0x0  }
0x71: {  	[sflag:s23] =	ssyncadd.s32 $0xFFFFFF00  }
0x72: {  	_ =	swait.ge [sflag:s23], $0x100  }
0x73: {  	[sflag:s23] =	ssyncset.done $0x0  }
0x74: {  	[sflag:s23] =	ssyncadd.s32 $0xFFFFFF00  }
0x75: {  	[tilespmem:s25], [sflag:$0x1] =	stream.indirect.gather [hbm4b:s1+s24], $0x80, s26, s24, $0xb8;
	[tilespmem:$0x1DC80] =	vst v63  }
0x76: {  	_ =	swait.ge [sflag:s29], $0x4000  }
0x77: {  	p5 =	seq.s32 s10, $0x4C0;
	[sflag:s29] =	ssyncset.done $0x0  }
.Ltmp2:
0x78: {  	[sflag:s29] =	ssyncadd.s32 $0xFFFFC000;
	(pc) =	sbr.rel @p5 .LBB2_4-.Ltmp2, $4  }
0x79: {  	[spmem:s2] =	stream.indirect.scatter.add.f32 [tilespmem:s25], [sflag:$0x3], $0x80, s28, s24, $0xb8;
	[tilespmem:$0x1DC80] =	vst v63  }
0x7a: {  	_ =	swait.ge [sflag:s0], $0x4000  }
0x7b: {  	[sflag:s0] =	ssyncset.done $0x0  }
0x7c: {  	[sflag:s0] =	ssyncadd.s32 $0xFFFFC000  }
0x7d: {  	s11 =	sadd.s32 s10, s19  }
0x7e: {  	[tilespmem:s4], [sflag:$0x2] =	stream.linear.gather [hbm4b:s11+s4], $0x100, $0x38;
	[tilespmem:$0x1DC80] =	vst v63  }
0x7f: {  	s13 =	sadd.s32 s10, s18  }
0x80: {  	[tilespmem:s22], [sflag:$0x2] =	stream.linear.gather [hbm4b:s13+s4], $0x100, $0x38;
	[tilespmem:$0x1DC80] =	vst v63  }
0x81: {  	_ = 	snop  }
0x82: {  	[tilespmem:s30], [sflag:$0x1] =	stream.indirect.gather [hbm4b:s1+s24], $0x80, s5, s24, $0xb8;
	[tilespmem:$0x1DC80] =	vst v63  }
0x83: {  	_ =	swait.ge [sflag:s29], $0x4000  }
0x84: {  	[sflag:s29] =	ssyncset.done $0x0  }
0x85: {  	[sflag:s29] =	ssyncadd.s32 $0xFFFFC000  }
0x86: {  	[spmem:s2] =	stream.indirect.scatter.add.f32 [tilespmem:s30], [sflag:$0x3], $0x80, s6, s24, $0xb8;
	[tilespmem:$0x1DC80] =	vst v63  }
0x87: {  	_ =	swait.ge [sflag:s0], $0x4000  }
0x88: {  	[sflag:s0] =	ssyncset.done $0x0  }
0x89: {  	[sflag:s0] =	ssyncadd.s32 $0xFFFFC000  }
0x8a: {  	_ =	swait.ge [sflag:s23], $0x100  }
0x8b: {  	[sflag:s23] =	ssyncset.done $0x0  }
.Ltmp3:
0x8c: {  	[sflag:s23] =	ssyncadd.s32 $0xFFFFFF00;
	(pc) =	sbr.rel .LBB2_2-.Ltmp3, $4  }
0x8d: {  	_ =	swait.ge [sflag:s23], $0x100  }
0x8e: {  	[sflag:s23] =	ssyncset.done $0x0  }
0x8f: {  	s10 =	sadd.s32 $0x40, s10;
	[sflag:s23] =	ssyncadd.s32 $0xFFFFFF00  }
0x90: {  	[tilespmem:s25], [sflag:$0x1] =	stream.indirect.gather [hbm4b:s1+s24], $0x80, s4, s24, $0xb8;
	[tilespmem:$0x1DC80] =	vst v63  }
.LBB2_5:
0x91: {  	_ =	sfence.sel $0x180000  }
0x92: {  	[bflag:$0x0] =	sbarrier.arrive $0xFFFF  }
0x93: {  	_ =	strace $0x90000050  }
0x94: {  	[bflag:$0x2] =	sbarrier.arrive $0xFFFF  }
0x95: {  	p0 =	sne.s32 s3, $0x0;
	s0 =	rddreg [dreg:$0x3]  }
0x96: {  	s0 =	sadd.s32 @!p0 $0x100000, s0  }
0x97: {  	[sflag:s0] =	ssyncadd.tile.s32 @!p0 $0x1;
	_ =	shalt  }
.Lfunc_end2:
_tile_overlayer_lowered:
.L_overlay_start_2:
0x98: {  	(tag) =	ssettag $0x2  }
0x99: {  	s0 =	rddreg [dreg:$0x0];
	s2 =	stileid.u32  }
0x9a: {  	s1 =	rddreg [dreg:$0x1];
	p0 =	sne.s32 s2, $0x0  }
0x9b: {  	s3 =	rddreg [dreg:$0x2];
	[bflag:$0x3] =	sbarrier.arrive $0xFFFF;
	s2 =	simm.s32 @!p0 $0x1C04  }
0x9c: {  	[timem:s3], [sflag:s2] =	dma.local @!p0 [hbm:s0], s1  }
0x9d: {  	s0 =	simm.s32 @!p0 $0x4  }
0x9e: {  	_ =	swait.ge @!p0 [sflag:s0], s1  }
0x9f: {  	s1 =	ssub.s32 @!p0 $0x0, s1;
	[sflag:s0] =	ssyncset.done @!p0 $0x0  }
0xa0: {  	[sflag:s0] =	ssyncadd.s32 @!p0 s1  }
0xa1: {  	[bflag:$0x3] =	sbarrier.arrive $0xFFFF  }
0xa2: {  	_ =	shalt  }

</sc_bundles>
